<compile_context>
chip_gen: v7x
topology: tpu7x:2x2x1
jax: 0.10.2.dev20260603
libtpu: 0.0.44.dev20260713+nightly
codegen_flags: <defaults>
</compile_context>

<pallas_src>
import functools

import jax
import jax.numpy as jnp
from jax import lax
from jax.experimental import pallas as pl
from jax.experimental.pallas import tpu as pltpu
from jax.experimental.pallas import tpu_sc as plsc

_B, _L, _D = 16384, 200, 8
_NW = 32
_BS = _B // _NW
_LC = 8
_NCH = _L // _LC
_NBV = _BS // 16

_mesh = plsc.VectorSubcoreMesh(core_axis_name="c", subcore_axis_name="s")


@functools.partial(
    pl.kernel,
    mesh=_mesh,
    out_type=jax.ShapeDtypeStruct((_L * _D, _B), jnp.float32),
    scratch_types=[
        pltpu.VMEM((_D, 33), jnp.float32),
        pltpu.VMEM((2, _LC, _BS), jnp.int32),
        pltpu.VMEM((2, _LC * _D, _BS), jnp.float32),
        pltpu.SemaphoreType.DMA((2,)),
        pltpu.SemaphoreType.DMA((2,)),
    ],
    compiler_params=pltpu.CompilerParams(
        needs_layout_passes=False,
        disable_bounds_checks=True,
    ),
)
def _lookup(xt_hbm, wt_hbm, out_hbm, wt_v, idx_v, stage_v, isem, osem):
    wid = lax.axis_index("s") * 2 + lax.axis_index("c")
    b0 = wid * _BS

    pltpu.sync_copy(wt_hbm, wt_v)

    dsplat = [jnp.full((16,), d, jnp.int32) for d in range(_D)]

    def issue_in(ci, buf):
        pltpu.async_copy(
            xt_hbm.at[pl.ds(ci * _LC, _LC), pl.ds(b0, _BS)],
            idx_v.at[buf],
            isem.at[buf],
        )

    def wait_in(buf):
        pltpu.make_async_copy(
            xt_hbm.at[pl.ds(0, _LC), pl.ds(b0, _BS)],
            idx_v.at[buf],
            isem.at[buf],
        ).wait()

    def issue_out(ci, buf):
        pltpu.async_copy(
            stage_v.at[buf],
            out_hbm.at[pl.ds(ci * _LC * _D, _LC * _D), pl.ds(b0, _BS)],
            osem.at[buf],
        )

    def wait_out(buf):
        pltpu.make_async_copy(
            stage_v.at[buf],
            out_hbm.at[pl.ds(0, _LC * _D), pl.ds(b0, _BS)],
            osem.at[buf],
        ).wait()

    issue_in(0, 0)

    def chunk(ci, carry):
        buf = lax.rem(ci, 2)

        @pl.when(ci + 1 < _NCH)
        def _prefetch():
            issue_in(ci + 1, 1 - buf)

        wait_in(buf)

        @pl.when(ci >= 2)
        def _wait_prev_out():
            wait_out(buf)

        for l in range(_LC):
            @plsc.parallel_loop(0, _NBV, unroll=4)
            def _bv(k):
                bo = k * 16
                xv = idx_v[buf, l, pl.ds(bo, 16)]
                for d in range(_D):
                    val = plsc.load_gather(wt_v, [dsplat[d], xv])
                    stage_v[buf, l * _D + d, pl.ds(bo, 16)] = val

        issue_out(ci, buf)
        return carry

    lax.fori_loop(0, _NCH, chunk, 0)

    wait_out((_NCH - 2) % 2)
    wait_out((_NCH - 1) % 2)


def kernel(x, W):
    out2 = _lookup(x.T, W.T)
    return out2.reshape(_L, _D, _B).transpose(2, 0, 1)

# --- scband reference (transcript-rebuilt; emitter-appended) ---
"""Pipeline reference for scband-spherical-code-55568286876043 (READ-ONLY COPY).

The authoritative reference and input builder live on the scoring server;
editing this copy changes nothing except your own understanding.
"""

import jax, jax.numpy as jnp
import numpy as np

_CODE = np.array([
    [0.0, 0.0, 0.0, 0.0, 0.0, 0.0, 0.0, 0.0],
    [0.0, 0.0, 0.0, 0.0, 0.0, -1.0, 1.0, 1.0],
    [0.0, 0.0, 0.0, 0.0, 0.0, 1.0, -1.0, 1.0],
    [0.0, 0.0, 0.0, 0.0, 0.0, 1.0, 1.0, -1.0],
    [0.0, 0.0, 0.0, 0.0, 0.0, 1.0, 1.0, 1.0],
    [0.0, 0.0, 0.0, -1.0, 1.0, 0.0, 0.0, 1.0],
    [0.0, 0.0, 0.0, 1.0, -1.0, 0.0, 0.0, 1.0],
    [0.0, 0.0, 0.0, 1.0, 1.0, 0.0, 0.0, -1.0],
    [0.0, 0.0, 0.0, 1.0, 1.0, 0.0, 0.0, 1.0],
    [0.0, 0.0, -1.0, 0.0, 1.0, 0.0, 1.0, 0.0],
    [0.0, 0.0, 1.0, 0.0, -1.0, 0.0, 1.0, 0.0],
    [0.0, 0.0, 1.0, 0.0, 1.0, 0.0, -1.0, 0.0],
    [0.0, 0.0, 1.0, 0.0, 1.0, 0.0, 1.0, 0.0],
    [0.0, -1.0, 0.0, 0.0, 1.0, 1.0, 0.0, 0.0],
    [0.0, 1.0, 0.0, 0.0, -1.0, 1.0, 0.0, 0.0],
    [0.0, 1.0, 0.0, 0.0, 1.0, -1.0, 0.0, 0.0],
    [0.0, 1.0, 0.0, 0.0, 1.0, 1.0, 0.0, 0.0],
    [0.0, -1.0, 1.0, 1.0, 0.0, 0.0, 0.0, 0.0],
    [0.0, 1.0, -1.0, 1.0, 0.0, 0.0, 0.0, 0.0],
    [0.0, 1.0, 1.0, -1.0, 0.0, 0.0, 0.0, 0.0],
    [0.0, 1.0, 1.0, 1.0, 0.0, 0.0, 0.0, 0.0],
    [-1.0, 0.0, 0.0, 1.0, 0.0, 0.0, 1.0, 0.0],
    [1.0, 0.0, 0.0, -1.0, 0.0, 0.0, 1.0, 0.0],
    [1.0, 0.0, 0.0, 1.0, 0.0, 0.0, -1.0, 0.0],
    [1.0, 0.0, 0.0, 1.0, 0.0, 0.0, 1.0, 0.0],
    [-1.0, 0.0, 1.0, 0.0, 0.0, 1.0, 0.0, 0.0],
    [1.0, 0.0, -1.0, 0.0, 0.0, 1.0, 0.0, 0.0],
    [1.0, 0.0, 1.0, 0.0, 0.0, -1.0, 0.0, 0.0],
    [1.0, 0.0, 1.0, 0.0, 0.0, 1.0, 0.0, 0.0],
    [-1.0, 1.0, 0.0, 0.0, 0.0, 0.0, 0.0, 1.0],
    [1.0, -1.0, 0.0, 0.0, 0.0, 0.0, 0.0, 1.0],
    [1.0, 1.0, 0.0, 0.0, 0.0, 0.0, 0.0, -1.0],
    [1.0, 1.0, 0.0, 0.0, 0.0, 0.0, 0.0, 1.0],
], dtype=np.float32)


def _build_table(dim=8):
    W = np.zeros((33, dim), dtype=np.float32)
    W[:, :8] = _CODE
    return jnp.asarray(W)


def setup_inputs(seed: int = 0) -> dict:
    key = jax.random.key(seed)
    x = jax.random.randint(key, (16384, 200), 0, 33, dtype=jnp.int32)
    W = _build_table(dim=8)
    return {"x": x, "W": W}


def reference(x, W):
    # nn.Embedding lookup: out[b, l] = W[x[b, l]]
    return jnp.take(W, x, axis=0)

if __name__ == "__main__":
    import jax
    _d = setup_inputs()
    print(jax.jit(kernel)(*tuple(_d.values())))

</pallas_src>

<mosaic_0001>
#map = affine_map<(d0, d1) -> (0, 0)>
module attributes {stable_mosaic.version = 14 : i64} {
  func.func @_lookup(%arg0: i32, %arg1: i32, %arg2: memref<200x16384xi32, #tpu.memory_space<hbm>>, %arg3: memref<8x33xf32, #tpu.memory_space<hbm>>, %arg4: memref<1600x16384xf32, #tpu.memory_space<hbm>>, %arg5: memref<8x33xf32, #tpu.memory_space<vmem>>, %arg6: memref<2x8x512xi32, #tpu.memory_space<vmem>>, %arg7: memref<2x64x512xf32, #tpu.memory_space<vmem>>, %arg8: memref<2x!tpu.dma_semaphore, #tpu.memory_space<semaphore_mem>>, %arg9: memref<2x!tpu.dma_semaphore, #tpu.memory_space<semaphore_mem>>) attributes {dimension_semantics = [#tpu.dimension_semantics<core_parallel>, #tpu.dimension_semantics<subcore_parallel>], iteration_bounds = array<i64: 2, 16>, scalar_prefetch = 0 : i64, scratch_operands = 5 : i64, tpu.core_type = #tpu.core_type<sc_vector_subcore>, window_params = [{transform_indices = #map}, {transform_indices = #map}, {transform_indices = #map}]} {
    %mul3A = arith.constant 2 : i32
    %mul3A_0 = arith.muli %arg1, %mul3A : i32
    %add3A = arith.addi %mul3A_0, %arg0 : i32
    %mul3A_1 = arith.constant 512 : i32
    %mul3A_2 = arith.muli %add3A, %mul3A_1 : i32
    "tpu.region"() ({
      %run_scoped3A = tpu.sem_alloc : memref<!tpu.dma_semaphore, #tpu.memory_space<semaphore_mem>>
      tpu.enqueue_dma source(%arg3 : memref<8x33xf32, #tpu.memory_space<hbm>>) target(%arg5 : memref<8x33xf32, #tpu.memory_space<vmem>>) target_semaphore(%run_scoped3A : memref<!tpu.dma_semaphore, #tpu.memory_space<semaphore_mem>>)
      tpu.wait_dma2 semaphore(%run_scoped3A : memref<!tpu.dma_semaphore, #tpu.memory_space<semaphore_mem>>) src(%arg3 : memref<8x33xf32, #tpu.memory_space<hbm>>) dst(%arg5 : memref<8x33xf32, #tpu.memory_space<vmem>>)
      tpu.yield
    }) : () -> ()
    %broadcast_in_dim3A = arith.constant 0 : i32
    %broadcast_in_dim3A_3 = vector.broadcast %broadcast_in_dim3A : i32 to vector<16xi32>
    %broadcast_in_dim3A_4 = arith.constant 1 : i32
    %broadcast_in_dim3A_5 = vector.broadcast %broadcast_in_dim3A_4 : i32 to vector<16xi32>
    %broadcast_in_dim3A_6 = arith.constant 2 : i32
    %broadcast_in_dim3A_7 = vector.broadcast %broadcast_in_dim3A_6 : i32 to vector<16xi32>
    %broadcast_in_dim3A_8 = arith.constant 3 : i32
    %broadcast_in_dim3A_9 = vector.broadcast %broadcast_in_dim3A_8 : i32 to vector<16xi32>
    %broadcast_in_dim3A_10 = arith.constant 4 : i32
    %broadcast_in_dim3A_11 = vector.broadcast %broadcast_in_dim3A_10 : i32 to vector<16xi32>
    %broadcast_in_dim3A_12 = arith.constant 5 : i32
    %broadcast_in_dim3A_13 = vector.broadcast %broadcast_in_dim3A_12 : i32 to vector<16xi32>
    %broadcast_in_dim3A_14 = arith.constant 6 : i32
    %broadcast_in_dim3A_15 = vector.broadcast %broadcast_in_dim3A_14 : i32 to vector<16xi32>
    %broadcast_in_dim3A_16 = arith.constant 7 : i32
    %broadcast_in_dim3A_17 = vector.broadcast %broadcast_in_dim3A_16 : i32 to vector<16xi32>
    %dma_start3A = arith.constant 0 : i32
    %dma_start3A_18 = arith.constant 0 : i32
    %dma_start3A_19 = arith.constant 0 : i32
    %dma_start3A_20 = arith.constant 0 : i32
    %dma_start3A_21 = tpu.memref_slice %arg6[%dma_start3A, %dma_start3A_19, %dma_start3A_20] : memref<2x8x512xi32, #tpu.memory_space<vmem>> -> memref<1x8x512xi32, #tpu.memory_space<vmem>>
    %dma_start3A_22 = tpu.memref_squeeze %dma_start3A_21 : memref<1x8x512xi32, #tpu.memory_space<vmem>> -> memref<8x512xi32, #tpu.memory_space<vmem>>
    %dma_start3A_23 = arith.constant 0 : i32
    %dma_start3A_24 = tpu.memref_slice %arg2[%dma_start3A_23, %mul3A_2] : memref<200x16384xi32, #tpu.memory_space<hbm>> -> memref<8x512xi32, #tpu.memory_space<hbm>>
    %dma_start3A_25 = tpu.memref_slice %arg8[%dma_start3A_18] : memref<2x!tpu.dma_semaphore, #tpu.memory_space<semaphore_mem>> -> memref<1x!tpu.dma_semaphore, #tpu.memory_space<semaphore_mem>>
    %dma_start3A_26 = tpu.memref_squeeze %dma_start3A_25 : memref<1x!tpu.dma_semaphore, #tpu.memory_space<semaphore_mem>> -> memref<!tpu.dma_semaphore, #tpu.memory_space<semaphore_mem>>
    %dma_start3A_27 = arith.constant 0 : i32
    %dma_start3A_28 = arith.constant 0 : i32
    %dma_start3A_29 = tpu.memref_slice %arg6[%dma_start3A, %dma_start3A_27, %dma_start3A_28] : memref<2x8x512xi32, #tpu.memory_space<vmem>> -> memref<1x8x512xi32, #tpu.memory_space<vmem>>
    %dma_start3A_30 = tpu.memref_squeeze %dma_start3A_29 : memref<1x8x512xi32, #tpu.memory_space<vmem>> -> memref<8x512xi32, #tpu.memory_space<vmem>>
    %dma_start3A_31 = arith.constant 0 : i32
    %dma_start3A_32 = tpu.memref_slice %arg2[%dma_start3A_31, %mul3A_2] : memref<200x16384xi32, #tpu.memory_space<hbm>> -> memref<8x512xi32, #tpu.memory_space<hbm>>
    tpu.enqueue_dma source(%dma_start3A_32 : memref<8x512xi32, #tpu.memory_space<hbm>>) target(%dma_start3A_30 : memref<8x512xi32, #tpu.memory_space<vmem>>) target_semaphore(%dma_start3A_26 : memref<!tpu.dma_semaphore, #tpu.memory_space<semaphore_mem>>)
    %scan3A = arith.constant 0 : i32
    %scan3A_33 = arith.constant 0 : i32
    %scan3A_34 = arith.constant 25 : i32
    %scan3A_35 = arith.addi %scan3A_33, %scan3A_34 : i32
    %scan3A_36 = arith.constant 1 : i32
    scf.for %scan3A_69 = %scan3A_33 to %scan3A_35 step %scan3A_36  : i32 {
      %rem3A = arith.constant 2 : i32
      %rem3A_70 = arith.remsi %scan3A_69, %rem3A : i32
      %add3A_71 = arith.constant 1 : i32
      %add3A_72 = arith.addi %scan3A_69, %add3A_71 : i32
      %lt3A = arith.constant 25 : i32
      %lt3A_73 = arith.cmpi slt, %add3A_72, %lt3A : i32
      %convert_element_type3A = arith.extui %lt3A_73 : i1 to i32
      %cond3A = arith.constant 0 : i32
      %cond3A_74 = arith.cmpi ne, %convert_element_type3A, %cond3A : i32
      scf.if %cond3A_74 {
        %add3A_132 = arith.constant 1 : i32
        %add3A_133 = arith.addi %scan3A_69, %add3A_132 : i32
        %sub3A = arith.constant 1 : i32
        %sub3A_134 = arith.subi %sub3A, %rem3A_70 : i32
        %mul3A_135 = arith.constant 8 : i32
        %mul3A_136 = arith.muli %add3A_133, %mul3A_135 : i32
        %dma_start3A_137 = arith.constant 0 : i32
        %dma_start3A_138 = arith.constant 0 : i32
        %dma_start3A_139 = tpu.memref_slice %arg6[%sub3A_134, %dma_start3A_137, %dma_start3A_138] : memref<2x8x512xi32, #tpu.memory_space<vmem>> -> memref<1x8x512xi32, #tpu.memory_space<vmem>>
        %dma_start3A_140 = tpu.memref_squeeze %dma_start3A_139 : memref<1x8x512xi32, #tpu.memory_space<vmem>> -> memref<8x512xi32, #tpu.memory_space<vmem>>
        %dma_start3A_141 = tpu.memref_slice %arg2[%mul3A_136, %mul3A_2] : memref<200x16384xi32, #tpu.memory_space<hbm>> -> memref<8x512xi32, #tpu.memory_space<hbm>>
        %dma_start3A_142 = tpu.memref_slice %arg8[%sub3A_134] : memref<2x!tpu.dma_semaphore, #tpu.memory_space<semaphore_mem>> -> memref<1x!tpu.dma_semaphore, #tpu.memory_space<semaphore_mem>>
        %dma_start3A_143 = tpu.memref_squeeze %dma_start3A_142 : memref<1x!tpu.dma_semaphore, #tpu.memory_space<semaphore_mem>> -> memref<!tpu.dma_semaphore, #tpu.memory_space<semaphore_mem>>
        %dma_start3A_144 = arith.constant 0 : i32
        %dma_start3A_145 = arith.constant 0 : i32
        %dma_start3A_146 = tpu.memref_slice %arg6[%sub3A_134, %dma_start3A_144, %dma_start3A_145] : memref<2x8x512xi32, #tpu.memory_space<vmem>> -> memref<1x8x512xi32, #tpu.memory_space<vmem>>
        %dma_start3A_147 = tpu.memref_squeeze %dma_start3A_146 : memref<1x8x512xi32, #tpu.memory_space<vmem>> -> memref<8x512xi32, #tpu.memory_space<vmem>>
        %dma_start3A_148 = tpu.memref_slice %arg2[%mul3A_136, %mul3A_2] : memref<200x16384xi32, #tpu.memory_space<hbm>> -> memref<8x512xi32, #tpu.memory_space<hbm>>
        tpu.enqueue_dma source(%dma_start3A_148 : memref<8x512xi32, #tpu.memory_space<hbm>>) target(%dma_start3A_147 : memref<8x512xi32, #tpu.memory_space<vmem>>) target_semaphore(%dma_start3A_143 : memref<!tpu.dma_semaphore, #tpu.memory_space<semaphore_mem>>)
      } else {
      }
      %dma_wait3A_75 = arith.constant 0 : i32
      %dma_wait3A_76 = arith.constant 0 : i32
      %dma_wait3A_77 = tpu.memref_slice %arg6[%rem3A_70, %dma_wait3A_75, %dma_wait3A_76] : memref<2x8x512xi32, #tpu.memory_space<vmem>> -> memref<1x8x512xi32, #tpu.memory_space<vmem>>
      %dma_wait3A_78 = tpu.memref_squeeze %dma_wait3A_77 : memref<1x8x512xi32, #tpu.memory_space<vmem>> -> memref<8x512xi32, #tpu.memory_space<vmem>>
      %dma_wait3A_79 = arith.constant 0 : i32
      %dma_wait3A_80 = tpu.memref_slice %arg2[%dma_wait3A_79, %mul3A_2] : memref<200x16384xi32, #tpu.memory_space<hbm>> -> memref<8x512xi32, #tpu.memory_space<hbm>>
      %dma_wait3A_81 = tpu.memref_slice %arg8[%rem3A_70] : memref<2x!tpu.dma_semaphore, #tpu.memory_space<semaphore_mem>> -> memref<1x!tpu.dma_semaphore, #tpu.memory_space<semaphore_mem>>
      %dma_wait3A_82 = tpu.memref_squeeze %dma_wait3A_81 : memref<1x!tpu.dma_semaphore, #tpu.memory_space<semaphore_mem>> -> memref<!tpu.dma_semaphore, #tpu.memory_space<semaphore_mem>>
      %dma_wait3A_83 = arith.constant 0 : i32
      %dma_wait3A_84 = arith.constant 0 : i32
      %dma_wait3A_85 = tpu.memref_slice %arg6[%rem3A_70, %dma_wait3A_83, %dma_wait3A_84] : memref<2x8x512xi32, #tpu.memory_space<vmem>> -> memref<1x8x512xi32, #tpu.memory_space<vmem>>
      %dma_wait3A_86 = tpu.memref_squeeze %dma_wait3A_85 : memref<1x8x512xi32, #tpu.memory_space<vmem>> -> memref<8x512xi32, #tpu.memory_space<vmem>>
      %dma_wait3A_87 = arith.constant 0 : i32
      %dma_wait3A_88 = tpu.memref_slice %arg2[%dma_wait3A_87, %mul3A_2] : memref<200x16384xi32, #tpu.memory_space<hbm>> -> memref<8x512xi32, #tpu.memory_space<hbm>>
      tpu.wait_dma2 semaphore(%dma_wait3A_82 : memref<!tpu.dma_semaphore, #tpu.memory_space<semaphore_mem>>) src(%dma_wait3A_88 : memref<8x512xi32, #tpu.memory_space<hbm>>) dst(%dma_wait3A_86 : memref<8x512xi32, #tpu.memory_space<vmem>>)
      %ge3A = arith.constant 2 : i32
      %ge3A_89 = arith.cmpi sge, %scan3A_69, %ge3A : i32
      %convert_element_type3A_90 = arith.extui %ge3A_89 : i1 to i32
      %cond3A_91 = arith.constant 0 : i32
      %cond3A_92 = arith.cmpi ne, %convert_element_type3A_90, %cond3A_91 : i32
      scf.if %cond3A_92 {
        %dma_wait3A_132 = arith.constant 0 : i32
        %dma_wait3A_133 = arith.constant 0 : i32
        %dma_wait3A_134 = tpu.memref_slice %arg7[%rem3A_70, %dma_wait3A_132, %dma_wait3A_133] : memref<2x64x512xf32, #tpu.memory_space<vmem>> -> memref<1x64x512xf32, #tpu.memory_space<vmem>>
        %dma_wait3A_135 = tpu.memref_squeeze %dma_wait3A_134 : memref<1x64x512xf32, #tpu.memory_space<vmem>> -> memref<64x512xf32, #tpu.memory_space<vmem>>
        %dma_wait3A_136 = arith.constant 0 : i32
        %dma_wait3A_137 = tpu.memref_slice %arg4[%dma_wait3A_136, %mul3A_2] : memref<1600x16384xf32, #tpu.memory_space<hbm>> -> memref<64x512xf32, #tpu.memory_space<hbm>>
        %dma_wait3A_138 = tpu.memref_slice %arg9[%rem3A_70] : memref<2x!tpu.dma_semaphore, #tpu.memory_space<semaphore_mem>> -> memref<1x!tpu.dma_semaphore, #tpu.memory_space<semaphore_mem>>
        %dma_wait3A_139 = tpu.memref_squeeze %dma_wait3A_138 : memref<1x!tpu.dma_semaphore, #tpu.memory_space<semaphore_mem>> -> memref<!tpu.dma_semaphore, #tpu.memory_space<semaphore_mem>>
        %dma_wait3A_140 = arith.constant 0 : i32
        %dma_wait3A_141 = tpu.memref_slice %arg4[%dma_wait3A_140, %mul3A_2] : memref<1600x16384xf32, #tpu.memory_space<hbm>> -> memref<64x512xf32, #tpu.memory_space<hbm>>
        %dma_wait3A_142 = arith.constant 0 : i32
        %dma_wait3A_143 = arith.constant 0 : i32
        %dma_wait3A_144 = tpu.memref_slice %arg7[%rem3A_70, %dma_wait3A_142, %dma_wait3A_143] : memref<2x64x512xf32, #tpu.memory_space<vmem>> -> memref<1x64x512xf32, #tpu.memory_space<vmem>>
        %dma_wait3A_145 = tpu.memref_squeeze %dma_wait3A_144 : memref<1x64x512xf32, #tpu.memory_space<vmem>> -> memref<64x512xf32, #tpu.memory_space<vmem>>
        tpu.wait_dma2 semaphore(%dma_wait3A_139 : memref<!tpu.dma_semaphore, #tpu.memory_space<semaphore_mem>>) src(%dma_wait3A_145 : memref<64x512xf32, #tpu.memory_space<vmem>>) dst(%dma_wait3A_141 : memref<64x512xf32, #tpu.memory_space<hbm>>)
      } else {
      }
      %parallel_loop3A = arith.constant 0 : i32
      %parallel_loop3A_93 = arith.constant 32 : i32
      %parallel_loop3A_94 = arith.constant 1 : i32
      scf.for %parallel_loop3A_132 = %parallel_loop3A to %parallel_loop3A_93 step %parallel_loop3A_94  : i32 {
        %parallel_loop3A_133 = arith.constant 16 : i32
        %parallel_loop3A_134 = arith.muli %parallel_loop3A_132, %parallel_loop3A_133 : i32
        %parallel_loop3A_135 = arith.constant 0 : i32
        %parallel_loop3A_136 = arith.index_cast %rem3A_70 : i32 to index
        %parallel_loop3A_137 = arith.index_cast %parallel_loop3A_135 : i32 to index
        %parallel_loop3A_138 = arith.index_cast %parallel_loop3A_134 : i32 to index
        %parallel_loop3A_139 = tpu.vector_load %arg6[%parallel_loop3A_136, %parallel_loop3A_137, %parallel_loop3A_138] {strides = array<i32>} : memref<2x8x512xi32, #tpu.memory_space<vmem>>, vector<16xi32>,
        %parallel_loop3A_140 = tpu.vector_load_idx %arg5[%broadcast_in_dim3A_3, %parallel_loop3A_139] : memref<8x33xf32, #tpu.memory_space<vmem>>[vector<16xi32>, vector<16xi32>], vector<16xf32>,
        %parallel_loop3A_141 = arith.constant 0 : i32
        %parallel_loop3A_142 = arith.index_cast %rem3A_70 : i32 to index
        %parallel_loop3A_143 = arith.index_cast %parallel_loop3A_141 : i32 to index
        %parallel_loop3A_144 = arith.index_cast %parallel_loop3A_134 : i32 to index
        %parallel_loop3A_145 = tpu.vector_load %arg7[%parallel_loop3A_142, %parallel_loop3A_143, %parallel_loop3A_144] {strides = array<i32>} : memref<2x64x512xf32, #tpu.memory_space<vmem>>, vector<16xf32>,
        tpu.vector_store %arg7[%parallel_loop3A_142, %parallel_loop3A_143, %parallel_loop3A_144], %parallel_loop3A_140 {strides = array<i32>} : memref<2x64x512xf32, #tpu.memory_space<vmem>>, vector<16xf32>,
        %parallel_loop3A_146 = tpu.vector_load_idx %arg5[%broadcast_in_dim3A_5, %parallel_loop3A_139] : memref<8x33xf32, #tpu.memory_space<vmem>>[vector<16xi32>, vector<16xi32>], vector<16xf32>,
        %parallel_loop3A_147 = arith.constant 1 : i32
        %parallel_loop3A_148 = arith.index_cast %rem3A_70 : i32 to index
        %parallel_loop3A_149 = arith.index_cast %parallel_loop3A_147 : i32 to index
        %parallel_loop3A_150 = arith.index_cast %parallel_loop3A_134 : i32 to index
        %parallel_loop3A_151 = tpu.vector_load %arg7[%parallel_loop3A_148, %parallel_loop3A_149, %parallel_loop3A_150] {strides = array<i32>} : memref<2x64x512xf32, #tpu.memory_space<vmem>>, vector<16xf32>,
        tpu.vector_store %arg7[%parallel_loop3A_148, %parallel_loop3A_149, %parallel_loop3A_150], %parallel_loop3A_146 {strides = array<i32>} : memref<2x64x512xf32, #tpu.memory_space<vmem>>, vector<16xf32>,
        %parallel_loop3A_152 = tpu.vector_load_idx %arg5[%broadcast_in_dim3A_7, %parallel_loop3A_139] : memref<8x33xf32, #tpu.memory_space<vmem>>[vector<16xi32>, vector<16xi32>], vector<16xf32>,
        %parallel_loop3A_153 = arith.constant 2 : i32
        %parallel_loop3A_154 = arith.index_cast %rem3A_70 : i32 to index
        %parallel_loop3A_155 = arith.index_cast %parallel_loop3A_153 : i32 to index
        %parallel_loop3A_156 = arith.index_cast %parallel_loop3A_134 : i32 to index
        %parallel_loop3A_157 = tpu.vector_load %arg7[%parallel_loop3A_154, %parallel_loop3A_155, %parallel_loop3A_156] {strides = array<i32>} : memref<2x64x512xf32, #tpu.memory_space<vmem>>, vector<16xf32>,
        tpu.vector_store %arg7[%parallel_loop3A_154, %parallel_loop3A_155, %parallel_loop3A_156], %parallel_loop3A_152 {strides = array<i32>} : memref<2x64x512xf32, #tpu.memory_space<vmem>>, vector<16xf32>,
        %parallel_loop3A_158 = tpu.vector_load_idx %arg5[%broadcast_in_dim3A_9, %parallel_loop3A_139] : memref<8x33xf32, #tpu.memory_space<vmem>>[vector<16xi32>, vector<16xi32>], vector<16xf32>,
        %parallel_loop3A_159 = arith.constant 3 : i32
        %parallel_loop3A_160 = arith.index_cast %rem3A_70 : i32 to index
        %parallel_loop3A_161 = arith.index_cast %parallel_loop3A_159 : i32 to index
        %parallel_loop3A_162 = arith.index_cast %parallel_loop3A_134 : i32 to index
        %parallel_loop3A_163 = tpu.vector_load %arg7[%parallel_loop3A_160, %parallel_loop3A_161, %parallel_loop3A_162] {strides = array<i32>} : memref<2x64x512xf32, #tpu.memory_space<vmem>>, vector<16xf32>,
        tpu.vector_store %arg7[%parallel_loop3A_160, %parallel_loop3A_161, %parallel_loop3A_162], %parallel_loop3A_158 {strides = array<i32>} : memref<2x64x512xf32, #tpu.memory_space<vmem>>, vector<16xf32>,
        %parallel_loop3A_164 = tpu.vector_load_idx %arg5[%broadcast_in_dim3A_11, %parallel_loop3A_139] : memref<8x33xf32, #tpu.memory_space<vmem>>[vector<16xi32>, vector<16xi32>], vector<16xf32>,
        %parallel_loop3A_165 = arith.constant 4 : i32
        %parallel_loop3A_166 = arith.index_cast %rem3A_70 : i32 to index
        %parallel_loop3A_167 = arith.index_cast %parallel_loop3A_165 : i32 to index
        %parallel_loop3A_168 = arith.index_cast %parallel_loop3A_134 : i32 to index
        %parallel_loop3A_169 = tpu.vector_load %arg7[%parallel_loop3A_166, %parallel_loop3A_167, %parallel_loop3A_168] {strides = array<i32>} : memref<2x64x512xf32, #tpu.memory_space<vmem>>, vector<16xf32>,
        tpu.vector_store %arg7[%parallel_loop3A_166, %parallel_loop3A_167, %parallel_loop3A_168], %parallel_loop3A_164 {strides = array<i32>} : memref<2x64x512xf32, #tpu.memory_space<vmem>>, vector<16xf32>,
        %parallel_loop3A_170 = tpu.vector_load_idx %arg5[%broadcast_in_dim3A_13, %parallel_loop3A_139] : memref<8x33xf32, #tpu.memory_space<vmem>>[vector<16xi32>, vector<16xi32>], vector<16xf32>,
        %parallel_loop3A_171 = arith.constant 5 : i32
        %parallel_loop3A_172 = arith.index_cast %rem3A_70 : i32 to index
        %parallel_loop3A_173 = arith.index_cast %parallel_loop3A_171 : i32 to index
        %parallel_loop3A_174 = arith.index_cast %parallel_loop3A_134 : i32 to index
        %parallel_loop3A_175 = tpu.vector_load %arg7[%parallel_loop3A_172, %parallel_loop3A_173, %parallel_loop3A_174] {strides = array<i32>} : memref<2x64x512xf32, #tpu.memory_space<vmem>>, vector<16xf32>,
        tpu.vector_store %arg7[%parallel_loop3A_172, %parallel_loop3A_173, %parallel_loop3A_174], %parallel_loop3A_170 {strides = array<i32>} : memref<2x64x512xf32, #tpu.memory_space<vmem>>, vector<16xf32>,
        %parallel_loop3A_176 = tpu.vector_load_idx %arg5[%broadcast_in_dim3A_15, %parallel_loop3A_139] : memref<8x33xf32, #tpu.memory_space<vmem>>[vector<16xi32>, vector<16xi32>], vector<16xf32>,
        %parallel_loop3A_177 = arith.constant 6 : i32
        %parallel_loop3A_178 = arith.index_cast %rem3A_70 : i32 to index
        %parallel_loop3A_179 = arith.index_cast %parallel_loop3A_177 : i32 to index
        %parallel_loop3A_180 = arith.index_cast %parallel_loop3A_134 : i32 to index
        %parallel_loop3A_181 = tpu.vector_load %arg7[%parallel_loop3A_178, %parallel_loop3A_179, %parallel_loop3A_180] {strides = array<i32>} : memref<2x64x512xf32, #tpu.memory_space<vmem>>, vector<16xf32>,
        tpu.vector_store %arg7[%parallel_loop3A_178, %parallel_loop3A_179, %parallel_loop3A_180], %parallel_loop3A_176 {strides = array<i32>} : memref<2x64x512xf32, #tpu.memory_space<vmem>>, vector<16xf32>,
        %parallel_loop3A_182 = tpu.vector_load_idx %arg5[%broadcast_in_dim3A_17, %parallel_loop3A_139] : memref<8x33xf32, #tpu.memory_space<vmem>>[vector<16xi32>, vector<16xi32>], vector<16xf32>,
        %parallel_loop3A_183 = arith.constant 7 : i32
        %parallel_loop3A_184 = arith.index_cast %rem3A_70 : i32 to index
        %parallel_loop3A_185 = arith.index_cast %parallel_loop3A_183 : i32 to index
        %parallel_loop3A_186 = arith.index_cast %parallel_loop3A_134 : i32 to index
        %parallel_loop3A_187 = tpu.vector_load %arg7[%parallel_loop3A_184, %parallel_loop3A_185, %parallel_loop3A_186] {strides = array<i32>} : memref<2x64x512xf32, #tpu.memory_space<vmem>>, vector<16xf32>,
        tpu.vector_store %arg7[%parallel_loop3A_184, %parallel_loop3A_185, %parallel_loop3A_186], %parallel_loop3A_182 {strides = array<i32>} : memref<2x64x512xf32, #tpu.memory_space<vmem>>, vector<16xf32>,
      } {sc.loop_unroll_factor = 4 : i64, sc.parallel_access}
      %parallel_loop3A_95 = arith.constant 0 : i32
      %parallel_loop3A_96 = arith.constant 32 : i32
      %parallel_loop3A_97 = arith.constant 1 : i32
      scf.for %parallel_loop3A_132 = %parallel_loop3A_95 to %parallel_loop3A_96 step %parallel_loop3A_97  : i32 {
        %parallel_loop3A_133 = arith.constant 16 : i32
        %parallel_loop3A_134 = arith.muli %parallel_loop3A_132, %parallel_loop3A_133 : i32
        %parallel_loop3A_135 = arith.constant 1 : i32
        %parallel_loop3A_136 = arith.index_cast %rem3A_70 : i32 to index
        %parallel_loop3A_137 = arith.index_cast %parallel_loop3A_135 : i32 to index
        %parallel_loop3A_138 = arith.index_cast %parallel_loop3A_134 : i32 to index
        %parallel_loop3A_139 = tpu.vector_load %arg6[%parallel_loop3A_136, %parallel_loop3A_137, %parallel_loop3A_138] {strides = array<i32>} : memref<2x8x512xi32, #tpu.memory_space<vmem>>, vector<16xi32>,
        %parallel_loop3A_140 = tpu.vector_load_idx %arg5[%broadcast_in_dim3A_3, %parallel_loop3A_139] : memref<8x33xf32, #tpu.memory_space<vmem>>[vector<16xi32>, vector<16xi32>], vector<16xf32>,
        %parallel_loop3A_141 = arith.constant 8 : i32
        %parallel_loop3A_142 = arith.index_cast %rem3A_70 : i32 to index
        %parallel_loop3A_143 = arith.index_cast %parallel_loop3A_141 : i32 to index
        %parallel_loop3A_144 = arith.index_cast %parallel_loop3A_134 : i32 to index
        %parallel_loop3A_145 = tpu.vector_load %arg7[%parallel_loop3A_142, %parallel_loop3A_143, %parallel_loop3A_144] {strides = array<i32>} : memref<2x64x512xf32, #tpu.memory_space<vmem>>, vector<16xf32>,
        tpu.vector_store %arg7[%parallel_loop3A_142, %parallel_loop3A_143, %parallel_loop3A_144], %parallel_loop3A_140 {strides = array<i32>} : memref<2x64x512xf32, #tpu.memory_space<vmem>>, vector<16xf32>,
        %parallel_loop3A_146 = tpu.vector_load_idx %arg5[%broadcast_in_dim3A_5, %parallel_loop3A_139] : memref<8x33xf32, #tpu.memory_space<vmem>>[vector<16xi32>, vector<16xi32>], vector<16xf32>,
        %parallel_loop3A_147 = arith.constant 9 : i32
        %parallel_loop3A_148 = arith.index_cast %rem3A_70 : i32 to index
        %parallel_loop3A_149 = arith.index_cast %parallel_loop3A_147 : i32 to index
        %parallel_loop3A_150 = arith.index_cast %parallel_loop3A_134 : i32 to index
        %parallel_loop3A_151 = tpu.vector_load %arg7[%parallel_loop3A_148, %parallel_loop3A_149, %parallel_loop3A_150] {strides = array<i32>} : memref<2x64x512xf32, #tpu.memory_space<vmem>>, vector<16xf32>,
        tpu.vector_store %arg7[%parallel_loop3A_148, %parallel_loop3A_149, %parallel_loop3A_150], %parallel_loop3A_146 {strides = array<i32>} : memref<2x64x512xf32, #tpu.memory_space<vmem>>, vector<16xf32>,
        %parallel_loop3A_152 = tpu.vector_load_idx %arg5[%broadcast_in_dim3A_7, %parallel_loop3A_139] : memref<8x33xf32, #tpu.memory_space<vmem>>[vector<16xi32>, vector<16xi32>], vector<16xf32>,
        %parallel_loop3A_153 = arith.constant 10 : i32
        %parallel_loop3A_154 = arith.index_cast %rem3A_70 : i32 to index
        %parallel_loop3A_155 = arith.index_cast %parallel_loop3A_153 : i32 to index
        %parallel_loop3A_156 = arith.index_cast %parallel_loop3A_134 : i32 to index
        %parallel_loop3A_157 = tpu.vector_load %arg7[%parallel_loop3A_154, %parallel_loop3A_155, %parallel_loop3A_156] {strides = array<i32>} : memref<2x64x512xf32, #tpu.memory_space<vmem>>, vector<16xf32>,
        tpu.vector_store %arg7[%parallel_loop3A_154, %parallel_loop3A_155, %parallel_loop3A_156], %parallel_loop3A_152 {strides = array<i32>} : memref<2x64x512xf32, #tpu.memory_space<vmem>>, vector<16xf32>,
        %parallel_loop3A_158 = tpu.vector_load_idx %arg5[%broadcast_in_dim3A_9, %parallel_loop3A_139] : memref<8x33xf32, #tpu.memory_space<vmem>>[vector<16xi32>, vector<16xi32>], vector<16xf32>,
        %parallel_loop3A_159 = arith.constant 11 : i32
        %parallel_loop3A_160 = arith.index_cast %rem3A_70 : i32 to index
        %parallel_loop3A_161 = arith.index_cast %parallel_loop3A_159 : i32 to index
        %parallel_loop3A_162 = arith.index_cast %parallel_loop3A_134 : i32 to index
        %parallel_loop3A_163 = tpu.vector_load %arg7[%parallel_loop3A_160, %parallel_loop3A_161, %parallel_loop3A_162] {strides = array<i32>} : memref<2x64x512xf32, #tpu.memory_space<vmem>>, vector<16xf32>,
        tpu.vector_store %arg7[%parallel_loop3A_160, %parallel_loop3A_161, %parallel_loop3A_162], %parallel_loop3A_158 {strides = array<i32>} : memref<2x64x512xf32, #tpu.memory_space<vmem>>, vector<16xf32>,
        %parallel_loop3A_164 = tpu.vector_load_idx %arg5[%broadcast_in_dim3A_11, %parallel_loop3A_139] : memref<8x33xf32, #tpu.memory_space<vmem>>[vector<16xi32>, vector<16xi32>], vector<16xf32>,
        %parallel_loop3A_165 = arith.constant 12 : i32
        %parallel_loop3A_166 = arith.index_cast %rem3A_70 : i32 to index
        %parallel_loop3A_167 = arith.index_cast %parallel_loop3A_165 : i32 to index
        %parallel_loop3A_168 = arith.index_cast %parallel_loop3A_134 : i32 to index
        %parallel_loop3A_169 = tpu.vector_load %arg7[%parallel_loop3A_166, %parallel_loop3A_167, %parallel_loop3A_168] {strides = array<i32>} : memref<2x64x512xf32, #tpu.memory_space<vmem>>, vector<16xf32>,
        tpu.vector_store %arg7[%parallel_loop3A_166, %parallel_loop3A_167, %parallel_loop3A_168], %parallel_loop3A_164 {strides = array<i32>} : memref<2x64x512xf32, #tpu.memory_space<vmem>>, vector<16xf32>,
        %parallel_loop3A_170 = tpu.vector_load_idx %arg5[%broadcast_in_dim3A_13, %parallel_loop3A_139] : memref<8x33xf32, #tpu.memory_space<vmem>>[vector<16xi32>, vector<16xi32>], vector<16xf32>,
        %parallel_loop3A_171 = arith.constant 13 : i32
        %parallel_loop3A_172 = arith.index_cast %rem3A_70 : i32 to index
        %parallel_loop3A_173 = arith.index_cast %parallel_loop3A_171 : i32 to index
        %parallel_loop3A_174 = arith.index_cast %parallel_loop3A_134 : i32 to index
        %parallel_loop3A_175 = tpu.vector_load %arg7[%parallel_loop3A_172, %parallel_loop3A_173, %parallel_loop3A_174] {strides = array<i32>} : memref<2x64x512xf32, #tpu.memory_space<vmem>>, vector<16xf32>,
        tpu.vector_store %arg7[%parallel_loop3A_172, %parallel_loop3A_173, %parallel_loop3A_174], %parallel_loop3A_170 {strides = array<i32>} : memref<2x64x512xf32, #tpu.memory_space<vmem>>, vector<16xf32>,
        %parallel_loop3A_176 = tpu.vector_load_idx %arg5[%broadcast_in_dim3A_15, %parallel_loop3A_139] : memref<8x33xf32, #tpu.memory_space<vmem>>[vector<16xi32>, vector<16xi32>], vector<16xf32>,
        %parallel_loop3A_177 = arith.constant 14 : i32
        %parallel_loop3A_178 = arith.index_cast %rem3A_70 : i32 to index
        %parallel_loop3A_179 = arith.index_cast %parallel_loop3A_177 : i32 to index
        %parallel_loop3A_180 = arith.index_cast %parallel_loop3A_134 : i32 to index
        %parallel_loop3A_181 = tpu.vector_load %arg7[%parallel_loop3A_178, %parallel_loop3A_179, %parallel_loop3A_180] {strides = array<i32>} : memref<2x64x512xf32, #tpu.memory_space<vmem>>, vector<16xf32>,
        tpu.vector_store %arg7[%parallel_loop3A_178, %parallel_loop3A_179, %parallel_loop3A_180], %parallel_loop3A_176 {strides = array<i32>} : memref<2x64x512xf32, #tpu.memory_space<vmem>>, vector<16xf32>,
        %parallel_loop3A_182 = tpu.vector_load_idx %arg5[%broadcast_in_dim3A_17, %parallel_loop3A_139] : memref<8x33xf32, #tpu.memory_space<vmem>>[vector<16xi32>, vector<16xi32>], vector<16xf32>,
        %parallel_loop3A_183 = arith.constant 15 : i32
        %parallel_loop3A_184 = arith.index_cast %rem3A_70 : i32 to index
        %parallel_loop3A_185 = arith.index_cast %parallel_loop3A_183 : i32 to index
        %parallel_loop3A_186 = arith.index_cast %parallel_loop3A_134 : i32 to index
        %parallel_loop3A_187 = tpu.vector_load %arg7[%parallel_loop3A_184, %parallel_loop3A_185, %parallel_loop3A_186] {strides = array<i32>} : memref<2x64x512xf32, #tpu.memory_space<vmem>>, vector<16xf32>,
        tpu.vector_store %arg7[%parallel_loop3A_184, %parallel_loop3A_185, %parallel_loop3A_186], %parallel_loop3A_182 {strides = array<i32>} : memref<2x64x512xf32, #tpu.memory_space<vmem>>, vector<16xf32>,
      } {sc.loop_unroll_factor = 4 : i64, sc.parallel_access}
      %parallel_loop3A_98 = arith.constant 0 : i32
      %parallel_loop3A_99 = arith.constant 32 : i32
      %parallel_loop3A_100 = arith.constant 1 : i32
      scf.for %parallel_loop3A_132 = %parallel_loop3A_98 to %parallel_loop3A_99 step %parallel_loop3A_100  : i32 {
        %parallel_loop3A_133 = arith.constant 16 : i32
        %parallel_loop3A_134 = arith.muli %parallel_loop3A_132, %parallel_loop3A_133 : i32
        %parallel_loop3A_135 = arith.constant 2 : i32
        %parallel_loop3A_136 = arith.index_cast %rem3A_70 : i32 to index
        %parallel_loop3A_137 = arith.index_cast %parallel_loop3A_135 : i32 to index
        %parallel_loop3A_138 = arith.index_cast %parallel_loop3A_134 : i32 to index
        %parallel_loop3A_139 = tpu.vector_load %arg6[%parallel_loop3A_136, %parallel_loop3A_137, %parallel_loop3A_138] {strides = array<i32>} : memref<2x8x512xi32, #tpu.memory_space<vmem>>, vector<16xi32>,
        %parallel_loop3A_140 = tpu.vector_load_idx %arg5[%broadcast_in_dim3A_3, %parallel_loop3A_139] : memref<8x33xf32, #tpu.memory_space<vmem>>[vector<16xi32>, vector<16xi32>], vector<16xf32>,
        %parallel_loop3A_141 = arith.constant 16 : i32
        %parallel_loop3A_142 = arith.index_cast %rem3A_70 : i32 to index
        %parallel_loop3A_143 = arith.index_cast %parallel_loop3A_141 : i32 to index
        %parallel_loop3A_144 = arith.index_cast %parallel_loop3A_134 : i32 to index
        %parallel_loop3A_145 = tpu.vector_load %arg7[%parallel_loop3A_142, %parallel_loop3A_143, %parallel_loop3A_144] {strides = array<i32>} : memref<2x64x512xf32, #tpu.memory_space<vmem>>, vector<16xf32>,
        tpu.vector_store %arg7[%parallel_loop3A_142, %parallel_loop3A_143, %parallel_loop3A_144], %parallel_loop3A_140 {strides = array<i32>} : memref<2x64x512xf32, #tpu.memory_space<vmem>>, vector<16xf32>,
        %parallel_loop3A_146 = tpu.vector_load_idx %arg5[%broadcast_in_dim3A_5, %parallel_loop3A_139] : memref<8x33xf32, #tpu.memory_space<vmem>>[vector<16xi32>, vector<16xi32>], vector<16xf32>,
        %parallel_loop3A_147 = arith.constant 17 : i32
        %parallel_loop3A_148 = arith.index_cast %rem3A_70 : i32 to index
        %parallel_loop3A_149 = arith.index_cast %parallel_loop3A_147 : i32 to index
        %parallel_loop3A_150 = arith.index_cast %parallel_loop3A_134 : i32 to index
        %parallel_loop3A_151 = tpu.vector_load %arg7[%parallel_loop3A_148, %parallel_loop3A_149, %parallel_loop3A_150] {strides = array<i32>} : memref<2x64x512xf32, #tpu.memory_space<vmem>>, vector<16xf32>,
        tpu.vector_store %arg7[%parallel_loop3A_148, %parallel_loop3A_149, %parallel_loop3A_150], %parallel_loop3A_146 {strides = array<i32>} : memref<2x64x512xf32, #tpu.memory_space<vmem>>, vector<16xf32>,
        %parallel_loop3A_152 = tpu.vector_load_idx %arg5[%broadcast_in_dim3A_7, %parallel_loop3A_139] : memref<8x33xf32, #tpu.memory_space<vmem>>[vector<16xi32>, vector<16xi32>], vector<16xf32>,
        %parallel_loop3A_153 = arith.constant 18 : i32
        %parallel_loop3A_154 = arith.index_cast %rem3A_70 : i32 to index
        %parallel_loop3A_155 = arith.index_cast %parallel_loop3A_153 : i32 to index
        %parallel_loop3A_156 = arith.index_cast %parallel_loop3A_134 : i32 to index
        %parallel_loop3A_157 = tpu.vector_load %arg7[%parallel_loop3A_154, %parallel_loop3A_155, %parallel_loop3A_156] {strides = array<i32>} : memref<2x64x512xf32, #tpu.memory_space<vmem>>, vector<16xf32>,
        tpu.vector_store %arg7[%parallel_loop3A_154, %parallel_loop3A_155, %parallel_loop3A_156], %parallel_loop3A_152 {strides = array<i32>} : memref<2x64x512xf32, #tpu.memory_space<vmem>>, vector<16xf32>,
        %parallel_loop3A_158 = tpu.vector_load_idx %arg5[%broadcast_in_dim3A_9, %parallel_loop3A_139] : memref<8x33xf32, #tpu.memory_space<vmem>>[vector<16xi32>, vector<16xi32>], vector<16xf32>,
        %parallel_loop3A_159 = arith.constant 19 : i32
        %parallel_loop3A_160 = arith.index_cast %rem3A_70 : i32 to index
        %parallel_loop3A_161 = arith.index_cast %parallel_loop3A_159 : i32 to index
        %parallel_loop3A_162 = arith.index_cast %parallel_loop3A_134 : i32 to index
        %parallel_loop3A_163 = tpu.vector_load %arg7[%parallel_loop3A_160, %parallel_loop3A_161, %parallel_loop3A_162] {strides = array<i32>} : memref<2x64x512xf32, #tpu.memory_space<vmem>>, vector<16xf32>,
        tpu.vector_store %arg7[%parallel_loop3A_160, %parallel_loop3A_161, %parallel_loop3A_162], %parallel_loop3A_158 {strides = array<i32>} : memref<2x64x512xf32, #tpu.memory_space<vmem>>, vector<16xf32>,
        %parallel_loop3A_164 = tpu.vector_load_idx %arg5[%broadcast_in_dim3A_11, %parallel_loop3A_139] : memref<8x33xf32, #tpu.memory_space<vmem>>[vector<16xi32>, vector<16xi32>], vector<16xf32>,
        %parallel_loop3A_165 = arith.constant 20 : i32
        %parallel_loop3A_166 = arith.index_cast %rem3A_70 : i32 to index
        %parallel_loop3A_167 = arith.index_cast %parallel_loop3A_165 : i32 to index
        %parallel_loop3A_168 = arith.index_cast %parallel_loop3A_134 : i32 to index
        %parallel_loop3A_169 = tpu.vector_load %arg7[%parallel_loop3A_166, %parallel_loop3A_167, %parallel_loop3A_168] {strides = array<i32>} : memref<2x64x512xf32, #tpu.memory_space<vmem>>, vector<16xf32>,
        tpu.vector_store %arg7[%parallel_loop3A_166, %parallel_loop3A_167, %parallel_loop3A_168], %parallel_loop3A_164 {strides = array<i32>} : memref<2x64x512xf32, #tpu.memory_space<vmem>>, vector<16xf32>,
        %parallel_loop3A_170 = tpu.vector_load_idx %arg5[%broadcast_in_dim3A_13, %parallel_loop3A_139] : memref<8x33xf32, #tpu.memory_space<vmem>>[vector<16xi32>, vector<16xi32>], vector<16xf32>,
        %parallel_loop3A_171 = arith.constant 21 : i32
        %parallel_loop3A_172 = arith.index_cast %rem3A_70 : i32 to index
        %parallel_loop3A_173 = arith.index_cast %parallel_loop3A_171 : i32 to index
        %parallel_loop3A_174 = arith.index_cast %parallel_loop3A_134 : i32 to index
        %parallel_loop3A_175 = tpu.vector_load %arg7[%parallel_loop3A_172, %parallel_loop3A_173, %parallel_loop3A_174] {strides = array<i32>} : memref<2x64x512xf32, #tpu.memory_space<vmem>>, vector<16xf32>,
        tpu.vector_store %arg7[%parallel_loop3A_172, %parallel_loop3A_173, %parallel_loop3A_174], %parallel_loop3A_170 {strides = array<i32>} : memref<2x64x512xf32, #tpu.memory_space<vmem>>, vector<16xf32>,
        %parallel_loop3A_176 = tpu.vector_load_idx %arg5[%broadcast_in_dim3A_15, %parallel_loop3A_139] : memref<8x33xf32, #tpu.memory_space<vmem>>[vector<16xi32>, vector<16xi32>], vector<16xf32>,
        %parallel_loop3A_177 = arith.constant 22 : i32
        %parallel_loop3A_178 = arith.index_cast %rem3A_70 : i32 to index
        %parallel_loop3A_179 = arith.index_cast %parallel_loop3A_177 : i32 to index
        %parallel_loop3A_180 = arith.index_cast %parallel_loop3A_134 : i32 to index
        %parallel_loop3A_181 = tpu.vector_load %arg7[%parallel_loop3A_178, %parallel_loop3A_179, %parallel_loop3A_180] {strides = array<i32>} : memref<2x64x512xf32, #tpu.memory_space<vmem>>, vector<16xf32>,
        tpu.vector_store %arg7[%parallel_loop3A_178, %parallel_loop3A_179, %parallel_loop3A_180], %parallel_loop3A_176 {strides = array<i32>} : memref<2x64x512xf32, #tpu.memory_space<vmem>>, vector<16xf32>,
        %parallel_loop3A_182 = tpu.vector_load_idx %arg5[%broadcast_in_dim3A_17, %parallel_loop3A_139] : memref<8x33xf32, #tpu.memory_space<vmem>>[vector<16xi32>, vector<16xi32>], vector<16xf32>,
        %parallel_loop3A_183 = arith.constant 23 : i32
        %parallel_loop3A_184 = arith.index_cast %rem3A_70 : i32 to index
        %parallel_loop3A_185 = arith.index_cast %parallel_loop3A_183 : i32 to index
        %parallel_loop3A_186 = arith.index_cast %parallel_loop3A_134 : i32 to index
        %parallel_loop3A_187 = tpu.vector_load %arg7[%parallel_loop3A_184, %parallel_loop3A_185, %parallel_loop3A_186] {strides = array<i32>} : memref<2x64x512xf32, #tpu.memory_space<vmem>>, vector<16xf32>,
        tpu.vector_store %arg7[%parallel_loop3A_184, %parallel_loop3A_185, %parallel_loop3A_186], %parallel_loop3A_182 {strides = array<i32>} : memref<2x64x512xf32, #tpu.memory_space<vmem>>, vector<16xf32>,
      } {sc.loop_unroll_factor = 4 : i64, sc.parallel_access}
      %parallel_loop3A_101 = arith.constant 0 : i32
      %parallel_loop3A_102 = arith.constant 32 : i32
      %parallel_loop3A_103 = arith.constant 1 : i32
      scf.for %parallel_loop3A_132 = %parallel_loop3A_101 to %parallel_loop3A_102 step %parallel_loop3A_103  : i32 {
        %parallel_loop3A_133 = arith.constant 16 : i32
        %parallel_loop3A_134 = arith.muli %parallel_loop3A_132, %parallel_loop3A_133 : i32
        %parallel_loop3A_135 = arith.constant 3 : i32
        %parallel_loop3A_136 = arith.index_cast %rem3A_70 : i32 to index
        %parallel_loop3A_137 = arith.index_cast %parallel_loop3A_135 : i32 to index
        %parallel_loop3A_138 = arith.index_cast %parallel_loop3A_134 : i32 to index
        %parallel_loop3A_139 = tpu.vector_load %arg6[%parallel_loop3A_136, %parallel_loop3A_137, %parallel_loop3A_138] {strides = array<i32>} : memref<2x8x512xi32, #tpu.memory_space<vmem>>, vector<16xi32>,
        %parallel_loop3A_140 = tpu.vector_load_idx %arg5[%broadcast_in_dim3A_3, %parallel_loop3A_139] : memref<8x33xf32, #tpu.memory_space<vmem>>[vector<16xi32>, vector<16xi32>], vector<16xf32>,
        %parallel_loop3A_141 = arith.constant 24 : i32
        %parallel_loop3A_142 = arith.index_cast %rem3A_70 : i32 to index
        %parallel_loop3A_143 = arith.index_cast %parallel_loop3A_141 : i32 to index
        %parallel_loop3A_144 = arith.index_cast %parallel_loop3A_134 : i32 to index
        %parallel_loop3A_145 = tpu.vector_load %arg7[%parallel_loop3A_142, %parallel_loop3A_143, %parallel_loop3A_144] {strides = array<i32>} : memref<2x64x512xf32, #tpu.memory_space<vmem>>, vector<16xf32>,
        tpu.vector_store %arg7[%parallel_loop3A_142, %parallel_loop3A_143, %parallel_loop3A_144], %parallel_loop3A_140 {strides = array<i32>} : memref<2x64x512xf32, #tpu.memory_space<vmem>>, vector<16xf32>,
        %parallel_loop3A_146 = tpu.vector_load_idx %arg5[%broadcast_in_dim3A_5, %parallel_loop3A_139] : memref<8x33xf32, #tpu.memory_space<vmem>>[vector<16xi32>, vector<16xi32>], vector<16xf32>,
        %parallel_loop3A_147 = arith.constant 25 : i32
        %parallel_loop3A_148 = arith.index_cast %rem3A_70 : i32 to index
        %parallel_loop3A_149 = arith.index_cast %parallel_loop3A_147 : i32 to index
        %parallel_loop3A_150 = arith.index_cast %parallel_loop3A_134 : i32 to index
        %parallel_loop3A_151 = tpu.vector_load %arg7[%parallel_loop3A_148, %parallel_loop3A_149, %parallel_loop3A_150] {strides = array<i32>} : memref<2x64x512xf32, #tpu.memory_space<vmem>>, vector<16xf32>,
        tpu.vector_store %arg7[%parallel_loop3A_148, %parallel_loop3A_149, %parallel_loop3A_150], %parallel_loop3A_146 {strides = array<i32>} : memref<2x64x512xf32, #tpu.memory_space<vmem>>, vector<16xf32>,
        %parallel_loop3A_152 = tpu.vector_load_idx %arg5[%broadcast_in_dim3A_7, %parallel_loop3A_139] : memref<8x33xf32, #tpu.memory_space<vmem>>[vector<16xi32>, vector<16xi32>], vector<16xf32>,
        %parallel_loop3A_153 = arith.constant 26 : i32
        %parallel_loop3A_154 = arith.index_cast %rem3A_70 : i32 to index
        %parallel_loop3A_155 = arith.index_cast %parallel_loop3A_153 : i32 to index
        %parallel_loop3A_156 = arith.index_cast %parallel_loop3A_134 : i32 to index
        %parallel_loop3A_157 = tpu.vector_load %arg7[%parallel_loop3A_154, %parallel_loop3A_155, %parallel_loop3A_156] {strides = array<i32>} : memref<2x64x512xf32, #tpu.memory_space<vmem>>, vector<16xf32>,
        tpu.vector_store %arg7[%parallel_loop3A_154, %parallel_loop3A_155, %parallel_loop3A_156], %parallel_loop3A_152 {strides = array<i32>} : memref<2x64x512xf32, #tpu.memory_space<vmem>>, vector<16xf32>,
        %parallel_loop3A_158 = tpu.vector_load_idx %arg5[%broadcast_in_dim3A_9, %parallel_loop3A_139] : memref<8x33xf32, #tpu.memory_space<vmem>>[vector<16xi32>, vector<16xi32>], vector<16xf32>,
        %parallel_loop3A_159 = arith.constant 27 : i32
        %parallel_loop3A_160 = arith.index_cast %rem3A_70 : i32 to index
        %parallel_loop3A_161 = arith.index_cast %parallel_loop3A_159 : i32 to index
        %parallel_loop3A_162 = arith.index_cast %parallel_loop3A_134 : i32 to index
        %parallel_loop3A_163 = tpu.vector_load %arg7[%parallel_loop3A_160, %parallel_loop3A_161, %parallel_loop3A_162] {strides = array<i32>} : memref<2x64x512xf32, #tpu.memory_space<vmem>>, vector<16xf32>,
        tpu.vector_store %arg7[%parallel_loop3A_160, %parallel_loop3A_161, %parallel_loop3A_162], %parallel_loop3A_158 {strides = array<i32>} : memref<2x64x512xf32, #tpu.memory_space<vmem>>, vector<16xf32>,
        %parallel_loop3A_164 = tpu.vector_load_idx %arg5[%broadcast_in_dim3A_11, %parallel_loop3A_139] : memref<8x33xf32, #tpu.memory_space<vmem>>[vector<16xi32>, vector<16xi32>], vector<16xf32>,
        %parallel_loop3A_165 = arith.constant 28 : i32
        %parallel_loop3A_166 = arith.index_cast %rem3A_70 : i32 to index
        %parallel_loop3A_167 = arith.index_cast %parallel_loop3A_165 : i32 to index
        %parallel_loop3A_168 = arith.index_cast %parallel_loop3A_134 : i32 to index
        %parallel_loop3A_169 = tpu.vector_load %arg7[%parallel_loop3A_166, %parallel_loop3A_167, %parallel_loop3A_168] {strides = array<i32>} : memref<2x64x512xf32, #tpu.memory_space<vmem>>, vector<16xf32>,
        tpu.vector_store %arg7[%parallel_loop3A_166, %parallel_loop3A_167, %parallel_loop3A_168], %parallel_loop3A_164 {strides = array<i32>} : memref<2x64x512xf32, #tpu.memory_space<vmem>>, vector<16xf32>,
        %parallel_loop3A_170 = tpu.vector_load_idx %arg5[%broadcast_in_dim3A_13, %parallel_loop3A_139] : memref<8x33xf32, #tpu.memory_space<vmem>>[vector<16xi32>, vector<16xi32>], vector<16xf32>,
        %parallel_loop3A_171 = arith.constant 29 : i32
        %parallel_loop3A_172 = arith.index_cast %rem3A_70 : i32 to index
        %parallel_loop3A_173 = arith.index_cast %parallel_loop3A_171 : i32 to index
        %parallel_loop3A_174 = arith.index_cast %parallel_loop3A_134 : i32 to index
        %parallel_loop3A_175 = tpu.vector_load %arg7[%parallel_loop3A_172, %parallel_loop3A_173, %parallel_loop3A_174] {strides = array<i32>} : memref<2x64x512xf32, #tpu.memory_space<vmem>>, vector<16xf32>,
        tpu.vector_store %arg7[%parallel_loop3A_172, %parallel_loop3A_173, %parallel_loop3A_174], %parallel_loop3A_170 {strides = array<i32>} : memref<2x64x512xf32, #tpu.memory_space<vmem>>, vector<16xf32>,
        %parallel_loop3A_176 = tpu.vector_load_idx %arg5[%broadcast_in_dim3A_15, %parallel_loop3A_139] : memref<8x33xf32, #tpu.memory_space<vmem>>[vector<16xi32>, vector<16xi32>], vector<16xf32>,
        %parallel_loop3A_177 = arith.constant 30 : i32
        %parallel_loop3A_178 = arith.index_cast %rem3A_70 : i32 to index
        %parallel_loop3A_179 = arith.index_cast %parallel_loop3A_177 : i32 to index
        %parallel_loop3A_180 = arith.index_cast %parallel_loop3A_134 : i32 to index
        %parallel_loop3A_181 = tpu.vector_load %arg7[%parallel_loop3A_178, %parallel_loop3A_179, %parallel_loop3A_180] {strides = array<i32>} : memref<2x64x512xf32, #tpu.memory_space<vmem>>, vector<16xf32>,
        tpu.vector_store %arg7[%parallel_loop3A_178, %parallel_loop3A_179, %parallel_loop3A_180], %parallel_loop3A_176 {strides = array<i32>} : memref<2x64x512xf32, #tpu.memory_space<vmem>>, vector<16xf32>,
        %parallel_loop3A_182 = tpu.vector_load_idx %arg5[%broadcast_in_dim3A_17, %parallel_loop3A_139] : memref<8x33xf32, #tpu.memory_space<vmem>>[vector<16xi32>, vector<16xi32>], vector<16xf32>,
        %parallel_loop3A_183 = arith.constant 31 : i32
        %parallel_loop3A_184 = arith.index_cast %rem3A_70 : i32 to index
        %parallel_loop3A_185 = arith.index_cast %parallel_loop3A_183 : i32 to index
        %parallel_loop3A_186 = arith.index_cast %parallel_loop3A_134 : i32 to index
        %parallel_loop3A_187 = tpu.vector_load %arg7[%parallel_loop3A_184, %parallel_loop3A_185, %parallel_loop3A_186] {strides = array<i32>} : memref<2x64x512xf32, #tpu.memory_space<vmem>>, vector<16xf32>,
        tpu.vector_store %arg7[%parallel_loop3A_184, %parallel_loop3A_185, %parallel_loop3A_186], %parallel_loop3A_182 {strides = array<i32>} : memref<2x64x512xf32, #tpu.memory_space<vmem>>, vector<16xf32>,
      } {sc.loop_unroll_factor = 4 : i64, sc.parallel_access}
      %parallel_loop3A_104 = arith.constant 0 : i32
      %parallel_loop3A_105 = arith.constant 32 : i32
      %parallel_loop3A_106 = arith.constant 1 : i32
      scf.for %parallel_loop3A_132 = %parallel_loop3A_104 to %parallel_loop3A_105 step %parallel_loop3A_106  : i32 {
        %parallel_loop3A_133 = arith.constant 16 : i32
        %parallel_loop3A_134 = arith.muli %parallel_loop3A_132, %parallel_loop3A_133 : i32
        %parallel_loop3A_135 = arith.constant 4 : i32
        %parallel_loop3A_136 = arith.index_cast %rem3A_70 : i32 to index
        %parallel_loop3A_137 = arith.index_cast %parallel_loop3A_135 : i32 to index
        %parallel_loop3A_138 = arith.index_cast %parallel_loop3A_134 : i32 to index
        %parallel_loop3A_139 = tpu.vector_load %arg6[%parallel_loop3A_136, %parallel_loop3A_137, %parallel_loop3A_138] {strides = array<i32>} : memref<2x8x512xi32, #tpu.memory_space<vmem>>, vector<16xi32>,
        %parallel_loop3A_140 = tpu.vector_load_idx %arg5[%broadcast_in_dim3A_3, %parallel_loop3A_139] : memref<8x33xf32, #tpu.memory_space<vmem>>[vector<16xi32>, vector<16xi32>], vector<16xf32>,
        %parallel_loop3A_141 = arith.constant 32 : i32
        %parallel_loop3A_142 = arith.index_cast %rem3A_70 : i32 to index
        %parallel_loop3A_143 = arith.index_cast %parallel_loop3A_141 : i32 to index
        %parallel_loop3A_144 = arith.index_cast %parallel_loop3A_134 : i32 to index
        %parallel_loop3A_145 = tpu.vector_load %arg7[%parallel_loop3A_142, %parallel_loop3A_143, %parallel_loop3A_144] {strides = array<i32>} : memref<2x64x512xf32, #tpu.memory_space<vmem>>, vector<16xf32>,
        tpu.vector_store %arg7[%parallel_loop3A_142, %parallel_loop3A_143, %parallel_loop3A_144], %parallel_loop3A_140 {strides = array<i32>} : memref<2x64x512xf32, #tpu.memory_space<vmem>>, vector<16xf32>,
        %parallel_loop3A_146 = tpu.vector_load_idx %arg5[%broadcast_in_dim3A_5, %parallel_loop3A_139] : memref<8x33xf32, #tpu.memory_space<vmem>>[vector<16xi32>, vector<16xi32>], vector<16xf32>,
        %parallel_loop3A_147 = arith.constant 33 : i32
        %parallel_loop3A_148 = arith.index_cast %rem3A_70 : i32 to index
        %parallel_loop3A_149 = arith.index_cast %parallel_loop3A_147 : i32 to index
        %parallel_loop3A_150 = arith.index_cast %parallel_loop3A_134 : i32 to index
        %parallel_loop3A_151 = tpu.vector_load %arg7[%parallel_loop3A_148, %parallel_loop3A_149, %parallel_loop3A_150] {strides = array<i32>} : memref<2x64x512xf32, #tpu.memory_space<vmem>>, vector<16xf32>,
        tpu.vector_store %arg7[%parallel_loop3A_148, %parallel_loop3A_149, %parallel_loop3A_150], %parallel_loop3A_146 {strides = array<i32>} : memref<2x64x512xf32, #tpu.memory_space<vmem>>, vector<16xf32>,
        %parallel_loop3A_152 = tpu.vector_load_idx %arg5[%broadcast_in_dim3A_7, %parallel_loop3A_139] : memref<8x33xf32, #tpu.memory_space<vmem>>[vector<16xi32>, vector<16xi32>], vector<16xf32>,
        %parallel_loop3A_153 = arith.constant 34 : i32
        %parallel_loop3A_154 = arith.index_cast %rem3A_70 : i32 to index
        %parallel_loop3A_155 = arith.index_cast %parallel_loop3A_153 : i32 to index
        %parallel_loop3A_156 = arith.index_cast %parallel_loop3A_134 : i32 to index
        %parallel_loop3A_157 = tpu.vector_load %arg7[%parallel_loop3A_154, %parallel_loop3A_155, %parallel_loop3A_156] {strides = array<i32>} : memref<2x64x512xf32, #tpu.memory_space<vmem>>, vector<16xf32>,
        tpu.vector_store %arg7[%parallel_loop3A_154, %parallel_loop3A_155, %parallel_loop3A_156], %parallel_loop3A_152 {strides = array<i32>} : memref<2x64x512xf32, #tpu.memory_space<vmem>>, vector<16xf32>,
        %parallel_loop3A_158 = tpu.vector_load_idx %arg5[%broadcast_in_dim3A_9, %parallel_loop3A_139] : memref<8x33xf32, #tpu.memory_space<vmem>>[vector<16xi32>, vector<16xi32>], vector<16xf32>,
        %parallel_loop3A_159 = arith.constant 35 : i32
        %parallel_loop3A_160 = arith.index_cast %rem3A_70 : i32 to index
        %parallel_loop3A_161 = arith.index_cast %parallel_loop3A_159 : i32 to index
        %parallel_loop3A_162 = arith.index_cast %parallel_loop3A_134 : i32 to index
        %parallel_loop3A_163 = tpu.vector_load %arg7[%parallel_loop3A_160, %parallel_loop3A_161, %parallel_loop3A_162] {strides = array<i32>} : memref<2x64x512xf32, #tpu.memory_space<vmem>>, vector<16xf32>,
        tpu.vector_store %arg7[%parallel_loop3A_160, %parallel_loop3A_161, %parallel_loop3A_162], %parallel_loop3A_158 {strides = array<i32>} : memref<2x64x512xf32, #tpu.memory_space<vmem>>, vector<16xf32>,
        %parallel_loop3A_164 = tpu.vector_load_idx %arg5[%broadcast_in_dim3A_11, %parallel_loop3A_139] : memref<8x33xf32, #tpu.memory_space<vmem>>[vector<16xi32>, vector<16xi32>], vector<16xf32>,
        %parallel_loop3A_165 = arith.constant 36 : i32
        %parallel_loop3A_166 = arith.index_cast %rem3A_70 : i32 to index
        %parallel_loop3A_167 = arith.index_cast %parallel_loop3A_165 : i32 to index
        %parallel_loop3A_168 = arith.index_cast %parallel_loop3A_134 : i32 to index
        %parallel_loop3A_169 = tpu.vector_load %arg7[%parallel_loop3A_166, %parallel_loop3A_167, %parallel_loop3A_168] {strides = array<i32>} : memref<2x64x512xf32, #tpu.memory_space<vmem>>, vector<16xf32>,
        tpu.vector_store %arg7[%parallel_loop3A_166, %parallel_loop3A_167, %parallel_loop3A_168], %parallel_loop3A_164 {strides = array<i32>} : memref<2x64x512xf32, #tpu.memory_space<vmem>>, vector<16xf32>,
        %parallel_loop3A_170 = tpu.vector_load_idx %arg5[%broadcast_in_dim3A_13, %parallel_loop3A_139] : memref<8x33xf32, #tpu.memory_space<vmem>>[vector<16xi32>, vector<16xi32>], vector<16xf32>,
        %parallel_loop3A_171 = arith.constant 37 : i32
        %parallel_loop3A_172 = arith.index_cast %rem3A_70 : i32 to index
        %parallel_loop3A_173 = arith.index_cast %parallel_loop3A_171 : i32 to index
        %parallel_loop3A_174 = arith.index_cast %parallel_loop3A_134 : i32 to index
        %parallel_loop3A_175 = tpu.vector_load %arg7[%parallel_loop3A_172, %parallel_loop3A_173, %parallel_loop3A_174] {strides = array<i32>} : memref<2x64x512xf32, #tpu.memory_space<vmem>>, vector<16xf32>,
        tpu.vector_store %arg7[%parallel_loop3A_172, %parallel_loop3A_173, %parallel_loop3A_174], %parallel_loop3A_170 {strides = array<i32>} : memref<2x64x512xf32, #tpu.memory_space<vmem>>, vector<16xf32>,
        %parallel_loop3A_176 = tpu.vector_load_idx %arg5[%broadcast_in_dim3A_15, %parallel_loop3A_139] : memref<8x33xf32, #tpu.memory_space<vmem>>[vector<16xi32>, vector<16xi32>], vector<16xf32>,
        %parallel_loop3A_177 = arith.constant 38 : i32
        %parallel_loop3A_178 = arith.index_cast %rem3A_70 : i32 to index
        %parallel_loop3A_179 = arith.index_cast %parallel_loop3A_177 : i32 to index
        %parallel_loop3A_180 = arith.index_cast %parallel_loop3A_134 : i32 to index
        %parallel_loop3A_181 = tpu.vector_load %arg7[%parallel_loop3A_178, %parallel_loop3A_179, %parallel_loop3A_180] {strides = array<i32>} : memref<2x64x512xf32, #tpu.memory_space<vmem>>, vector<16xf32>,
        tpu.vector_store %arg7[%parallel_loop3A_178, %parallel_loop3A_179, %parallel_loop3A_180], %parallel_loop3A_176 {strides = array<i32>} : memref<2x64x512xf32, #tpu.memory_space<vmem>>, vector<16xf32>,
        %parallel_loop3A_182 = tpu.vector_load_idx %arg5[%broadcast_in_dim3A_17, %parallel_loop3A_139] : memref<8x33xf32, #tpu.memory_space<vmem>>[vector<16xi32>, vector<16xi32>], vector<16xf32>,
        %parallel_loop3A_183 = arith.constant 39 : i32
        %parallel_loop3A_184 = arith.index_cast %rem3A_70 : i32 to index
        %parallel_loop3A_185 = arith.index_cast %parallel_loop3A_183 : i32 to index
        %parallel_loop3A_186 = arith.index_cast %parallel_loop3A_134 : i32 to index
        %parallel_loop3A_187 = tpu.vector_load %arg7[%parallel_loop3A_184, %parallel_loop3A_185, %parallel_loop3A_186] {strides = array<i32>} : memref<2x64x512xf32, #tpu.memory_space<vmem>>, vector<16xf32>,
        tpu.vector_store %arg7[%parallel_loop3A_184, %parallel_loop3A_185, %parallel_loop3A_186], %parallel_loop3A_182 {strides = array<i32>} : memref<2x64x512xf32, #tpu.memory_space<vmem>>, vector<16xf32>,
      } {sc.loop_unroll_factor = 4 : i64, sc.parallel_access}
      %parallel_loop3A_107 = arith.constant 0 : i32
      %parallel_loop3A_108 = arith.constant 32 : i32
      %parallel_loop3A_109 = arith.constant 1 : i32
      scf.for %parallel_loop3A_132 = %parallel_loop3A_107 to %parallel_loop3A_108 step %parallel_loop3A_109  : i32 {
        %parallel_loop3A_133 = arith.constant 16 : i32
        %parallel_loop3A_134 = arith.muli %parallel_loop3A_132, %parallel_loop3A_133 : i32
        %parallel_loop3A_135 = arith.constant 5 : i32
        %parallel_loop3A_136 = arith.index_cast %rem3A_70 : i32 to index
        %parallel_loop3A_137 = arith.index_cast %parallel_loop3A_135 : i32 to index
        %parallel_loop3A_138 = arith.index_cast %parallel_loop3A_134 : i32 to index
        %parallel_loop3A_139 = tpu.vector_load %arg6[%parallel_loop3A_136, %parallel_loop3A_137, %parallel_loop3A_138] {strides = array<i32>} : memref<2x8x512xi32, #tpu.memory_space<vmem>>, vector<16xi32>,
        %parallel_loop3A_140 = tpu.vector_load_idx %arg5[%broadcast_in_dim3A_3, %parallel_loop3A_139] : memref<8x33xf32, #tpu.memory_space<vmem>>[vector<16xi32>, vector<16xi32>], vector<16xf32>,
        %parallel_loop3A_141 = arith.constant 40 : i32
        %parallel_loop3A_142 = arith.index_cast %rem3A_70 : i32 to index
        %parallel_loop3A_143 = arith.index_cast %parallel_loop3A_141 : i32 to index
        %parallel_loop3A_144 = arith.index_cast %parallel_loop3A_134 : i32 to index
        %parallel_loop3A_145 = tpu.vector_load %arg7[%parallel_loop3A_142, %parallel_loop3A_143, %parallel_loop3A_144] {strides = array<i32>} : memref<2x64x512xf32, #tpu.memory_space<vmem>>, vector<16xf32>,
        tpu.vector_store %arg7[%parallel_loop3A_142, %parallel_loop3A_143, %parallel_loop3A_144], %parallel_loop3A_140 {strides = array<i32>} : memref<2x64x512xf32, #tpu.memory_space<vmem>>, vector<16xf32>,
        %parallel_loop3A_146 = tpu.vector_load_idx %arg5[%broadcast_in_dim3A_5, %parallel_loop3A_139] : memref<8x33xf32, #tpu.memory_space<vmem>>[vector<16xi32>, vector<16xi32>], vector<16xf32>,
        %parallel_loop3A_147 = arith.constant 41 : i32
        %parallel_loop3A_148 = arith.index_cast %rem3A_70 : i32 to index
        %parallel_loop3A_149 = arith.index_cast %parallel_loop3A_147 : i32 to index
        %parallel_loop3A_150 = arith.index_cast %parallel_loop3A_134 : i32 to index
        %parallel_loop3A_151 = tpu.vector_load %arg7[%parallel_loop3A_148, %parallel_loop3A_149, %parallel_loop3A_150] {strides = array<i32>} : memref<2x64x512xf32, #tpu.memory_space<vmem>>, vector<16xf32>,
        tpu.vector_store %arg7[%parallel_loop3A_148, %parallel_loop3A_149, %parallel_loop3A_150], %parallel_loop3A_146 {strides = array<i32>} : memref<2x64x512xf32, #tpu.memory_space<vmem>>, vector<16xf32>,
        %parallel_loop3A_152 = tpu.vector_load_idx %arg5[%broadcast_in_dim3A_7, %parallel_loop3A_139] : memref<8x33xf32, #tpu.memory_space<vmem>>[vector<16xi32>, vector<16xi32>], vector<16xf32>,
        %parallel_loop3A_153 = arith.constant 42 : i32
        %parallel_loop3A_154 = arith.index_cast %rem3A_70 : i32 to index
        %parallel_loop3A_155 = arith.index_cast %parallel_loop3A_153 : i32 to index
        %parallel_loop3A_156 = arith.index_cast %parallel_loop3A_134 : i32 to index
        %parallel_loop3A_157 = tpu.vector_load %arg7[%parallel_loop3A_154, %parallel_loop3A_155, %parallel_loop3A_156] {strides = array<i32>} : memref<2x64x512xf32, #tpu.memory_space<vmem>>, vector<16xf32>,
        tpu.vector_store %arg7[%parallel_loop3A_154, %parallel_loop3A_155, %parallel_loop3A_156], %parallel_loop3A_152 {strides = array<i32>} : memref<2x64x512xf32, #tpu.memory_space<vmem>>, vector<16xf32>,
        %parallel_loop3A_158 = tpu.vector_load_idx %arg5[%broadcast_in_dim3A_9, %parallel_loop3A_139] : memref<8x33xf32, #tpu.memory_space<vmem>>[vector<16xi32>, vector<16xi32>], vector<16xf32>,
        %parallel_loop3A_159 = arith.constant 43 : i32
        %parallel_loop3A_160 = arith.index_cast %rem3A_70 : i32 to index
        %parallel_loop3A_161 = arith.index_cast %parallel_loop3A_159 : i32 to index
        %parallel_loop3A_162 = arith.index_cast %parallel_loop3A_134 : i32 to index
        %parallel_loop3A_163 = tpu.vector_load %arg7[%parallel_loop3A_160, %parallel_loop3A_161, %parallel_loop3A_162] {strides = array<i32>} : memref<2x64x512xf32, #tpu.memory_space<vmem>>, vector<16xf32>,
        tpu.vector_store %arg7[%parallel_loop3A_160, %parallel_loop3A_161, %parallel_loop3A_162], %parallel_loop3A_158 {strides = array<i32>} : memref<2x64x512xf32, #tpu.memory_space<vmem>>, vector<16xf32>,
        %parallel_loop3A_164 = tpu.vector_load_idx %arg5[%broadcast_in_dim3A_11, %parallel_loop3A_139] : memref<8x33xf32, #tpu.memory_space<vmem>>[vector<16xi32>, vector<16xi32>], vector<16xf32>,
        %parallel_loop3A_165 = arith.constant 44 : i32
        %parallel_loop3A_166 = arith.index_cast %rem3A_70 : i32 to index
        %parallel_loop3A_167 = arith.index_cast %parallel_loop3A_165 : i32 to index
        %parallel_loop3A_168 = arith.index_cast %parallel_loop3A_134 : i32 to index
        %parallel_loop3A_169 = tpu.vector_load %arg7[%parallel_loop3A_166, %parallel_loop3A_167, %parallel_loop3A_168] {strides = array<i32>} : memref<2x64x512xf32, #tpu.memory_space<vmem>>, vector<16xf32>,
        tpu.vector_store %arg7[%parallel_loop3A_166, %parallel_loop3A_167, %parallel_loop3A_168], %parallel_loop3A_164 {strides = array<i32>} : memref<2x64x512xf32, #tpu.memory_space<vmem>>, vector<16xf32>,
        %parallel_loop3A_170 = tpu.vector_load_idx %arg5[%broadcast_in_dim3A_13, %parallel_loop3A_139] : memref<8x33xf32, #tpu.memory_space<vmem>>[vector<16xi32>, vector<16xi32>], vector<16xf32>,
        %parallel_loop3A_171 = arith.constant 45 : i32
        %parallel_loop3A_172 = arith.index_cast %rem3A_70 : i32 to index
        %parallel_loop3A_173 = arith.index_cast %parallel_loop3A_171 : i32 to index
        %parallel_loop3A_174 = arith.index_cast %parallel_loop3A_134 : i32 to index
        %parallel_loop3A_175 = tpu.vector_load %arg7[%parallel_loop3A_172, %parallel_loop3A_173, %parallel_loop3A_174] {strides = array<i32>} : memref<2x64x512xf32, #tpu.memory_space<vmem>>, vector<16xf32>,
        tpu.vector_store %arg7[%parallel_loop3A_172, %parallel_loop3A_173, %parallel_loop3A_174], %parallel_loop3A_170 {strides = array<i32>} : memref<2x64x512xf32, #tpu.memory_space<vmem>>, vector<16xf32>,
        %parallel_loop3A_176 = tpu.vector_load_idx %arg5[%broadcast_in_dim3A_15, %parallel_loop3A_139] : memref<8x33xf32, #tpu.memory_space<vmem>>[vector<16xi32>, vector<16xi32>], vector<16xf32>,
        %parallel_loop3A_177 = arith.constant 46 : i32
        %parallel_loop3A_178 = arith.index_cast %rem3A_70 : i32 to index
        %parallel_loop3A_179 = arith.index_cast %parallel_loop3A_177 : i32 to index
        %parallel_loop3A_180 = arith.index_cast %parallel_loop3A_134 : i32 to index
        %parallel_loop3A_181 = tpu.vector_load %arg7[%parallel_loop3A_178, %parallel_loop3A_179, %parallel_loop3A_180] {strides = array<i32>} : memref<2x64x512xf32, #tpu.memory_space<vmem>>, vector<16xf32>,
        tpu.vector_store %arg7[%parallel_loop3A_178, %parallel_loop3A_179, %parallel_loop3A_180], %parallel_loop3A_176 {strides = array<i32>} : memref<2x64x512xf32, #tpu.memory_space<vmem>>, vector<16xf32>,
        %parallel_loop3A_182 = tpu.vector_load_idx %arg5[%broadcast_in_dim3A_17, %parallel_loop3A_139] : memref<8x33xf32, #tpu.memory_space<vmem>>[vector<16xi32>, vector<16xi32>], vector<16xf32>,
        %parallel_loop3A_183 = arith.constant 47 : i32
        %parallel_loop3A_184 = arith.index_cast %rem3A_70 : i32 to index
        %parallel_loop3A_185 = arith.index_cast %parallel_loop3A_183 : i32 to index
        %parallel_loop3A_186 = arith.index_cast %parallel_loop3A_134 : i32 to index
        %parallel_loop3A_187 = tpu.vector_load %arg7[%parallel_loop3A_184, %parallel_loop3A_185, %parallel_loop3A_186] {strides = array<i32>} : memref<2x64x512xf32, #tpu.memory_space<vmem>>, vector<16xf32>,
        tpu.vector_store %arg7[%parallel_loop3A_184, %parallel_loop3A_185, %parallel_loop3A_186], %parallel_loop3A_182 {strides = array<i32>} : memref<2x64x512xf32, #tpu.memory_space<vmem>>, vector<16xf32>,
      } {sc.loop_unroll_factor = 4 : i64, sc.parallel_access}
      %parallel_loop3A_110 = arith.constant 0 : i32
      %parallel_loop3A_111 = arith.constant 32 : i32
      %parallel_loop3A_112 = arith.constant 1 : i32
      scf.for %parallel_loop3A_132 = %parallel_loop3A_110 to %parallel_loop3A_111 step %parallel_loop3A_112  : i32 {
        %parallel_loop3A_133 = arith.constant 16 : i32
        %parallel_loop3A_134 = arith.muli %parallel_loop3A_132, %parallel_loop3A_133 : i32
        %parallel_loop3A_135 = arith.constant 6 : i32
        %parallel_loop3A_136 = arith.index_cast %rem3A_70 : i32 to index
        %parallel_loop3A_137 = arith.index_cast %parallel_loop3A_135 : i32 to index
        %parallel_loop3A_138 = arith.index_cast %parallel_loop3A_134 : i32 to index
        %parallel_loop3A_139 = tpu.vector_load %arg6[%parallel_loop3A_136, %parallel_loop3A_137, %parallel_loop3A_138] {strides = array<i32>} : memref<2x8x512xi32, #tpu.memory_space<vmem>>, vector<16xi32>,
        %parallel_loop3A_140 = tpu.vector_load_idx %arg5[%broadcast_in_dim3A_3, %parallel_loop3A_139] : memref<8x33xf32, #tpu.memory_space<vmem>>[vector<16xi32>, vector<16xi32>], vector<16xf32>,
        %parallel_loop3A_141 = arith.constant 48 : i32
        %parallel_loop3A_142 = arith.index_cast %rem3A_70 : i32 to index
        %parallel_loop3A_143 = arith.index_cast %parallel_loop3A_141 : i32 to index
        %parallel_loop3A_144 = arith.index_cast %parallel_loop3A_134 : i32 to index
        %parallel_loop3A_145 = tpu.vector_load %arg7[%parallel_loop3A_142, %parallel_loop3A_143, %parallel_loop3A_144] {strides = array<i32>} : memref<2x64x512xf32, #tpu.memory_space<vmem>>, vector<16xf32>,
        tpu.vector_store %arg7[%parallel_loop3A_142, %parallel_loop3A_143, %parallel_loop3A_144], %parallel_loop3A_140 {strides = array<i32>} : memref<2x64x512xf32, #tpu.memory_space<vmem>>, vector<16xf32>,
        %parallel_loop3A_146 = tpu.vector_load_idx %arg5[%broadcast_in_dim3A_5, %parallel_loop3A_139] : memref<8x33xf32, #tpu.memory_space<vmem>>[vector<16xi32>, vector<16xi32>], vector<16xf32>,
        %parallel_loop3A_147 = arith.constant 49 : i32
        %parallel_loop3A_148 = arith.index_cast %rem3A_70 : i32 to index
        %parallel_loop3A_149 = arith.index_cast %parallel_loop3A_147 : i32 to index
        %parallel_loop3A_150 = arith.index_cast %parallel_loop3A_134 : i32 to index
        %parallel_loop3A_151 = tpu.vector_load %arg7[%parallel_loop3A_148, %parallel_loop3A_149, %parallel_loop3A_150] {strides = array<i32>} : memref<2x64x512xf32, #tpu.memory_space<vmem>>, vector<16xf32>,
        tpu.vector_store %arg7[%parallel_loop3A_148, %parallel_loop3A_149, %parallel_loop3A_150], %parallel_loop3A_146 {strides = array<i32>} : memref<2x64x512xf32, #tpu.memory_space<vmem>>, vector<16xf32>,
        %parallel_loop3A_152 = tpu.vector_load_idx %arg5[%broadcast_in_dim3A_7, %parallel_loop3A_139] : memref<8x33xf32, #tpu.memory_space<vmem>>[vector<16xi32>, vector<16xi32>], vector<16xf32>,
        %parallel_loop3A_153 = arith.constant 50 : i32
        %parallel_loop3A_154 = arith.index_cast %rem3A_70 : i32 to index
        %parallel_loop3A_155 = arith.index_cast %parallel_loop3A_153 : i32 to index
        %parallel_loop3A_156 = arith.index_cast %parallel_loop3A_134 : i32 to index
        %parallel_loop3A_157 = tpu.vector_load %arg7[%parallel_loop3A_154, %parallel_loop3A_155, %parallel_loop3A_156] {strides = array<i32>} : memref<2x64x512xf32, #tpu.memory_space<vmem>>, vector<16xf32>,
        tpu.vector_store %arg7[%parallel_loop3A_154, %parallel_loop3A_155, %parallel_loop3A_156], %parallel_loop3A_152 {strides = array<i32>} : memref<2x64x512xf32, #tpu.memory_space<vmem>>, vector<16xf32>,
        %parallel_loop3A_158 = tpu.vector_load_idx %arg5[%broadcast_in_dim3A_9, %parallel_loop3A_139] : memref<8x33xf32, #tpu.memory_space<vmem>>[vector<16xi32>, vector<16xi32>], vector<16xf32>,
        %parallel_loop3A_159 = arith.constant 51 : i32
        %parallel_loop3A_160 = arith.index_cast %rem3A_70 : i32 to index
        %parallel_loop3A_161 = arith.index_cast %parallel_loop3A_159 : i32 to index
        %parallel_loop3A_162 = arith.index_cast %parallel_loop3A_134 : i32 to index
        %parallel_loop3A_163 = tpu.vector_load %arg7[%parallel_loop3A_160, %parallel_loop3A_161, %parallel_loop3A_162] {strides = array<i32>} : memref<2x64x512xf32, #tpu.memory_space<vmem>>, vector<16xf32>,
        tpu.vector_store %arg7[%parallel_loop3A_160, %parallel_loop3A_161, %parallel_loop3A_162], %parallel_loop3A_158 {strides = array<i32>} : memref<2x64x512xf32, #tpu.memory_space<vmem>>, vector<16xf32>,
        %parallel_loop3A_164 = tpu.vector_load_idx %arg5[%broadcast_in_dim3A_11, %parallel_loop3A_139] : memref<8x33xf32, #tpu.memory_space<vmem>>[vector<16xi32>, vector<16xi32>], vector<16xf32>,
        %parallel_loop3A_165 = arith.constant 52 : i32
        %parallel_loop3A_166 = arith.index_cast %rem3A_70 : i32 to index
        %parallel_loop3A_167 = arith.index_cast %parallel_loop3A_165 : i32 to index
        %parallel_loop3A_168 = arith.index_cast %parallel_loop3A_134 : i32 to index
        %parallel_loop3A_169 = tpu.vector_load %arg7[%parallel_loop3A_166, %parallel_loop3A_167, %parallel_loop3A_168] {strides = array<i32>} : memref<2x64x512xf32, #tpu.memory_space<vmem>>, vector<16xf32>,
        tpu.vector_store %arg7[%parallel_loop3A_166, %parallel_loop3A_167, %parallel_loop3A_168], %parallel_loop3A_164 {strides = array<i32>} : memref<2x64x512xf32, #tpu.memory_space<vmem>>, vector<16xf32>,
        %parallel_loop3A_170 = tpu.vector_load_idx %arg5[%broadcast_in_dim3A_13, %parallel_loop3A_139] : memref<8x33xf32, #tpu.memory_space<vmem>>[vector<16xi32>, vector<16xi32>], vector<16xf32>,
        %parallel_loop3A_171 = arith.constant 53 : i32
        %parallel_loop3A_172 = arith.index_cast %rem3A_70 : i32 to index
        %parallel_loop3A_173 = arith.index_cast %parallel_loop3A_171 : i32 to index
        %parallel_loop3A_174 = arith.index_cast %parallel_loop3A_134 : i32 to index
        %parallel_loop3A_175 = tpu.vector_load %arg7[%parallel_loop3A_172, %parallel_loop3A_173, %parallel_loop3A_174] {strides = array<i32>} : memref<2x64x512xf32, #tpu.memory_space<vmem>>, vector<16xf32>,
        tpu.vector_store %arg7[%parallel_loop3A_172, %parallel_loop3A_173, %parallel_loop3A_174], %parallel_loop3A_170 {strides = array<i32>} : memref<2x64x512xf32, #tpu.memory_space<vmem>>, vector<16xf32>,
        %parallel_loop3A_176 = tpu.vector_load_idx %arg5[%broadcast_in_dim3A_15, %parallel_loop3A_139] : memref<8x33xf32, #tpu.memory_space<vmem>>[vector<16xi32>, vector<16xi32>], vector<16xf32>,
        %parallel_loop3A_177 = arith.constant 54 : i32
        %parallel_loop3A_178 = arith.index_cast %rem3A_70 : i32 to index
        %parallel_loop3A_179 = arith.index_cast %parallel_loop3A_177 : i32 to index
        %parallel_loop3A_180 = arith.index_cast %parallel_loop3A_134 : i32 to index
        %parallel_loop3A_181 = tpu.vector_load %arg7[%parallel_loop3A_178, %parallel_loop3A_179, %parallel_loop3A_180] {strides = array<i32>} : memref<2x64x512xf32, #tpu.memory_space<vmem>>, vector<16xf32>,
        tpu.vector_store %arg7[%parallel_loop3A_178, %parallel_loop3A_179, %parallel_loop3A_180], %parallel_loop3A_176 {strides = array<i32>} : memref<2x64x512xf32, #tpu.memory_space<vmem>>, vector<16xf32>,
        %parallel_loop3A_182 = tpu.vector_load_idx %arg5[%broadcast_in_dim3A_17, %parallel_loop3A_139] : memref<8x33xf32, #tpu.memory_space<vmem>>[vector<16xi32>, vector<16xi32>], vector<16xf32>,
        %parallel_loop3A_183 = arith.constant 55 : i32
        %parallel_loop3A_184 = arith.index_cast %rem3A_70 : i32 to index
        %parallel_loop3A_185 = arith.index_cast %parallel_loop3A_183 : i32 to index
        %parallel_loop3A_186 = arith.index_cast %parallel_loop3A_134 : i32 to index
        %parallel_loop3A_187 = tpu.vector_load %arg7[%parallel_loop3A_184, %parallel_loop3A_185, %parallel_loop3A_186] {strides = array<i32>} : memref<2x64x512xf32, #tpu.memory_space<vmem>>, vector<16xf32>,
        tpu.vector_store %arg7[%parallel_loop3A_184, %parallel_loop3A_185, %parallel_loop3A_186], %parallel_loop3A_182 {strides = array<i32>} : memref<2x64x512xf32, #tpu.memory_space<vmem>>, vector<16xf32>,
      } {sc.loop_unroll_factor = 4 : i64, sc.parallel_access}
      %parallel_loop3A_113 = arith.constant 0 : i32
      %parallel_loop3A_114 = arith.constant 32 : i32
      %parallel_loop3A_115 = arith.constant 1 : i32
      scf.for %parallel_loop3A_132 = %parallel_loop3A_113 to %parallel_loop3A_114 step %parallel_loop3A_115  : i32 {
        %parallel_loop3A_133 = arith.constant 16 : i32
        %parallel_loop3A_134 = arith.muli %parallel_loop3A_132, %parallel_loop3A_133 : i32
        %parallel_loop3A_135 = arith.constant 7 : i32
        %parallel_loop3A_136 = arith.index_cast %rem3A_70 : i32 to index
        %parallel_loop3A_137 = arith.index_cast %parallel_loop3A_135 : i32 to index
        %parallel_loop3A_138 = arith.index_cast %parallel_loop3A_134 : i32 to index
        %parallel_loop3A_139 = tpu.vector_load %arg6[%parallel_loop3A_136, %parallel_loop3A_137, %parallel_loop3A_138] {strides = array<i32>} : memref<2x8x512xi32, #tpu.memory_space<vmem>>, vector<16xi32>,
        %parallel_loop3A_140 = tpu.vector_load_idx %arg5[%broadcast_in_dim3A_3, %parallel_loop3A_139] : memref<8x33xf32, #tpu.memory_space<vmem>>[vector<16xi32>, vector<16xi32>], vector<16xf32>,
        %parallel_loop3A_141 = arith.constant 56 : i32
        %parallel_loop3A_142 = arith.index_cast %rem3A_70 : i32 to index
        %parallel_loop3A_143 = arith.index_cast %parallel_loop3A_141 : i32 to index
        %parallel_loop3A_144 = arith.index_cast %parallel_loop3A_134 : i32 to index
        %parallel_loop3A_145 = tpu.vector_load %arg7[%parallel_loop3A_142, %parallel_loop3A_143, %parallel_loop3A_144] {strides = array<i32>} : memref<2x64x512xf32, #tpu.memory_space<vmem>>, vector<16xf32>,
        tpu.vector_store %arg7[%parallel_loop3A_142, %parallel_loop3A_143, %parallel_loop3A_144], %parallel_loop3A_140 {strides = array<i32>} : memref<2x64x512xf32, #tpu.memory_space<vmem>>, vector<16xf32>,
        %parallel_loop3A_146 = tpu.vector_load_idx %arg5[%broadcast_in_dim3A_5, %parallel_loop3A_139] : memref<8x33xf32, #tpu.memory_space<vmem>>[vector<16xi32>, vector<16xi32>], vector<16xf32>,
        %parallel_loop3A_147 = arith.constant 57 : i32
        %parallel_loop3A_148 = arith.index_cast %rem3A_70 : i32 to index
        %parallel_loop3A_149 = arith.index_cast %parallel_loop3A_147 : i32 to index
        %parallel_loop3A_150 = arith.index_cast %parallel_loop3A_134 : i32 to index
        %parallel_loop3A_151 = tpu.vector_load %arg7[%parallel_loop3A_148, %parallel_loop3A_149, %parallel_loop3A_150] {strides = array<i32>} : memref<2x64x512xf32, #tpu.memory_space<vmem>>, vector<16xf32>,
        tpu.vector_store %arg7[%parallel_loop3A_148, %parallel_loop3A_149, %parallel_loop3A_150], %parallel_loop3A_146 {strides = array<i32>} : memref<2x64x512xf32, #tpu.memory_space<vmem>>, vector<16xf32>,
        %parallel_loop3A_152 = tpu.vector_load_idx %arg5[%broadcast_in_dim3A_7, %parallel_loop3A_139] : memref<8x33xf32, #tpu.memory_space<vmem>>[vector<16xi32>, vector<16xi32>], vector<16xf32>,
        %parallel_loop3A_153 = arith.constant 58 : i32
        %parallel_loop3A_154 = arith.index_cast %rem3A_70 : i32 to index
        %parallel_loop3A_155 = arith.index_cast %parallel_loop3A_153 : i32 to index
        %parallel_loop3A_156 = arith.index_cast %parallel_loop3A_134 : i32 to index
        %parallel_loop3A_157 = tpu.vector_load %arg7[%parallel_loop3A_154, %parallel_loop3A_155, %parallel_loop3A_156] {strides = array<i32>} : memref<2x64x512xf32, #tpu.memory_space<vmem>>, vector<16xf32>,
        tpu.vector_store %arg7[%parallel_loop3A_154, %parallel_loop3A_155, %parallel_loop3A_156], %parallel_loop3A_152 {strides = array<i32>} : memref<2x64x512xf32, #tpu.memory_space<vmem>>, vector<16xf32>,
        %parallel_loop3A_158 = tpu.vector_load_idx %arg5[%broadcast_in_dim3A_9, %parallel_loop3A_139] : memref<8x33xf32, #tpu.memory_space<vmem>>[vector<16xi32>, vector<16xi32>], vector<16xf32>,
        %parallel_loop3A_159 = arith.constant 59 : i32
        %parallel_loop3A_160 = arith.index_cast %rem3A_70 : i32 to index
        %parallel_loop3A_161 = arith.index_cast %parallel_loop3A_159 : i32 to index
        %parallel_loop3A_162 = arith.index_cast %parallel_loop3A_134 : i32 to index
        %parallel_loop3A_163 = tpu.vector_load %arg7[%parallel_loop3A_160, %parallel_loop3A_161, %parallel_loop3A_162] {strides = array<i32>} : memref<2x64x512xf32, #tpu.memory_space<vmem>>, vector<16xf32>,
        tpu.vector_store %arg7[%parallel_loop3A_160, %parallel_loop3A_161, %parallel_loop3A_162], %parallel_loop3A_158 {strides = array<i32>} : memref<2x64x512xf32, #tpu.memory_space<vmem>>, vector<16xf32>,
        %parallel_loop3A_164 = tpu.vector_load_idx %arg5[%broadcast_in_dim3A_11, %parallel_loop3A_139] : memref<8x33xf32, #tpu.memory_space<vmem>>[vector<16xi32>, vector<16xi32>], vector<16xf32>,
        %parallel_loop3A_165 = arith.constant 60 : i32
        %parallel_loop3A_166 = arith.index_cast %rem3A_70 : i32 to index
        %parallel_loop3A_167 = arith.index_cast %parallel_loop3A_165 : i32 to index
        %parallel_loop3A_168 = arith.index_cast %parallel_loop3A_134 : i32 to index
        %parallel_loop3A_169 = tpu.vector_load %arg7[%parallel_loop3A_166, %parallel_loop3A_167, %parallel_loop3A_168] {strides = array<i32>} : memref<2x64x512xf32, #tpu.memory_space<vmem>>, vector<16xf32>,
        tpu.vector_store %arg7[%parallel_loop3A_166, %parallel_loop3A_167, %parallel_loop3A_168], %parallel_loop3A_164 {strides = array<i32>} : memref<2x64x512xf32, #tpu.memory_space<vmem>>, vector<16xf32>,
        %parallel_loop3A_170 = tpu.vector_load_idx %arg5[%broadcast_in_dim3A_13, %parallel_loop3A_139] : memref<8x33xf32, #tpu.memory_space<vmem>>[vector<16xi32>, vector<16xi32>], vector<16xf32>,
        %parallel_loop3A_171 = arith.constant 61 : i32
        %parallel_loop3A_172 = arith.index_cast %rem3A_70 : i32 to index
        %parallel_loop3A_173 = arith.index_cast %parallel_loop3A_171 : i32 to index
        %parallel_loop3A_174 = arith.index_cast %parallel_loop3A_134 : i32 to index
        %parallel_loop3A_175 = tpu.vector_load %arg7[%parallel_loop3A_172, %parallel_loop3A_173, %parallel_loop3A_174] {strides = array<i32>} : memref<2x64x512xf32, #tpu.memory_space<vmem>>, vector<16xf32>,
        tpu.vector_store %arg7[%parallel_loop3A_172, %parallel_loop3A_173, %parallel_loop3A_174], %parallel_loop3A_170 {strides = array<i32>} : memref<2x64x512xf32, #tpu.memory_space<vmem>>, vector<16xf32>,
        %parallel_loop3A_176 = tpu.vector_load_idx %arg5[%broadcast_in_dim3A_15, %parallel_loop3A_139] : memref<8x33xf32, #tpu.memory_space<vmem>>[vector<16xi32>, vector<16xi32>], vector<16xf32>,
        %parallel_loop3A_177 = arith.constant 62 : i32
        %parallel_loop3A_178 = arith.index_cast %rem3A_70 : i32 to index
        %parallel_loop3A_179 = arith.index_cast %parallel_loop3A_177 : i32 to index
        %parallel_loop3A_180 = arith.index_cast %parallel_loop3A_134 : i32 to index
        %parallel_loop3A_181 = tpu.vector_load %arg7[%parallel_loop3A_178, %parallel_loop3A_179, %parallel_loop3A_180] {strides = array<i32>} : memref<2x64x512xf32, #tpu.memory_space<vmem>>, vector<16xf32>,
        tpu.vector_store %arg7[%parallel_loop3A_178, %parallel_loop3A_179, %parallel_loop3A_180], %parallel_loop3A_176 {strides = array<i32>} : memref<2x64x512xf32, #tpu.memory_space<vmem>>, vector<16xf32>,
        %parallel_loop3A_182 = tpu.vector_load_idx %arg5[%broadcast_in_dim3A_17, %parallel_loop3A_139] : memref<8x33xf32, #tpu.memory_space<vmem>>[vector<16xi32>, vector<16xi32>], vector<16xf32>,
        %parallel_loop3A_183 = arith.constant 63 : i32
        %parallel_loop3A_184 = arith.index_cast %rem3A_70 : i32 to index
        %parallel_loop3A_185 = arith.index_cast %parallel_loop3A_183 : i32 to index
        %parallel_loop3A_186 = arith.index_cast %parallel_loop3A_134 : i32 to index
        %parallel_loop3A_187 = tpu.vector_load %arg7[%parallel_loop3A_184, %parallel_loop3A_185, %parallel_loop3A_186] {strides = array<i32>} : memref<2x64x512xf32, #tpu.memory_space<vmem>>, vector<16xf32>,
        tpu.vector_store %arg7[%parallel_loop3A_184, %parallel_loop3A_185, %parallel_loop3A_186], %parallel_loop3A_182 {strides = array<i32>} : memref<2x64x512xf32, #tpu.memory_space<vmem>>, vector<16xf32>,
      } {sc.loop_unroll_factor = 4 : i64, sc.parallel_access}
      %mul3A_116 = arith.constant 8 : i32
      %mul3A_117 = arith.muli %scan3A_69, %mul3A_116 : i32
      %mul3A_118 = arith.constant 8 : i32
      %mul3A_119 = arith.muli %mul3A_117, %mul3A_118 : i32
      %dma_start3A_120 = arith.constant 0 : i32
      %dma_start3A_121 = arith.constant 0 : i32
      %dma_start3A_122 = tpu.memref_slice %arg7[%rem3A_70, %dma_start3A_120, %dma_start3A_121] : memref<2x64x512xf32, #tpu.memory_space<vmem>> -> memref<1x64x512xf32, #tpu.memory_space<vmem>>
      %dma_start3A_123 = tpu.memref_squeeze %dma_start3A_122 : memref<1x64x512xf32, #tpu.memory_space<vmem>> -> memref<64x512xf32, #tpu.memory_space<vmem>>
      %dma_start3A_124 = tpu.memref_slice %arg4[%mul3A_119, %mul3A_2] : memref<1600x16384xf32, #tpu.memory_space<hbm>> -> memref<64x512xf32, #tpu.memory_space<hbm>>
      %dma_start3A_125 = tpu.memref_slice %arg9[%rem3A_70] : memref<2x!tpu.dma_semaphore, #tpu.memory_space<semaphore_mem>> -> memref<1x!tpu.dma_semaphore, #tpu.memory_space<semaphore_mem>>
      %dma_start3A_126 = tpu.memref_squeeze %dma_start3A_125 : memref<1x!tpu.dma_semaphore, #tpu.memory_space<semaphore_mem>> -> memref<!tpu.dma_semaphore, #tpu.memory_space<semaphore_mem>>
      %dma_start3A_127 = tpu.memref_slice %arg4[%mul3A_119, %mul3A_2] : memref<1600x16384xf32, #tpu.memory_space<hbm>> -> memref<64x512xf32, #tpu.memory_space<hbm>>
      %dma_start3A_128 = arith.constant 0 : i32
      %dma_start3A_129 = arith.constant 0 : i32
      %dma_start3A_130 = tpu.memref_slice %arg7[%rem3A_70, %dma_start3A_128, %dma_start3A_129] : memref<2x64x512xf32, #tpu.memory_space<vmem>> -> memref<1x64x512xf32, #tpu.memory_space<vmem>>
      %dma_start3A_131 = tpu.memref_squeeze %dma_start3A_130 : memref<1x64x512xf32, #tpu.memory_space<vmem>> -> memref<64x512xf32, #tpu.memory_space<vmem>>
      tpu.enqueue_dma source(%dma_start3A_131 : memref<64x512xf32, #tpu.memory_space<vmem>>) target(%dma_start3A_127 : memref<64x512xf32, #tpu.memory_space<hbm>>) target_semaphore(%dma_start3A_126 : memref<!tpu.dma_semaphore, #tpu.memory_space<semaphore_mem>>)
    }
    %scan3A_37 = arith.constant 25 : i32
    %dma_wait3A = arith.constant 1 : i32
    %dma_wait3A_38 = arith.constant 1 : i32
    %dma_wait3A_39 = arith.constant 0 : i32
    %dma_wait3A_40 = arith.constant 0 : i32
    %dma_wait3A_41 = tpu.memref_slice %arg7[%dma_wait3A, %dma_wait3A_39, %dma_wait3A_40] : memref<2x64x512xf32, #tpu.memory_space<vmem>> -> memref<1x64x512xf32, #tpu.memory_space<vmem>>
    %dma_wait3A_42 = tpu.memref_squeeze %dma_wait3A_41 : memref<1x64x512xf32, #tpu.memory_space<vmem>> -> memref<64x512xf32, #tpu.memory_space<vmem>>
    %dma_wait3A_43 = arith.constant 0 : i32
    %dma_wait3A_44 = tpu.memref_slice %arg4[%dma_wait3A_43, %mul3A_2] : memref<1600x16384xf32, #tpu.memory_space<hbm>> -> memref<64x512xf32, #tpu.memory_space<hbm>>
    %dma_wait3A_45 = tpu.memref_slice %arg9[%dma_wait3A_38] : memref<2x!tpu.dma_semaphore, #tpu.memory_space<semaphore_mem>> -> memref<1x!tpu.dma_semaphore, #tpu.memory_space<semaphore_mem>>
    %dma_wait3A_46 = tpu.memref_squeeze %dma_wait3A_45 : memref<1x!tpu.dma_semaphore, #tpu.memory_space<semaphore_mem>> -> memref<!tpu.dma_semaphore, #tpu.memory_space<semaphore_mem>>
    %dma_wait3A_47 = arith.constant 0 : i32
    %dma_wait3A_48 = tpu.memref_slice %arg4[%dma_wait3A_47, %mul3A_2] : memref<1600x16384xf32, #tpu.memory_space<hbm>> -> memref<64x512xf32, #tpu.memory_space<hbm>>
    %dma_wait3A_49 = arith.constant 0 : i32
    %dma_wait3A_50 = arith.constant 0 : i32
    %dma_wait3A_51 = tpu.memref_slice %arg7[%dma_wait3A, %dma_wait3A_49, %dma_wait3A_50] : memref<2x64x512xf32, #tpu.memory_space<vmem>> -> memref<1x64x512xf32, #tpu.memory_space<vmem>>
    %dma_wait3A_52 = tpu.memref_squeeze %dma_wait3A_51 : memref<1x64x512xf32, #tpu.memory_space<vmem>> -> memref<64x512xf32, #tpu.memory_space<vmem>>
    tpu.wait_dma2 semaphore(%dma_wait3A_46 : memref<!tpu.dma_semaphore, #tpu.memory_space<semaphore_mem>>) src(%dma_wait3A_52 : memref<64x512xf32, #tpu.memory_space<vmem>>) dst(%dma_wait3A_48 : memref<64x512xf32, #tpu.memory_space<hbm>>)
    %dma_wait3A_53 = arith.constant 0 : i32
    %dma_wait3A_54 = arith.constant 0 : i32
    %dma_wait3A_55 = arith.constant 0 : i32
    %dma_wait3A_56 = arith.constant 0 : i32
    %dma_wait3A_57 = tpu.memref_slice %arg7[%dma_wait3A_53, %dma_wait3A_55, %dma_wait3A_56] : memref<2x64x512xf32, #tpu.memory_space<vmem>> -> memref<1x64x512xf32, #tpu.memory_space<vmem>>
    %dma_wait3A_58 = tpu.memref_squeeze %dma_wait3A_57 : memref<1x64x512xf32, #tpu.memory_space<vmem>> -> memref<64x512xf32, #tpu.memory_space<vmem>>
    %dma_wait3A_59 = arith.constant 0 : i32
    %dma_wait3A_60 = tpu.memref_slice %arg4[%dma_wait3A_59, %mul3A_2] : memref<1600x16384xf32, #tpu.memory_space<hbm>> -> memref<64x512xf32, #tpu.memory_space<hbm>>
    %dma_wait3A_61 = tpu.memref_slice %arg9[%dma_wait3A_54] : memref<2x!tpu.dma_semaphore, #tpu.memory_space<semaphore_mem>> -> memref<1x!tpu.dma_semaphore, #tpu.memory_space<semaphore_mem>>
    %dma_wait3A_62 = tpu.memref_squeeze %dma_wait3A_61 : memref<1x!tpu.dma_semaphore, #tpu.memory_space<semaphore_mem>> -> memref<!tpu.dma_semaphore, #tpu.memory_space<semaphore_mem>>
    %dma_wait3A_63 = arith.constant 0 : i32
    %dma_wait3A_64 = tpu.memref_slice %arg4[%dma_wait3A_63, %mul3A_2] : memref<1600x16384xf32, #tpu.memory_space<hbm>> -> memref<64x512xf32, #tpu.memory_space<hbm>>
    %dma_wait3A_65 = arith.constant 0 : i32
    %dma_wait3A_66 = arith.constant 0 : i32
    %dma_wait3A_67 = tpu.memref_slice %arg7[%dma_wait3A_53, %dma_wait3A_65, %dma_wait3A_66] : memref<2x64x512xf32, #tpu.memory_space<vmem>> -> memref<1x64x512xf32, #tpu.memory_space<vmem>>
    %dma_wait3A_68 = tpu.memref_squeeze %dma_wait3A_67 : memref<1x64x512xf32, #tpu.memory_space<vmem>> -> memref<64x512xf32, #tpu.memory_space<vmem>>
    tpu.wait_dma2 semaphore(%dma_wait3A_62 : memref<!tpu.dma_semaphore, #tpu.memory_space<semaphore_mem>>) src(%dma_wait3A_68 : memref<64x512xf32, #tpu.memory_space<vmem>>) dst(%dma_wait3A_64 : memref<64x512xf32, #tpu.memory_space<hbm>>)
    return
  }
}

</mosaic_0001>

<sc_bundles>
// kernel: kernel.3.cloned.1.call-start
scs
__scs_entry_jumppad:
0x0: {  	(pc) =	sbr.rel $0x88, $3  }
0x1: {  	(tag) =	ssettag $0x0;
	lr =	simm.s32 $0x1  }
0x2: {  	[smem:$0x3F9F] =	sst lr;
	_ =	strace $0xD0000000  }
0x3: {  	_ = 	snop  }
0x4: {  	_ = 	snop  }
0x5: {  	_ = 	snop  }
0x6: {  	_ = 	snop  }
0x7: {  	_ = 	snop  }
__scs_overlays_trampoline_lowered:
0x8: {  	[smem:$0x3FAE] =	sst s0  }
0x9: {  	[smem:$0x3FAF] =	sst s1  }
0xa: {  	[smem:$0x3FB0] =	sst s2  }
0xb: {  	[smem:$0x3FB1] =	sst s3  }
0xc: {  	[smem:$0x3FB2] =	sst s4  }
0xd: {  	[smem:$0x3FB3] =	sst s5  }
0xe: {  	[smem:$0x3FB4] =	sst s6  }
0xf: {  	[smem:$0x3FB5] =	sst s7  }
0x10: {  	[smem:$0x3FB6] =	sst s8  }
0x11: {  	[smem:$0x3FB7] =	sst s9;
	s0 =	simm.s32 @!p0 $0x0  }
0x12: {  	s1 =	sld [smem:$0x3F9D];
	s0 =	simm.s32 @p0 $0x1  }
0x13: {  	[smem:$0x3FB8] =	sst s0;
	s0 =	simm.s32 @!p1 $0x0  }
0x14: {  	s2 =	sld [smem:$0x3F9C];
	s0 =	simm.s32 @p1 $0x1  }
0x15: {  	[smem:$0x3FB9] =	sst s0;
	s0 =	simm.s32 @!p2 $0x0  }
0x16: {  	s3 =	sld [smem:$0x3FDB];
	s0 =	simm.s32 @p2 $0x1  }
0x17: {  	s4 =	simm.s32 $0x1BF5;
	[smem:$0x3FBB] =	sst s0  }
0x18: {  	s0 =	sld [smem:$0x3F9E];
	_ =	swait.ge [sflag:s4], $0x0  }
0x19: {  	s7 =	sld [smem:$0x3F9F]  }
0x1a: {  	s8 =	sadd.s32 $0xFFFFE003, lr  }
0x1b: {  	s9 =	sadd.s32 $0xFFFFFEF7, lr;
	s5 =	simm.s32 $0xFFFFFFFF;
	p2 =	slt.u32 s8, $0xFFFFF086  }
0x1c: {  	p1 =	slt.u32 s9, $0xF7A;
	s5 =	simm.s32 @!p2 $0x0  }
0x1d: {  	s5 =	simm.s32 @p1 $0x1;
	p0 =	seq.s32 s7, s2  }
0x1e: {  	s7 =	smul.u32 @!p0 $0xF7A, s2;
	p2 =	seq.s32 @!p0 s5, $0x0  }
0x1f: {  	s9 =	smul.u32 $0xF7A, s1;
	s8 =	simm.s32 @!p0 $0x1BF5;
	p2 =	por !p2, p0  }
0x20: {  	[sflag:s8] =	ssyncset.s32 @!p0 $0xFFFFF086;
	s6 =	sadd.s32 @!p0 s3, s7;
	s7 =	simm.s32 @!p0 $0x108  }
0x21: {  	s3 =	sadd.s32 s3, s9;
	s6 =	sadd.s32 @!p0 $0x88, s6;
	s7 =	simm.s32 @p2 $0x1082  }
0x22: {  	[simem:s7], [sflag:s8] =	dma.local @!p0 [hbm:s6], $0xF7A  }
0x23: {  	s9 =	sor.u32 $0xD0000000, s2;
	s6 =	simm.s32 $0x108;
	_ =	swait.ge @!p0 [sflag:s8], $0x0  }
0x24: {  	s3 =	sadd.s32 $0x88, s3;
	s6 =	simm.s32 @!p1 $0x1082;
	[sflag:s4] =	ssyncset.s32 $0xFFFFF086  }
0x25: {  	[simem:s6], [sflag:s4] =	dma.local [hbm:s3], $0xF7A  }
0x26: {  	[smem:$0x3F9F] =	sst s1;
	(tag) =	ssettag s2;
	_ =	strace s9  }
0x27: {  	s1 =	sld [smem:$0x3FAF]  }
0x28: {  	s2 =	sld [smem:$0x3FB0]  }
0x29: {  	s4 =	sld [smem:$0x3FB2]  }
0x2a: {  	p0 =	seq.s32 s5, $0x0;
	s5 =	sld [smem:$0x3FB3]  }
0x2b: {  	s6 =	sld [smem:$0x3FB4]  }
0x2c: {  	s7 =	sld [smem:$0x3FB5]  }
0x2d: {  	s3 =	simm.s32 $0x108;
	s8 =	sld [smem:$0x3FB6]  }
0x2e: {  	s3 =	simm.s32 @!p0 $0x1082;
	s9 =	sld [smem:$0x3FB7]  }
0x2f: {  	lr =	sadd.s32 s0, s3;
	s0 =	sld [smem:$0x3FAE]  }
0x30: {  	s3 =	sld [smem:$0x3FB1]  }
0x31: {  	[smem:$0x3FBA] =	sst s10  }
0x32: {  	s10 =	sld [smem:$0x3FB8];
	_ =	sdelay $0x3  }
0x33: {  	p0 =	seq.s32 s10, $0x1;
	s10 =	sld [smem:$0x3FBA];
	_ =	sdelay $0x3  }
0x34: {  	[smem:$0x3FBA] =	sst s10  }
0x35: {  	s10 =	sld [smem:$0x3FB9];
	_ =	sdelay $0x3  }
0x36: {  	p1 =	seq.s32 s10, $0x1;
	s10 =	sld [smem:$0x3FBA];
	_ =	sdelay $0x3  }
0x37: {  	[smem:$0x3FBA] =	sst s10  }
0x38: {  	s10 =	sld [smem:$0x3FBB]  }
0x39: {  	_ = 	snop;
	(pc) =	sbr.ind lr, $3  }
0x3a: {  	_ = 	snop  }
0x3b: {  	_ = 	snop  }
0x3c: {  	p2 =	seq.s32 s10, $0x1;
	s10 =	sld [smem:$0x3FBA]  }
0x3d: {  	_ =	shalt  }
0x3e: {  	_ =	shalt  }
0x3f: {  	_ =	shalt  }
0x40: {  	_ =	shalt  }
0x41: {  	_ =	shalt  }
0x42: {  	_ =	shalt  }
0x43: {  	_ =	shalt  }
0x44: {  	_ =	shalt  }
0x45: {  	_ =	shalt  }
0x46: {  	_ =	shalt  }
0x47: {  	_ =	shalt  }
0x48: {  	_ =	shalt  }
0x49: {  	_ =	shalt  }
0x4a: {  	_ =	shalt  }
0x4b: {  	_ =	shalt  }
0x4c: {  	_ =	shalt  }
0x4d: {  	_ =	shalt  }
0x4e: {  	_ =	shalt  }
0x4f: {  	_ =	shalt  }
0x50: {  	_ =	shalt  }
0x51: {  	_ =	shalt  }
0x52: {  	_ =	shalt  }
0x53: {  	_ =	shalt  }
0x54: {  	_ =	shalt  }
0x55: {  	_ =	shalt  }
0x56: {  	_ =	shalt  }
0x57: {  	_ =	shalt  }
0x58: {  	_ =	shalt  }
0x59: {  	_ =	shalt  }
0x5a: {  	_ =	shalt  }
0x5b: {  	_ =	shalt  }
0x5c: {  	_ =	shalt  }
0x5d: {  	_ =	shalt  }
0x5e: {  	_ =	shalt  }
0x5f: {  	_ =	shalt  }
0x60: {  	_ =	shalt  }
0x61: {  	_ =	shalt  }
0x62: {  	_ =	shalt  }
0x63: {  	_ =	shalt  }
0x64: {  	_ =	shalt  }
0x65: {  	_ =	shalt  }
0x66: {  	_ =	shalt  }
0x67: {  	_ =	shalt  }
0x68: {  	_ =	shalt  }
0x69: {  	_ =	shalt  }
0x6a: {  	_ =	shalt  }
0x6b: {  	_ =	shalt  }
0x6c: {  	_ =	shalt  }
0x6d: {  	_ =	shalt  }
0x6e: {  	_ =	shalt  }
0x6f: {  	_ =	shalt  }
0x70: {  	_ =	shalt  }
0x71: {  	_ =	shalt  }
0x72: {  	_ =	shalt  }
0x73: {  	_ =	shalt  }
0x74: {  	_ =	shalt  }
0x75: {  	_ =	shalt  }
0x76: {  	_ =	shalt  }
0x77: {  	_ =	shalt  }
0x78: {  	_ =	shalt  }
0x79: {  	_ =	shalt  }
0x7a: {  	_ =	shalt  }
0x7b: {  	_ =	shalt  }
0x7c: {  	_ =	shalt  }
0x7d: {  	_ =	shalt  }
0x7e: {  	_ =	shalt  }
0x7f: {  	_ =	shalt  }
0x80: {  	_ =	shalt  }
0x81: {  	_ =	shalt  }
0x82: {  	_ =	shalt  }
0x83: {  	_ =	shalt  }
0x84: {  	_ =	shalt  }
0x85: {  	_ =	shalt  }
0x86: {  	_ =	shalt  }
0x87: {  	_ =	shalt  }
.Lfunc_end0:
.L_simem_size_0:
called_computation_lowered:
.L_overlay_start_0:
0x88: {  	s2 =	sld [smem:$0x3FD9]  }
0x89: {  	s3 =	sld [smem:$0x3FFE];
	_ =	sdelay $0x1  }
0x8a: {  	s1 =	srdreg.scid  }
0x8b: {  	s0 =	sand.u32 $0x1, s1  }
0x8c: {  	s18 =	sshll.u32 s0, $0xA;
	s2 =	sadd.s32 s3, s2  }
0x8d: {  	s2 =	sadd.s32 s2, s18  }
0x8e: {  	[smem:$0x3FC6] =	sst s2  }
0x8f: {  	_ = 	snop  }
0x90: {  	s2 =	sld [smem:$0x3FC9]  }
0x91: {  	s19 =	sld [smem:$0x3FC8]  }
0x92: {  	s4 =	sld [smem:$0x3FD0];
	(tm) =	ssettm $0x1  }
0x93: {  	s5 =	sld [smem:$0x3FFB];
	_ =	sdelay $0x3  }
0x94: {  	_ =	strace s5  }
0x95: {  	s5 =	sld [smem:$0x3FFC];
	_ =	sdelay $0x3  }
0x96: {  	_ =	strace s5  }
0x97: {  	s5 =	sld [smem:$0x3FFD];
	_ =	sdelay $0x3  }
0x98: {  	_ =	strace s5  }
0x99: {  	_ =	strace $0x8FFFFFFF  }
0x9a: {  	s20 =	sld [smem:$0x3FDB];
	_ =	sdelay $0x1  }
0x9b: {  	s6 =	simm.s32 $_scs_section_size  }
0x9c: {  	s7 =	simm.s32 $_size__tile_overlayer_lowered;
	s8 =	simm.s32 $_tile_overlayer_lowered  }
0x9d: {  	s23 =	simm.s32 $0x1BFF;
	s22 =	sshll.u32 s8, $0x1;
	s5 =	sadd.s32 s6, s20  }
0x9e: {  	s9 =	simm.s32 $0x0;
	s21 =	sshll.u32 s7, $0x1;
	s7 =	sadd.s32 s22, s5  }
0x9f: {  	[timem:s9], [sflag:s23] =	dma.local [hbm:s7], s21  }
0xa0: {  	_ =	swait.ge [sflag:s23], s21  }
0xa1: {  	s6 =	ssub.s32 $0x0, s21;
	[sflag:s23] =	ssyncset.done $0x0  }
0xa2: {  	[sflag:s23] =	ssyncadd.s32 s6;
	_ =	sdelay $0x1  }
0xa3: {  	s24 =	simm.s32 $0x1B8B  }
0xa4: {  	_ =	swait.ge [sflag:s24], $0x1  }
0xa5: {  	[sflag:s24] =	ssyncset.done $0x0  }
0xa6: {  	s25 =	simm.s32 $0x1B8E;
	[sflag:s24] =	ssyncadd.s32 $0xFFFFFFFF  }
0xa7: {  	s26 =	simm.s32 $execute0_lowered;
	[smem:$0x3FD2] =	sst s25  }
0xa8: {  	s6 =	sshll.u32 s26, $0x1;
	_ =	strace $0x80000046;
	[dreg:$0x1] =	wrdreg $0xFFFFFFFF  }
0xa9: {  	s28 =	simm.s32 $_size_execute0_lowered;
	s5 =	sadd.s32 s5, s6;
	[dreg:$0x0] =	wrdreg $0x0  }
0xaa: {  	s6 =	sshll.u32 s28, $0x1;
	[dreg:$0x2] =	wrdreg s5  }
0xab: {  	[dreg:$0x3] =	wrdreg s6  }
0xac: {  	[dreg:$0x4] =	wrdreg $0xC0  }
0xad: {  	_ =	task [dreg:s9], $0x5FFFF  }
0xae: {  	[dreg:$0x1] =	wrdreg $0xFFFFFFFF  }
0xaf: {  	[dreg:$0x0] =	wrdreg $0x60  }
0xb0: {  	[dreg:$0x2] =	wrdreg s2  }
0xb1: {  	[dreg:$0x3] =	wrdreg s19  }
0xb2: {  	[dreg:$0x4] =	wrdreg s4  }
0xb3: {  	[dreg:$0x5] =	wrdreg $0x9  }
0xb4: {  	_ =	task.clear_ibuf [dreg:s9], $0x6FFFF;
	_ =	strace $0x90000046  }
0xb5: {  	s29 =	simm.s32 $0x9;
	_ =	strace $0x80000048  }
0xb6: {  	_ =	swait.ge [sflag:s29], $0x1  }
0xb7: {  	[sflag:s29] =	ssyncadd.s32 $0xFFFFFFFF  }
0xb8: {  	_ =	strace $0x90000048  }
0xb9: {  	_ =	sfence  }
0xba: {  	s30 =	sld [smem:$0x0];
	_ =	sdelay $0x2  }
0xbb: {  	s31 =	sshll.u32 s1, $0xD;
	s1 =	sshrl.u32 s1, $0x2  }
0xbc: {  	s3 =	sand.u32 $0x4000, s31;
	s1 =	sadd.s32 s1, s30  }
0xbd: {  	s0 =	sor.u32 s3, s0;
	s1 =	sshll.u32 s1, $0x11  }
0xbe: {  	s0 =	sor.u32 s1, s0  }
0xbf: {  	s0 =	sadd.s32 $0x8F2B, s0  }
0xc0: {  	[sflag:s0] =	ssyncadd.remote.s32 $0x1  }
0xc1: {  	_ =	sfence.sel $0xFFFF  }
0xc2: {  	[dreg:$0x0] =	wrdreg $0xFFFFFFFF;
	(pc) =	sbr.abs _section_cstart, $3  }
0xc3: {  	[dreg:$0x1] =	wrdreg $0xFFFFFFFF  }
0xc4: {  	_ =	task.clear_ibuf [dreg:s9], $0x2FFFF;
	_ =	strace $0x9FFFFFFF  }
0xc5: {  	(tm) =	ssettm $0x7FFFFFFF  }
tec
execute0_lowered:
.L_overlay_start_1:
0x0: {  	(tag) =	ssettag $0x1  }
0x1: {  	s4 =	rddreg [dreg:$0x0];
	s0 =	srdreg.scid  }
0x2: {  	s5 =	simm.s32 $0x0;
	s2 =	stileid.u32;
	s0 =	sand.u32 $0x1, s0  }
0x3: {  	s2 =	sshll.u32 s2, $0xD;
	s1 =	ssub.s32 $0x2, s0;
	s0 =	sshll.u32 s0, $0xC  }
.Ltmp0:
0x4: {  	[smem:$0x7FF] =	sst s5;
	s6 =	sor.u32 s0, s2;
	(pc) =	sbr.rel .LBB2_1-.Ltmp0, $4  }
0x5: {  	_ =	strace $0x80000047;
	s3 =	sshrl.u32 s1, $0x1;
	s31 =	sshrl.u32 s6, $0x3  }
0x6: {  	s30 =	ssub.s32 s1, s3;
	[dreg:$0x4] =	wrdreg s6;
	s1 =	sadd.s32 s4, s31  }
0x7: {  	s0 =	smax.u32 s30, $0x1;
	[dreg:$0x5] =	wrdreg s1  }
0x8: {  	s2 =	simm.s32 $0x0;
	[dreg:$0x6] =	wrdreg s0  }
.LBB2_43:
0x9: {  	s0 =	simm.s32 $0x4  }
0xa: {  	_ =	swait.ge [sflag:s0], $0x8000  }
0xb: {  	[sflag:s0] =	ssyncset.done $0x0  }
0xc: {  	s1 =	simm.s32 $0x3;
	[sflag:s0] =	ssyncadd.s32 $0xFFFF8000  }
0xd: {  	_ =	swait.ge [sflag:s1], $0x8000  }
0xe: {  	s2 =	rddreg [dreg:$0x7]  }
0xf: {  	s31 =	rddreg [dreg:$0x6];
	s2 =	sadd.s32 $0x1, s2  }
0x10: {  	p0 =	sne.s32 s2, s31  }
.Ltmp1:
0x11: {  	_ = 	snop;
	(pc) =	sbr.rel @!p0 .LBB2_44-.Ltmp1, $3  }
0x12: {  	_ =	sdelay $0x1  }
0x13: {  	[sflag:s1] =	ssyncset.done $0x0  }
0x14: {  	[sflag:s1] =	ssyncadd.s32 $0xFFFF8000  }
.LBB2_1:
0x15: {  	[dreg:$0x7] =	wrdreg s2  }
0x16: {  	s0 =	rddreg [dreg:$0x1];
	s30 =	simm.s32 $0x5  }
0x17: {  	[tilespmem:s5], [sflag:$0x5] =	stream.linear.gather [hbm4b:s0+s5], $0x400, $0x38;
	[tilespmem:$0x12400] =	vst v63  }
0x18: {  	_ =	swait.ge [sflag:s30], $0x400  }
0x19: {  	s1 =	simm.s32 $0x400;
	[sflag:s30] =	ssyncset.done $0x0  }
0x1a: {  	s7 =	simm.s32 $0x0;
	s31 =	rddreg [dreg:$0x5];
	[sflag:s30] =	ssyncadd.s32 $0xFFFFFC00  }
0x1b: {  	[tilespmem:s1], [sflag:$0x1] =	stream.linear.gather [hbm4b:s31+s5], $0x1000, $0x38;
	[tilespmem:$0x12400] =	vst v63  }
.LBB2_2:
0x1c: {  	s4 =	smov.u32 s7;
	s7 =	sand.u32 $0x1, s7;
	s3 =	rddreg [dreg:$0x0]  }
0x1d: {  	s21 =	simm.s32 $0x0;
	s0 =	sadd.s32 $0x1, s4;
	p0 =	seq.s32 s4, $0x18  }
0x1e: {  	s15 =	sadd.s32 $0x1, s7;
	[dreg:$0x8] =	wrdreg s0;
	s0 =	sshll.u32 @!p0 s0, $0x11  }
0x1f: {  	s16 =	sshll.u32 s7, $0xC;
	s1 =	sxor.u32 @!p0 $0x1, s7;
	s0 =	sor.u32 @!p0 s6, s0  }
0x20: {  	s2 =	sshll.u32 @!p0 s1, $0xC;
	s1 =	sadd.s32 @!p0 $0x1, s1;
	s0 =	sshrl.u32 @!p0 s0, $0x3  }
0x21: {  	s2 =	sor.u32 @!p0 $0x400, s2;
	s0 =	sadd.s32 @!p0 s3, s0;
	s3 =	simm.s32 @!p0 $0x0  }
0x22: {  	[tilespmem:s2], [sflag:s1] =	stream.linear.gather @!p0 [hbm4b:s0+s3], $0x1000, $0x38;
	[tilespmem:$0x12400] =	vst v63  }
0x23: {  	s17 =	sand.u32 $0xC00, s21;
	s20 =	sor.u32 $0x400, s16;
	_ =	swait.ge [sflag:s15], $0x1000  }
0x24: {  	p0 =	slt.u32 s4, $0x2;
	s3 =	sand.u32 $0x40, s21;
	[sflag:s15] =	ssyncset.done $0x0  }
0x25: {  	[dreg:$0xa] =	wrdreg s4;
	s0 =	sadd.s32 @!p0 $0x3, s7;
	[sflag:s15] =	ssyncadd.s32 $0xFFFFF000  }
0x26: {  	s18 =	sadd.s32 s17, s20;
	s2 =	sor.u32 $0x30, s3;
	_ =	swait.ge @!p0 [sflag:s0], $0x8000  }
0x27: {  	s19 =	sadd.s32 s2, s18;
	[sflag:s0] =	ssyncset.done @!p0 $0x0  }
0x28: {  	[dreg:$0x14] =	wrdreg s19;
	[sflag:s0] =	ssyncadd.s32 @!p0 $0xFFFF8000  }
0x29: {  	v3 =	vld [tilespmem:s19+$0x0];
	_ =	sdelay $0x7  }
0x2a: {  	v0 =	vld.idx.msk [tilespmem:v3+s21+$0x0], $0xffff  }
0x2b: {  	s22 =	sshll.u32 s7, $0xF;
	v1 =	vadd.s32 $0x80, v3  }
0x2c: {  	s19 =	sor.u32 $0x2400, s22  }
0x2d: {  	s25 =	sadd.s32 s17, s19  }
0x2e: {  	s23 =	sadd.s32 s2, s25;
	[dreg:$0x9] =	wrdreg s7  }
0x2f: {  	s26 =	sadd.s32 s3, s18;
	s7 =	sor.u32 $0x10, s3;
	[tilespmem:s23+$0x0] =	vst v0  }
0x30: {  	s24 =	sor.u32 $0x20, s3;
	s28 =	sadd.s32 s7, s18;
	v0 =	vld.idx.msk [tilespmem:v1+s21+$0x0], $0xffff;
	[dreg:$0x15] =	wrdreg s26  }
0x31: {  	s29 =	sadd.s32 s24, s18;
	v5 =	vadd.s32 $0x100, v3;
	v4 =	vld [tilespmem:s26+$0x0];
	[dreg:$0x16] =	wrdreg s28  }
0x32: {  	v1 =	vld [tilespmem:s28+$0x0];
	[dreg:$0x17] =	wrdreg s29  }
0x33: {  	v2 =	vld [tilespmem:s29+$0x0];
	_ =	sdelay $0x1  }
0x34: {  	[tilespmem:s23+$0x80] =	vst v0  }
0x35: {  	v0 =	vld.idx.msk [tilespmem:v5+s21+$0x0], $0xffff  }
0x36: {  	v5 =	vadd.s32 $0x180, v3;
	_ =	sdelay $0x1  }
0x37: {  	v6 =	vld.idx.msk [tilespmem:v4+s21+$0x0], $0xffff  }
0x38: {  	v7 =	vadd.s32 $0x80, v4;
	v8 =	vld.idx.msk [tilespmem:v1+s21+$0x0], $0xffff  }
0x39: {  	v9 =	vadd.s32 $0x80, v1;
	v10 =	vld.idx.msk [tilespmem:v2+s21+$0x0], $0xffff;
	[tilespmem:s23+$0x100] =	vst v0  }
0x3a: {  	v0 =	vadd.s32 $0x80, v2;
	v5 =	vld.idx.msk [tilespmem:v5+s21+$0x0], $0xffff  }
0x3b: {  	s1 =	sadd.s32 s3, s25;
	v11 =	vadd.s32 $0x200, v3  }
0x3c: {  	s15 =	sadd.s32 s7, s25;
	[tilespmem:s1+$0x0] =	vst v6  }
0x3d: {  	s4 =	sadd.s32 s24, s25;
	v6 =	vld.idx.msk [tilespmem:v7+s21+$0x0], $0xffff;
	[tilespmem:s15+$0x0] =	vst v8  }
0x3e: {  	v7 =	vadd.s32 $0x100, v4;
	v8 =	vld.idx.msk [tilespmem:v9+s21+$0x0], $0xffff;
	[tilespmem:s4+$0x0] =	vst v10  }
0x3f: {  	v9 =	vadd.s32 $0x100, v1;
	v0 =	vld.idx.msk [tilespmem:v0+s21+$0x0], $0xffff;
	[tilespmem:s23+$0x180] =	vst v5  }
0x40: {  	v5 =	vadd.s32 $0x100, v2;
	v10 =	vld.idx.msk [tilespmem:v11+s21+$0x0], $0xffff  }
0x41: {  	v11 =	vadd.s32 $0x280, v3  }
0x42: {  	[tilespmem:s1+$0x80] =	vst v6  }
0x43: {  	v6 =	vld.idx.msk [tilespmem:v7+s21+$0x0], $0xffff;
	[tilespmem:s15+$0x80] =	vst v8  }
0x44: {  	v7 =	vadd.s32 $0x180, v4;
	v8 =	vld.idx.msk [tilespmem:v9+s21+$0x0], $0xffff;
	[tilespmem:s4+$0x80] =	vst v0  }
0x45: {  	v0 =	vadd.s32 $0x180, v1;
	v5 =	vld.idx.msk [tilespmem:v5+s21+$0x0], $0xffff;
	[tilespmem:s23+$0x200] =	vst v10  }
0x46: {  	v9 =	vadd.s32 $0x180, v2;
	v10 =	vld.idx.msk [tilespmem:v11+s21+$0x0], $0xffff  }
0x47: {  	v11 =	vadd.s32 $0x300, v3  }
0x48: {  	s8 =	simm.s32 $0x200;
	s30 =	simm.s32 $0x40;
	[tilespmem:s1+$0x100] =	vst v6  }
0x49: {  	s8 =	sand.u32 $0xC00, s8;
	s0 =	sand.u32 $0x40, s30;
	v6 =	vld.idx.msk [tilespmem:v7+s21+$0x0], $0xffff;
	[tilespmem:s15+$0x100] =	vst v8  }
0x4a: {  	s11 =	sadd.s32 s8, s20;
	s12 =	sor.u32 $0x30, s0;
	v7 =	vld.idx.msk [tilespmem:v0+s21+$0x0], $0xffff;
	[tilespmem:s4+$0x100] =	vst v5  }
0x4b: {  	s13 =	sadd.s32 s12, s11;
	v5 =	vld.idx.msk [tilespmem:v9+s21+$0x0], $0xffff;
	[tilespmem:s23+$0x280] =	vst v10  }
0x4c: {  	s9 =	sor.u32 $0x10, s0;
	s10 =	sadd.s32 s0, s11;
	v9 =	vld.idx.msk [tilespmem:v11+s21+$0x0], $0xffff;
	[dreg:$0x19] =	wrdreg s13  }
0x4d: {  	s31 =	sadd.s32 s9, s11;
	v8 =	vadd.s32 $0x200, v4;
	v0 =	vld [tilespmem:s13+$0x0];
	[dreg:$0x18] =	wrdreg s10  }
0x4e: {  	v3 =	vadd.s32 $0x380, v3;
	v13 =	vld [tilespmem:s10+$0x0];
	s10 =	sor.u32 $0x20, s0;
	[dreg:$0x1a] =	wrdreg s31  }
0x4f: {  	v10 =	vadd.s32 $0x200, v1;
	s11 =	sadd.s32 s10, s11;
	[tilespmem:s1+$0x180] =	vst v6  }
0x50: {  	v11 =	vadd.s32 $0x200, v2;
	v15 =	vld [tilespmem:s31+$0x0];
	[dreg:$0x1b] =	wrdreg s11  }
0x51: {  	v21 =	vld [tilespmem:s11+$0x0]  }
0x52: {  	v6 =	vld.idx.msk [tilespmem:v8+s21+$0x0], $0xffff;
	[tilespmem:s23+$0x300] =	vst v9  }
0x53: {  	[tilespmem:s15+$0x180] =	vst v7;
	v3 =	vld.idx.msk [tilespmem:v3+s21+$0x0], $0xffff  }
0x54: {  	[tilespmem:s4+$0x180] =	vst v5;
	v7 =	vadd.s32 $0x280, v4;
	v5 =	vld.idx.msk [tilespmem:v10+s21+$0x0], $0xffff  }
0x55: {  	v8 =	vld.idx.msk [tilespmem:v11+s21+$0x0], $0xffff  }
0x56: {  	v10 =	vld.idx.msk [tilespmem:v0+s21+$0x0], $0xffff  }
0x57: {  	v9 =	vadd.s32 $0x280, v1;
	v11 =	vld.idx.msk [tilespmem:v13+s21+$0x0], $0xffff;
	[tilespmem:s1+$0x200] =	vst v6  }
0x58: {  	v12 =	vadd.s32 $0x80, v0;
	[tilespmem:s23+$0x380] =	vst v3;
	v14 =	vld.idx.msk [tilespmem:v15+s21+$0x0], $0xffff  }
0x59: {  	s14 =	sadd.s32 s8, s19;
	[tilespmem:s15+$0x200] =	vst v5;
	v5 =	vld.idx.msk [tilespmem:v7+s21+$0x0], $0xffff  }
0x5a: {  	s11 =	sadd.s32 s12, s14;
	v3 =	vadd.s32 $0x80, v13;
	v6 =	vld.idx.msk [tilespmem:v21+s21+$0x0], $0xffff;
	[dreg:$0x13] =	wrdreg s12  }
0x5b: {  	s6 =	sadd.s32 s0, s14;
	v16 =	vadd.s32 $0x80, v15;
	[tilespmem:s11+$0x0] =	vst v10  }
0x5c: {  	v7 =	vadd.s32 $0x280, v2;
	v9 =	vld.idx.msk [tilespmem:v9+s21+$0x0], $0xffff;
	[tilespmem:s6+$0x0] =	vst v11  }
0x5d: {  	v17 =	vadd.s32 $0x80, v21;
	s12 =	sadd.s32 s9, s14;
	v11 =	vld.idx.msk [tilespmem:v12+s21+$0x0], $0xffff;
	[dreg:$0x12] =	wrdreg s9  }
0x5e: {  	v10 =	vadd.s32 $0x300, v4;
	[tilespmem:s12+$0x0] =	vst v14  }
0x5f: {  	v12 =	vadd.s32 $0x100, v0;
	v3 =	vld.idx.msk [tilespmem:v3+s21+$0x0], $0xffff;
	[tilespmem:s4+$0x200] =	vst v8  }
0x60: {  	s16 =	sadd.s32 s10, s14;
	v14 =	vadd.s32 $0x100, v13;
	[tilespmem:s1+$0x280] =	vst v5;
	v16 =	vld.idx.msk [tilespmem:v16+s21+$0x0], $0xffff  }
0x61: {  	[tilespmem:s16+$0x0] =	vst v6;
	v6 =	vadd.s32 $0x100, v15;
	v5 =	vld.idx.msk [tilespmem:v7+s21+$0x0], $0xffff  }
0x62: {  	v7 =	vadd.s32 $0x300, v1;
	v8 =	vld.idx.msk [tilespmem:v17+s21+$0x0], $0xffff  }
0x63: {  	v17 =	vadd.s32 $0x100, v21;
	v10 =	vld.idx.msk [tilespmem:v10+s21+$0x0], $0xffff;
	[tilespmem:s11+$0x80] =	vst v11  }
0x64: {  	v11 =	vadd.s32 $0x300, v2;
	[tilespmem:s6+$0x80] =	vst v3;
	v3 =	vld.idx.msk [tilespmem:v12+s21+$0x0], $0xffff  }
0x65: {  	v4 =	vadd.s32 $0x380, v4;
	v19 =	vld.idx.msk [tilespmem:v14+s21+$0x0], $0xffff;
	[tilespmem:s12+$0x80] =	vst v16  }
0x66: {  	[tilespmem:s15+$0x280] =	vst v9;
	v22 =	vld.idx.msk [tilespmem:v6+s21+$0x0], $0xffff;
	v6 =	vadd.s32 $0x180, v0  }
0x67: {  	v20 =	vadd.s32 $0x180, v13;
	v18 =	vld.idx.msk [tilespmem:v7+s21+$0x0], $0xffff;
	[tilespmem:s16+$0x80] =	vst v8  }
0x68: {  	v24 =	vadd.s32 $0x180, v15;
	v1 =	vadd.s32 $0x380, v1;
	[tilespmem:s4+$0x280] =	vst v5;
	v23 =	vld.idx.msk [tilespmem:v17+s21+$0x0], $0xffff  }
0x69: {  	v9 =	vadd.s32 $0x280, v15;
	v2 =	vadd.s32 $0x380, v2;
	v14 =	vadd.s32 $0x180, v21;
	[tilespmem:s1+$0x300] =	vst v10;
	v16 =	vld.idx.msk [tilespmem:v11+s21+$0x0], $0xffff  }
0x6a: {  	v12 =	vadd.s32 $0x200, v13;
	v7 =	vadd.s32 $0x280, v13;
	v5 =	vadd.s32 $0x300, v15;
	v17 =	vld.idx.msk [tilespmem:v4+s21+$0x0], $0xffff;
	[tilespmem:s11+$0x100] =	vst v3  }
0x6b: {  	v10 =	vadd.s32 $0x200, v15;
	v8 =	vadd.s32 $0x280, v21;
	v15 =	vadd.s32 $0x380, v15;
	[tilespmem:s6+$0x100] =	vst v19;
	v19 =	vld.idx.msk [tilespmem:v6+s21+$0x0], $0xffff  }
0x6c: {  	v11 =	vadd.s32 $0x200, v21;
	v4 =	vadd.s32 $0x300, v13;
	v3 =	vadd.s32 $0x380, v13;
	v20 =	vld.idx.msk [tilespmem:v20+s21+$0x0], $0xffff;
	[tilespmem:s12+$0x100] =	vst v22  }
0x6d: {  	s17 =	simm.s32 $0x400;
	s18 =	simm.s32 $0x4;
	s26 =	simm.s32 $0x80;
	v13 =	vadd.s32 $0x380, v21;
	v6 =	vadd.s32 $0x300, v21;
	v22 =	vadd.s32 $0x200, v0;
	v21 =	vld.idx.msk [tilespmem:v24+s21+$0x0], $0xffff;
	[tilespmem:s16+$0x100] =	vst v23  }
.LBB2_3:
0x6e: {  	s28 =	sand.u32 $0x40, s26;
	s30 =	sand.u32 $0xC00, s17;
	v14 =	vld.idx.msk [tilespmem:v14+s21+$0x0], $0xffff;
	[tilespmem:s15+$0x300] =	vst v18  }
0x6f: {  	s18 =	sadd.s32 $0x4, s18;
	s9 =	sadd.s32 s30, s20;
	s29 =	sor.u32 $0x30, s28;
	v18 =	vld.idx.msk [tilespmem:v1+s21+$0x0], $0xffff;
	[tilespmem:s4+$0x300] =	vst v16;
	v1 =	vmov v15  }
0x70: {  	s31 =	sor.u32 $0x10, s28;
	p0 =	slt.u32 s18, $0x1C;
	s13 =	sadd.s32 s29, s9;
	[tilespmem:s1+$0x380] =	vst v17;
	v15 =	vld.idx.msk [tilespmem:v2+s21+$0x0], $0xffff;
	v2 =	vmov v13  }
0x71: {  	s8 =	sor.u32 $0x20, s28;
	s22 =	sadd.s32 s28, s9;
	s23 =	sadd.s32 s31, s9;
	v16 =	vld [tilespmem:s13+$0x0];
	[tilespmem:s11+$0x180] =	vst v19  }
0x72: {  	s9 =	sadd.s32 s8, s9;
	s1 =	smov.u32 s6;
	[tilespmem:s6+$0x180] =	vst v20;
	v13 =	vld.idx.msk [tilespmem:v22+s21+$0x0], $0xffff  }
0x73: {  	v17 =	vld [tilespmem:s22+$0x0];
	[tilespmem:s12+$0x180] =	vst v21  }
0x74: {  	v19 =	vld [tilespmem:s23+$0x0];
	[tilespmem:s16+$0x180] =	vst v14;
	v14 =	vadd.s32 $0x280, v0  }
0x75: {  	v20 =	vld [tilespmem:s9+$0x0];
	[tilespmem:s15+$0x380] =	vst v18;
	s15 =	smov.u32 s12  }
0x76: {  	v18 =	vld.idx.msk [tilespmem:v12+s21+$0x0], $0xffff;
	[tilespmem:s4+$0x380] =	vst v15;
	s4 =	smov.u32 s16  }
0x77: {  	v15 =	vld.idx.msk [tilespmem:v10+s21+$0x0], $0xffff  }
0x78: {  	v21 =	vadd.s32 $0x80, v17;
	v22 =	vadd.s32 $0x100, v17;
	v23 =	vadd.s32 $0x180, v17;
	v24 =	vld.idx.msk [tilespmem:v11+s21+$0x0], $0xffff;
	[tilespmem:s11+$0x200] =	vst v13  }
0x79: {  	v25 =	vadd.s32 $0x80, v19;
	v26 =	vadd.s32 $0x100, v19;
	v27 =	vadd.s32 $0x180, v19;
	v28 =	vld.idx.msk [tilespmem:v14+s21+$0x0], $0xffff  }
0x7a: {  	v29 =	vadd.s32 $0x80, v20;
	v30 =	vadd.s32 $0x100, v20;
	v14 =	vadd.s32 $0x180, v20;
	v31 =	vld.idx.msk [tilespmem:v16+s21+$0x0], $0xffff  }
0x7b: {  	v33 =	vadd.s32 $0x300, v0;
	v12 =	vadd.s32 $0x200, v17;
	v10 =	vadd.s32 $0x200, v19;
	v32 =	vld.idx.msk [tilespmem:v17+s21+$0x0], $0xffff  }
0x7c: {  	v35 =	vadd.s32 $0x80, v16;
	v13 =	vadd.s32 $0x280, v17;
	v11 =	vadd.s32 $0x200, v20;
	v34 =	vld.idx.msk [tilespmem:v19+s21+$0x0], $0xffff;
	[tilespmem:s1+$0x200] =	vst v18  }
0x7d: {  	v36 =	vadd.s32 $0x280, v19;
	v38 =	vadd.s32 $0x280, v20;
	v18 =	vadd.s32 $0x300, v17;
	v37 =	vld.idx.msk [tilespmem:v20+s21+$0x0], $0xffff;
	[tilespmem:s15+$0x200] =	vst v15  }
0x7e: {  	s9 =	sadd.s32 s30, s19;
	v39 =	vadd.s32 $0x380, v17;
	v40 =	vadd.s32 $0x300, v20;
	v17 =	vadd.s32 $0x300, v19;
	v41 =	vld.idx.msk [tilespmem:v7+s21+$0x0], $0xffff;
	[tilespmem:s4+$0x200] =	vst v24;
	v7 =	vmovc v13  }
0x7f: {  	s6 =	sadd.s32 s28, s9;
	s12 =	sadd.s32 s31, s9;
	s13 =	sadd.s32 s29, s9;
	v15 =	vadd.s32 $0x380, v19;
	v13 =	vadd.s32 $0x380, v20;
	v19 =	vld.idx.msk [tilespmem:v9+s21+$0x0], $0xffff;
	[tilespmem:s11+$0x280] =	vst v28;
	v9 =	vmov v36  }
0x80: {  	s16 =	sadd.s32 s8, s9;
	[tilespmem:s13+$0x0] =	vst v31;
	v20 =	vld.idx.msk [tilespmem:v33+s21+$0x0], $0xffff  }
0x81: {  	[tilespmem:s6+$0x0] =	vst v32;
	v24 =	vld.idx.msk [tilespmem:v35+s21+$0x0], $0xffff  }
0x82: {  	v28 =	vadd.s32 $0x380, v0;
	v0 =	vmov v16;
	v21 =	vld.idx.msk [tilespmem:v21+s21+$0x0], $0xffff;
	[tilespmem:s12+$0x0] =	vst v34  }
0x83: {  	v16 =	vld.idx.msk [tilespmem:v25+s21+$0x0], $0xffff;
	[tilespmem:s16+$0x0] =	vst v37;
	v25 =	vadd.s32 $0x100, v0  }
0x84: {  	v29 =	vld.idx.msk [tilespmem:v29+s21+$0x0], $0xffff;
	[tilespmem:s1+$0x280] =	vst v41  }
0x85: {  	[tilespmem:s15+$0x280] =	vst v19;
	v19 =	vld.idx.msk [tilespmem:v8+s21+$0x0], $0xffff;
	v8 =	vmov v38  }
0x86: {  	v31 =	vld.idx.msk [tilespmem:v4+s21+$0x0], $0xffff;
	[tilespmem:s11+$0x300] =	vst v20;
	v4 =	vmov v18  }
0x87: {  	[tilespmem:s13+$0x80] =	vst v24;
	v20 =	vld.idx.msk [tilespmem:v28+s21+$0x0], $0xffff  }
0x88: {  	[tilespmem:s6+$0x80] =	vst v21;
	v21 =	vld.idx.msk [tilespmem:v25+s21+$0x0], $0xffff  }
0x89: {  	v22 =	vld.idx.msk [tilespmem:v22+s21+$0x0], $0xffff;
	[tilespmem:s12+$0x80] =	vst v16  }
0x8a: {  	v25 =	vadd.s32 $0x180, v0;
	v24 =	vld.idx.msk [tilespmem:v26+s21+$0x0], $0xffff;
	[tilespmem:s16+$0x80] =	vst v29  }
0x8b: {  	v26 =	vld.idx.msk [tilespmem:v30+s21+$0x0], $0xffff;
	[tilespmem:s4+$0x280] =	vst v19  }
0x8c: {  	[tilespmem:s1+$0x300] =	vst v31;
	v18 =	vld.idx.msk [tilespmem:v5+s21+$0x0], $0xffff;
	v5 =	vmov v17  }
.Ltmp2:
0x8d: {  	v16 =	vld.idx.msk [tilespmem:v6+s21+$0x0], $0xffff;
	[tilespmem:s11+$0x380] =	vst v20;
	v6 =	vmov v40;
	s11 =	smov.u32 s13;
	(pc) =	sbr.rel @p0 .LBB2_3-.Ltmp2, $4  }
0x8e: {  	[tilespmem:s11+$0x100] =	vst v21;
	v17 =	vld.idx.msk [tilespmem:v3+s21+$0x0], $0xffff;
	v3 =	vmov v39  }
0x8f: {  	[tilespmem:s6+$0x100] =	vst v22;
	v19 =	vld.idx.msk [tilespmem:v25+s21+$0x0], $0xffff  }
0x90: {  	v20 =	vld.idx.msk [tilespmem:v23+s21+$0x0], $0xffff;
	[tilespmem:s12+$0x100] =	vst v24  }
0x91: {  	s17 =	sadd.s32 $0x200, s17;
	s26 =	sadd.s32 $0x40, s26;
	v22 =	vadd.s32 $0x200, v0;
	v21 =	vld.idx.msk [tilespmem:v27+s21+$0x0], $0xffff;
	[tilespmem:s16+$0x100] =	vst v26  }
0x92: {  	_ =	sdelay $0x3  }
0x93: {  	v14 =	vld.idx.msk [tilespmem:v14+s21+$0x0], $0xffff;
	_ =	sdelay $0x1  }
0x94: {  	[tilespmem:s11+$0x180] =	vst v19  }
0x95: {  	[tilespmem:s6+$0x180] =	vst v20;
	v19 =	vld.idx.msk [tilespmem:v22+s21+$0x0], $0xffff  }
0x96: {  	v20 =	vadd.s32 $0x280, v0;
	[tilespmem:s12+$0x180] =	vst v21;
	v12 =	vld.idx.msk [tilespmem:v12+s21+$0x0], $0xffff  }
0x97: {  	[tilespmem:s16+$0x180] =	vst v14;
	v10 =	vld.idx.msk [tilespmem:v10+s21+$0x0], $0xffff  }
0x98: {  	v11 =	vld.idx.msk [tilespmem:v11+s21+$0x0], $0xffff;
	_ =	sdelay $0x1  }
0x99: {  	[tilespmem:s11+$0x200] =	vst v19  }
0x9a: {  	v14 =	vld.idx.msk [tilespmem:v20+s21+$0x0], $0xffff;
	[tilespmem:s6+$0x200] =	vst v12  }
0x9b: {  	v12 =	vadd.s32 $0x300, v0;
	[tilespmem:s12+$0x200] =	vst v10;
	v7 =	vld.idx.msk [tilespmem:v7+s21+$0x0], $0xffff  }
0x9c: {  	[tilespmem:s16+$0x200] =	vst v11;
	v9 =	vld.idx.msk [tilespmem:v9+s21+$0x0], $0xffff  }
0x9d: {  	v8 =	vld.idx.msk [tilespmem:v8+s21+$0x0], $0xffff  }
0x9e: {  	[tilespmem:s15+$0x300] =	vst v18  }
0x9f: {  	[tilespmem:s11+$0x280] =	vst v14  }
0xa0: {  	v10 =	vld.idx.msk [tilespmem:v12+s21+$0x0], $0xffff;
	[tilespmem:s6+$0x280] =	vst v7  }
0xa1: {  	v0 =	vadd.s32 $0x380, v0;
	[tilespmem:s12+$0x280] =	vst v9;
	v4 =	vld.idx.msk [tilespmem:v4+s21+$0x0], $0xffff  }
0xa2: {  	[tilespmem:s16+$0x280] =	vst v8;
	v5 =	vld.idx.msk [tilespmem:v5+s21+$0x0], $0xffff  }
0xa3: {  	[tilespmem:s4+$0x300] =	vst v16;
	v6 =	vld.idx.msk [tilespmem:v6+s21+$0x0], $0xffff  }
0xa4: {  	v1 =	vld.idx.msk [tilespmem:v1+s21+$0x0], $0xffff;
	[tilespmem:s1+$0x380] =	vst v17  }
0xa5: {  	v2 =	vld.idx.msk [tilespmem:v2+s21+$0x0], $0xffff;
	[tilespmem:s11+$0x300] =	vst v10  }
0xa6: {  	v0 =	vld.idx.msk [tilespmem:v0+s21+$0x0], $0xffff;
	[tilespmem:s6+$0x300] =	vst v4  }
0xa7: {  	v3 =	vld.idx.msk [tilespmem:v3+s21+$0x0], $0xffff;
	[tilespmem:s12+$0x300] =	vst v5  }
0xa8: {  	v4 =	vld.idx.msk [tilespmem:v15+s21+$0x0], $0xffff;
	[tilespmem:s16+$0x300] =	vst v6  }
0xa9: {  	[tilespmem:s15+$0x380] =	vst v1;
	v1 =	vld.idx.msk [tilespmem:v13+s21+$0x0], $0xffff  }
0xaa: {  	[tilespmem:s4+$0x380] =	vst v2  }
0xab: {  	[tilespmem:s11+$0x380] =	vst v0  }
0xac: {  	[tilespmem:s6+$0x380] =	vst v3  }
0xad: {  	[tilespmem:s12+$0x380] =	vst v4  }
0xae: {  	[tilespmem:s16+$0x380] =	vst v1  }
0xaf: {  	s1 =	rddreg [dreg:$0x14]  }
0xb0: {  	v1 =	vld [tilespmem:s1+$0x80]  }
0xb1: {  	s17 =	rddreg [dreg:$0x15]  }
0xb2: {  	s18 =	rddreg [dreg:$0x16];
	v2 =	vld [tilespmem:s17+$0x80]  }
0xb3: {  	s21 =	rddreg [dreg:$0x17];
	v3 =	vld [tilespmem:s18+$0x80]  }
0xb4: {  	v4 =	vld [tilespmem:s21+$0x80];
	_ =	sdelay $0x2  }
0xb5: {  	s21 =	simm.s32 $0x0  }
0xb6: {  	v0 =	vld.idx.msk [tilespmem:v1+s21+$0x0], $0xffff  }
0xb7: {  	v5 =	vadd.s32 $0x80, v1  }
0xb8: {  	v6 =	vld.idx.msk [tilespmem:v2+s21+$0x0], $0xffff  }
0xb9: {  	s22 =	sadd.s32 $0x1000, s25;
	v7 =	vadd.s32 $0x80, v2;
	v8 =	vld.idx.msk [tilespmem:v3+s21+$0x0], $0xffff  }
0xba: {  	s23 =	sadd.s32 s2, s22;
	v9 =	vadd.s32 $0x80, v3;
	v10 =	vld.idx.msk [tilespmem:v4+s21+$0x0], $0xffff  }
0xbb: {  	v11 =	vadd.s32 $0x80, v4;
	[tilespmem:s23+$0x0] =	vst v0  }
0xbc: {  	s1 =	sadd.s32 s3, s22;
	v0 =	vld.idx.msk [tilespmem:v5+s21+$0x0], $0xffff  }
0xbd: {  	s2 =	sadd.s32 s7, s22;
	[tilespmem:s1+$0x0] =	vst v6;
	v5 =	vadd.s32 $0x100, v1  }
0xbe: {  	s3 =	sadd.s32 s24, s22;
	[tilespmem:s2+$0x0] =	vst v8;
	v6 =	vld.idx.msk [tilespmem:v7+s21+$0x0], $0xffff  }
0xbf: {  	[tilespmem:s3+$0x0] =	vst v10;
	v7 =	vadd.s32 $0x100, v2;
	v8 =	vld.idx.msk [tilespmem:v9+s21+$0x0], $0xffff  }
0xc0: {  	v9 =	vadd.s32 $0x100, v3;
	v10 =	vld.idx.msk [tilespmem:v11+s21+$0x0], $0xffff  }
0xc1: {  	v11 =	vadd.s32 $0x100, v4;
	[tilespmem:s23+$0x80] =	vst v0  }
0xc2: {  	v0 =	vld.idx.msk [tilespmem:v5+s21+$0x0], $0xffff  }
0xc3: {  	[tilespmem:s1+$0x80] =	vst v6;
	v5 =	vadd.s32 $0x180, v1  }
0xc4: {  	[tilespmem:s2+$0x80] =	vst v8;
	v6 =	vld.idx.msk [tilespmem:v7+s21+$0x0], $0xffff  }
0xc5: {  	[tilespmem:s3+$0x80] =	vst v10;
	v7 =	vadd.s32 $0x180, v2;
	v8 =	vld.idx.msk [tilespmem:v9+s21+$0x0], $0xffff  }
0xc6: {  	v9 =	vadd.s32 $0x180, v3;
	v10 =	vld.idx.msk [tilespmem:v11+s21+$0x0], $0xffff  }
0xc7: {  	v11 =	vadd.s32 $0x180, v4;
	[tilespmem:s23+$0x100] =	vst v0  }
0xc8: {  	v5 =	vld.idx.msk [tilespmem:v5+s21+$0x0], $0xffff  }
0xc9: {  	[tilespmem:s1+$0x100] =	vst v6;
	v6 =	vadd.s32 $0x200, v1  }
0xca: {  	[tilespmem:s2+$0x100] =	vst v8;
	v7 =	vld.idx.msk [tilespmem:v7+s21+$0x0], $0xffff  }
0xcb: {  	[tilespmem:s3+$0x100] =	vst v10;
	v8 =	vld.idx.msk [tilespmem:v9+s21+$0x0], $0xffff  }
0xcc: {  	v10 =	vadd.s32 $0x200, v2;
	v9 =	vld.idx.msk [tilespmem:v11+s21+$0x0], $0xffff;
	s24 =	rddreg [dreg:$0x19]  }
0xcd: {  	v0 =	vld [tilespmem:s24+$0x80];
	[tilespmem:s23+$0x180] =	vst v5  }
0xce: {  	v11 =	vadd.s32 $0x200, v4;
	v6 =	vld.idx.msk [tilespmem:v6+s21+$0x0], $0xffff;
	s25 =	rddreg [dreg:$0x18]  }
0xcf: {  	v5 =	vadd.s32 $0x200, v3;
	s26 =	rddreg [dreg:$0x1a];
	v13 =	vld [tilespmem:s25+$0x80]  }
0xd0: {  	[tilespmem:s1+$0x180] =	vst v7;
	v15 =	vld [tilespmem:s26+$0x80]  }
0xd1: {  	v12 =	vadd.s32 $0x280, v1;
	s28 =	rddreg [dreg:$0x1b];
	v7 =	vld.idx.msk [tilespmem:v10+s21+$0x0], $0xffff  }
0xd2: {  	[tilespmem:s3+$0x180] =	vst v9;
	v20 =	vld [tilespmem:s28+$0x80]  }
0xd3: {  	[tilespmem:s2+$0x180] =	vst v8;
	v8 =	vld.idx.msk [tilespmem:v11+s21+$0x0], $0xffff  }
0xd4: {  	v5 =	vld.idx.msk [tilespmem:v5+s21+$0x0], $0xffff  }
0xd5: {  	[tilespmem:s23+$0x200] =	vst v6  }
0xd6: {  	v6 =	vadd.s32 $0x280, v2;
	v9 =	vld.idx.msk [tilespmem:v12+s21+$0x0], $0xffff  }
0xd7: {  	v10 =	vadd.s32 $0x280, v3;
	v11 =	vld.idx.msk [tilespmem:v0+s21+$0x0], $0xffff;
	[tilespmem:s1+$0x200] =	vst v7  }
0xd8: {  	v14 =	vadd.s32 $0x300, v1;
	[tilespmem:s3+$0x200] =	vst v8;
	v12 =	vld.idx.msk [tilespmem:v13+s21+$0x0], $0xffff  }
0xd9: {  	v17 =	vadd.s32 $0x80, v0;
	v16 =	vld.idx.msk [tilespmem:v15+s21+$0x0], $0xffff;
	[tilespmem:s2+$0x200] =	vst v5  }
0xda: {  	s29 =	sadd.s32 $0x1000, s14;
	v7 =	vadd.s32 $0x80, v13;
	v18 =	vld.idx.msk [tilespmem:v20+s21+$0x0], $0xffff;
	s30 =	rddreg [dreg:$0x13]  }
0xdb: {  	v5 =	vadd.s32 $0x80, v15;
	v6 =	vld.idx.msk [tilespmem:v6+s21+$0x0], $0xffff;
	s4 =	sadd.s32 s30, s29;
	[tilespmem:s23+$0x280] =	vst v9  }
0xdc: {  	v8 =	vadd.s32 $0x80, v20;
	v10 =	vld.idx.msk [tilespmem:v10+s21+$0x0], $0xffff;
	[tilespmem:s4+$0x0] =	vst v11  }
0xdd: {  	s8 =	sadd.s32 s0, s29;
	v9 =	vadd.s32 $0x280, v4;
	v11 =	vld.idx.msk [tilespmem:v14+s21+$0x0], $0xffff;
	s31 =	rddreg [dreg:$0x12]  }
0xde: {  	v14 =	vadd.s32 $0x300, v2;
	s0 =	sadd.s32 s31, s29;
	[tilespmem:s8+$0x0] =	vst v12;
	v12 =	vld.idx.msk [tilespmem:v17+s21+$0x0], $0xffff  }
0xdf: {  	s7 =	sadd.s32 s10, s29;
	v1 =	vadd.s32 $0x380, v1;
	v7 =	vld.idx.msk [tilespmem:v7+s21+$0x0], $0xffff;
	[tilespmem:s0+$0x0] =	vst v16  }
0xe0: {  	[tilespmem:s7+$0x0] =	vst v18;
	v16 =	vadd.s32 $0x100, v0;
	v5 =	vld.idx.msk [tilespmem:v5+s21+$0x0], $0xffff  }
0xe1: {  	v17 =	vadd.s32 $0x100, v13;
	[tilespmem:s1+$0x280] =	vst v6;
	v8 =	vld.idx.msk [tilespmem:v8+s21+$0x0], $0xffff  }
0xe2: {  	v6 =	vadd.s32 $0x100, v15;
	[tilespmem:s2+$0x280] =	vst v10;
	v9 =	vld.idx.msk [tilespmem:v9+s21+$0x0], $0xffff  }
0xe3: {  	v10 =	vadd.s32 $0x100, v20;
	v14 =	vld.idx.msk [tilespmem:v14+s21+$0x0], $0xffff;
	[tilespmem:s23+$0x300] =	vst v11  }
0xe4: {  	v11 =	vadd.s32 $0x300, v3;
	v19 =	vld.idx.msk [tilespmem:v1+s21+$0x0], $0xffff;
	[tilespmem:s4+$0x80] =	vst v12  }
0xe5: {  	v21 =	vadd.s32 $0x300, v4;
	[tilespmem:s8+$0x80] =	vst v7;
	v22 =	vld.idx.msk [tilespmem:v16+s21+$0x0], $0xffff  }
0xe6: {  	v23 =	vadd.s32 $0x380, v2;
	v24 =	vld.idx.msk [tilespmem:v17+s21+$0x0], $0xffff;
	[tilespmem:s0+$0x80] =	vst v5  }
0xe7: {  	[tilespmem:s7+$0x80] =	vst v8;
	v5 =	vadd.s32 $0x180, v0;
	v25 =	vld.idx.msk [tilespmem:v6+s21+$0x0], $0xffff  }
0xe8: {  	v26 =	vadd.s32 $0x180, v13;
	[tilespmem:s3+$0x280] =	vst v9;
	v27 =	vld.idx.msk [tilespmem:v10+s21+$0x0], $0xffff  }
0xe9: {  	v28 =	vadd.s32 $0x180, v15;
	v2 =	vadd.s32 $0x380, v4;
	[tilespmem:s1+$0x300] =	vst v14;
	v18 =	vld.idx.msk [tilespmem:v11+s21+$0x0], $0xffff  }
0xea: {  	v4 =	vadd.s32 $0x300, v13;
	v1 =	vadd.s32 $0x380, v3;
	v14 =	vadd.s32 $0x180, v20;
	v16 =	vld.idx.msk [tilespmem:v21+s21+$0x0], $0xffff;
	[tilespmem:s23+$0x380] =	vst v19  }
0xeb: {  	v3 =	vadd.s32 $0x380, v13;
	v12 =	vadd.s32 $0x200, v13;
	v7 =	vadd.s32 $0x280, v13;
	v17 =	vld.idx.msk [tilespmem:v23+s21+$0x0], $0xffff;
	[tilespmem:s4+$0x100] =	vst v22  }
0xec: {  	v13 =	vadd.s32 $0x380, v20;
	v9 =	vadd.s32 $0x280, v15;
	v8 =	vadd.s32 $0x280, v20;
	[tilespmem:s8+$0x100] =	vst v24;
	v19 =	vld.idx.msk [tilespmem:v5+s21+$0x0], $0xffff  }
0xed: {  	s9 =	simm.s32 $0x4;
	v10 =	vadd.s32 $0x200, v15;
	v11 =	vadd.s32 $0x200, v20;
	v6 =	vadd.s32 $0x300, v20;
	v21 =	vld.idx.msk [tilespmem:v26+s21+$0x0], $0xffff;
	[tilespmem:s0+$0x100] =	vst v25  }
0xee: {  	s10 =	simm.s32 $0x400;
	s11 =	simm.s32 $0x80;
	s6 =	simm.s32 $0x0;
	v22 =	vadd.s32 $0x200, v0;
	v5 =	vadd.s32 $0x300, v15;
	v15 =	vadd.s32 $0x380, v15;
	[tilespmem:s7+$0x100] =	vst v27;
	v20 =	vld.idx.msk [tilespmem:v28+s21+$0x0], $0xffff  }
.LBB2_5:
0xef: {  	s12 =	sand.u32 $0x40, s11;
	s16 =	sand.u32 $0xC00, s10;
	v14 =	vld.idx.msk [tilespmem:v14+s21+$0x0], $0xffff;
	[tilespmem:s2+$0x300] =	vst v18  }
0xf0: {  	s9 =	sadd.s32 $0x4, s9;
	s17 =	sadd.s32 s16, s20;
	s13 =	sor.u32 $0x30, s12;
	v18 =	vld.idx.msk [tilespmem:v1+s6+$0x0], $0xffff;
	[tilespmem:s3+$0x300] =	vst v16;
	v1 =	vmov v15  }
0xf1: {  	s14 =	sor.u32 $0x10, s12;
	p0 =	slt.u32 s9, $0x1C;
	s18 =	sadd.s32 s13, s17;
	[tilespmem:s1+$0x380] =	vst v17;
	v15 =	vld.idx.msk [tilespmem:v2+s6+$0x0], $0xffff;
	v2 =	vmov v13  }
0xf2: {  	s15 =	sor.u32 $0x20, s12;
	s22 =	sadd.s32 s12, s17;
	s23 =	sadd.s32 s14, s17;
	v16 =	vld [tilespmem:s18+$0x80];
	[tilespmem:s4+$0x180] =	vst v19  }
0xf3: {  	s17 =	sadd.s32 s15, s17;
	s6 =	smov.u32 s21;
	s1 =	smov.u32 s8;
	[tilespmem:s8+$0x180] =	vst v21;
	v13 =	vld.idx.msk [tilespmem:v22+s21+$0x0], $0xffff  }
0xf4: {  	v17 =	vld [tilespmem:s22+$0x80];
	[tilespmem:s0+$0x180] =	vst v20  }
0xf5: {  	v19 =	vld [tilespmem:s23+$0x80];
	[tilespmem:s7+$0x180] =	vst v14;
	v14 =	vadd.s32 $0x280, v0  }
0xf6: {  	v20 =	vld [tilespmem:s17+$0x80];
	[tilespmem:s2+$0x380] =	vst v18;
	s2 =	smov.u32 s0  }
0xf7: {  	v18 =	vld.idx.msk [tilespmem:v12+s6+$0x0], $0xffff;
	[tilespmem:s3+$0x380] =	vst v15;
	s3 =	smov.u32 s7  }
0xf8: {  	v15 =	vld.idx.msk [tilespmem:v10+s6+$0x0], $0xffff  }
0xf9: {  	v21 =	vadd.s32 $0x80, v17;
	v22 =	vadd.s32 $0x100, v17;
	v23 =	vadd.s32 $0x180, v17;
	v24 =	vld.idx.msk [tilespmem:v11+s6+$0x0], $0xffff;
	[tilespmem:s4+$0x200] =	vst v13  }
0xfa: {  	v25 =	vadd.s32 $0x80, v19;
	v26 =	vadd.s32 $0x100, v19;
	v27 =	vadd.s32 $0x180, v19;
	v28 =	vld.idx.msk [tilespmem:v14+s6+$0x0], $0xffff  }
0xfb: {  	v29 =	vadd.s32 $0x80, v20;
	v30 =	vadd.s32 $0x100, v20;
	v14 =	vadd.s32 $0x180, v20;
	v31 =	vld.idx.msk [tilespmem:v16+s21+$0x0], $0xffff  }
0xfc: {  	v33 =	vadd.s32 $0x300, v0;
	v12 =	vadd.s32 $0x200, v17;
	v10 =	vadd.s32 $0x200, v19;
	v32 =	vld.idx.msk [tilespmem:v17+s21+$0x0], $0xffff  }
0xfd: {  	v35 =	vadd.s32 $0x80, v16;
	v13 =	vadd.s32 $0x280, v17;
	v11 =	vadd.s32 $0x200, v20;
	v34 =	vld.idx.msk [tilespmem:v19+s21+$0x0], $0xffff;
	[tilespmem:s1+$0x200] =	vst v18  }
0xfe: {  	s0 =	sadd.s32 s16, s19;
	v36 =	vadd.s32 $0x280, v19;
	v38 =	vadd.s32 $0x280, v20;
	v18 =	vadd.s32 $0x300, v17;
	v37 =	vld.idx.msk [tilespmem:v20+s21+$0x0], $0xffff;
	[tilespmem:s2+$0x200] =	vst v15  }
0xff: {  	s7 =	sadd.s32 $0x1000, s0;
	v39 =	vadd.s32 $0x380, v17;
	v40 =	vadd.s32 $0x300, v20;
	v17 =	vadd.s32 $0x300, v19;
	v41 =	vld.idx.msk [tilespmem:v7+s6+$0x0], $0xffff;
	[tilespmem:s3+$0x200] =	vst v24;
	v7 =	vmovc v13  }
0x100: {  	s8 =	sadd.s32 s12, s7;
	s0 =	sadd.s32 s14, s7;
	s12 =	sadd.s32 s13, s7;
	v15 =	vadd.s32 $0x380, v19;
	v13 =	vadd.s32 $0x380, v20;
	v19 =	vld.idx.msk [tilespmem:v9+s6+$0x0], $0xffff;
	[tilespmem:s4+$0x280] =	vst v28;
	v9 =	vmov v36  }
0x101: {  	s7 =	sadd.s32 s15, s7;
	[tilespmem:s12+$0x0] =	vst v31;
	v20 =	vld.idx.msk [tilespmem:v33+s6+$0x0], $0xffff  }
0x102: {  	[tilespmem:s8+$0x0] =	vst v32;
	v24 =	vld.idx.msk [tilespmem:v35+s21+$0x0], $0xffff  }
0x103: {  	v28 =	vadd.s32 $0x380, v0;
	v0 =	vmov v16;
	v21 =	vld.idx.msk [tilespmem:v21+s21+$0x0], $0xffff;
	[tilespmem:s0+$0x0] =	vst v34  }
0x104: {  	v16 =	vld.idx.msk [tilespmem:v25+s21+$0x0], $0xffff;
	[tilespmem:s7+$0x0] =	vst v37;
	v25 =	vadd.s32 $0x100, v0  }
0x105: {  	v29 =	vld.idx.msk [tilespmem:v29+s21+$0x0], $0xffff;
	[tilespmem:s1+$0x280] =	vst v41  }
0x106: {  	[tilespmem:s2+$0x280] =	vst v19;
	v19 =	vld.idx.msk [tilespmem:v8+s6+$0x0], $0xffff;
	v8 =	vmov v38  }
0x107: {  	v31 =	vld.idx.msk [tilespmem:v4+s6+$0x0], $0xffff;
	[tilespmem:s4+$0x300] =	vst v20;
	v4 =	vmov v18  }
0x108: {  	[tilespmem:s12+$0x80] =	vst v24;
	v20 =	vld.idx.msk [tilespmem:v28+s6+$0x0], $0xffff  }
0x109: {  	[tilespmem:s8+$0x80] =	vst v21;
	v21 =	vld.idx.msk [tilespmem:v25+s21+$0x0], $0xffff  }
0x10a: {  	v22 =	vld.idx.msk [tilespmem:v22+s21+$0x0], $0xffff;
	[tilespmem:s0+$0x80] =	vst v16  }
0x10b: {  	v25 =	vadd.s32 $0x180, v0;
	v24 =	vld.idx.msk [tilespmem:v26+s21+$0x0], $0xffff;
	[tilespmem:s7+$0x80] =	vst v29  }
0x10c: {  	v26 =	vld.idx.msk [tilespmem:v30+s21+$0x0], $0xffff;
	[tilespmem:s3+$0x280] =	vst v19  }
0x10d: {  	[tilespmem:s1+$0x300] =	vst v31;
	v18 =	vld.idx.msk [tilespmem:v5+s6+$0x0], $0xffff;
	v5 =	vmov v17  }
.Ltmp3:
0x10e: {  	v16 =	vld.idx.msk [tilespmem:v6+s6+$0x0], $0xffff;
	[tilespmem:s4+$0x380] =	vst v20;
	v6 =	vmov v40;
	s4 =	smov.u32 s12;
	(pc) =	sbr.rel @p0 .LBB2_5-.Ltmp3, $4  }
0x10f: {  	[tilespmem:s4+$0x100] =	vst v21;
	v17 =	vld.idx.msk [tilespmem:v3+s6+$0x0], $0xffff;
	v3 =	vmov v39  }
0x110: {  	[tilespmem:s8+$0x100] =	vst v22;
	v19 =	vld.idx.msk [tilespmem:v25+s21+$0x0], $0xffff  }
0x111: {  	v21 =	vld.idx.msk [tilespmem:v23+s21+$0x0], $0xffff;
	[tilespmem:s0+$0x100] =	vst v24  }
0x112: {  	s10 =	sadd.s32 $0x200, s10;
	s11 =	sadd.s32 $0x40, s11;
	v22 =	vadd.s32 $0x200, v0;
	v20 =	vld.idx.msk [tilespmem:v27+s21+$0x0], $0xffff;
	[tilespmem:s7+$0x100] =	vst v26  }
0x113: {  	_ =	sdelay $0x3  }
0x114: {  	v14 =	vld.idx.msk [tilespmem:v14+s21+$0x0], $0xffff;
	_ =	sdelay $0x1  }
0x115: {  	[tilespmem:s4+$0x180] =	vst v19  }
0x116: {  	[tilespmem:s8+$0x180] =	vst v21;
	v19 =	vld.idx.msk [tilespmem:v22+s21+$0x0], $0xffff  }
0x117: {  	[tilespmem:s0+$0x180] =	vst v20;
	v20 =	vadd.s32 $0x280, v0;
	v12 =	vld.idx.msk [tilespmem:v12+s21+$0x0], $0xffff  }
0x118: {  	[tilespmem:s7+$0x180] =	vst v14;
	v10 =	vld.idx.msk [tilespmem:v10+s21+$0x0], $0xffff  }
0x119: {  	v11 =	vld.idx.msk [tilespmem:v11+s21+$0x0], $0xffff;
	_ =	sdelay $0x1  }
0x11a: {  	[tilespmem:s4+$0x200] =	vst v19  }
0x11b: {  	v14 =	vld.idx.msk [tilespmem:v20+s21+$0x0], $0xffff;
	[tilespmem:s8+$0x200] =	vst v12  }
0x11c: {  	v12 =	vadd.s32 $0x300, v0;
	[tilespmem:s0+$0x200] =	vst v10;
	v7 =	vld.idx.msk [tilespmem:v7+s21+$0x0], $0xffff  }
0x11d: {  	[tilespmem:s7+$0x200] =	vst v11;
	v9 =	vld.idx.msk [tilespmem:v9+s21+$0x0], $0xffff  }
0x11e: {  	v8 =	vld.idx.msk [tilespmem:v8+s21+$0x0], $0xffff  }
0x11f: {  	[tilespmem:s2+$0x300] =	vst v18  }
0x120: {  	[tilespmem:s4+$0x280] =	vst v14  }
0x121: {  	v10 =	vld.idx.msk [tilespmem:v12+s21+$0x0], $0xffff;
	[tilespmem:s8+$0x280] =	vst v7  }
0x122: {  	v0 =	vadd.s32 $0x380, v0;
	[tilespmem:s0+$0x280] =	vst v9;
	v4 =	vld.idx.msk [tilespmem:v4+s21+$0x0], $0xffff  }
0x123: {  	[tilespmem:s7+$0x280] =	vst v8;
	v5 =	vld.idx.msk [tilespmem:v5+s21+$0x0], $0xffff  }
0x124: {  	[tilespmem:s3+$0x300] =	vst v16;
	v6 =	vld.idx.msk [tilespmem:v6+s21+$0x0], $0xffff  }
0x125: {  	v1 =	vld.idx.msk [tilespmem:v1+s6+$0x0], $0xffff;
	[tilespmem:s1+$0x380] =	vst v17  }
0x126: {  	v2 =	vld.idx.msk [tilespmem:v2+s6+$0x0], $0xffff;
	[tilespmem:s4+$0x300] =	vst v10  }
0x127: {  	v0 =	vld.idx.msk [tilespmem:v0+s21+$0x0], $0xffff;
	[tilespmem:s8+$0x300] =	vst v4  }
0x128: {  	v3 =	vld.idx.msk [tilespmem:v3+s21+$0x0], $0xffff;
	[tilespmem:s0+$0x300] =	vst v5  }
0x129: {  	v4 =	vld.idx.msk [tilespmem:v15+s21+$0x0], $0xffff;
	[tilespmem:s7+$0x300] =	vst v6  }
0x12a: {  	[tilespmem:s2+$0x380] =	vst v1;
	v1 =	vld.idx.msk [tilespmem:v13+s21+$0x0], $0xffff  }
0x12b: {  	[tilespmem:s3+$0x380] =	vst v2  }
0x12c: {  	[tilespmem:s4+$0x380] =	vst v0  }
0x12d: {  	s22 =	sand.u32 $0x40, s21;
	s26 =	sand.u32 $0xC00, s21;
	[tilespmem:s8+$0x380] =	vst v3  }
0x12e: {  	s31 =	sadd.s32 s26, s20;
	s23 =	sor.u32 $0x30, s22;
	[tilespmem:s0+$0x380] =	vst v4  }
0x12f: {  	s3 =	sadd.s32 s23, s31;
	[tilespmem:s7+$0x380] =	vst v1  }
0x130: {  	s28 =	sadd.s32 s22, s31;
	v14 =	vld [tilespmem:s3+$0x100]  }
0x131: {  	s24 =	sor.u32 $0x10, s22;
	v0 =	vld [tilespmem:s28+$0x100]  }
0x132: {  	s25 =	sor.u32 $0x20, s22;
	s29 =	sadd.s32 s24, s31  }
0x133: {  	s0 =	sadd.s32 s25, s31;
	v1 =	vld [tilespmem:s29+$0x100]  }
0x134: {  	v2 =	vld [tilespmem:s0+$0x100];
	_ =	sdelay $0x3  }
0x135: {  	v3 =	vld.idx.msk [tilespmem:v14+s21+$0x0], $0xffff  }
0x136: {  	v5 =	vadd.s32 $0x80, v14;
	v4 =	vld.idx.msk [tilespmem:v0+s21+$0x0], $0xffff  }
0x137: {  	s30 =	sadd.s32 s26, s19;
	v6 =	vadd.s32 $0x80, v0  }
0x138: {  	s1 =	sadd.s32 $0x2000, s30;
	v7 =	vld.idx.msk [tilespmem:v1+s21+$0x0], $0xffff  }
0x139: {  	s4 =	sadd.s32 s23, s1;
	v8 =	vadd.s32 $0x80, v1;
	v9 =	vld.idx.msk [tilespmem:v2+s21+$0x0], $0xffff  }
0x13a: {  	s7 =	sadd.s32 s22, s1;
	v10 =	vadd.s32 $0x80, v2;
	[tilespmem:s4+$0x0] =	vst v3  }
0x13b: {  	[tilespmem:s7+$0x0] =	vst v4;
	v3 =	vld.idx.msk [tilespmem:v5+s21+$0x0], $0xffff  }
0x13c: {  	s2 =	sadd.s32 s24, s1;
	v4 =	vld.idx.msk [tilespmem:v6+s21+$0x0], $0xffff;
	v5 =	vadd.s32 $0x100, v14  }
0x13d: {  	s10 =	sadd.s32 s25, s1;
	[tilespmem:s2+$0x0] =	vst v7;
	v6 =	vadd.s32 $0x100, v0  }
0x13e: {  	[tilespmem:s10+$0x0] =	vst v9;
	v7 =	vld.idx.msk [tilespmem:v8+s21+$0x0], $0xffff  }
0x13f: {  	v8 =	vadd.s32 $0x100, v1;
	v9 =	vld.idx.msk [tilespmem:v10+s21+$0x0], $0xffff  }
0x140: {  	v10 =	vadd.s32 $0x100, v2;
	[tilespmem:s4+$0x80] =	vst v3  }
0x141: {  	[tilespmem:s7+$0x80] =	vst v4;
	v11 =	vld.idx.msk [tilespmem:v5+s21+$0x0], $0xffff  }
0x142: {  	v12 =	vld.idx.msk [tilespmem:v6+s21+$0x0], $0xffff  }
0x143: {  	v13 =	vadd.s32 $0x180, v14;
	[tilespmem:s2+$0x80] =	vst v7  }
0x144: {  	v15 =	vadd.s32 $0x180, v0;
	[tilespmem:s10+$0x80] =	vst v9;
	v17 =	vld.idx.msk [tilespmem:v8+s21+$0x0], $0xffff  }
0x145: {  	p1 =	por $0x1, $0x1;
	v19 =	vadd.s32 $0x180, v1;
	v21 =	vld.idx.msk [tilespmem:v10+s21+$0x0], $0xffff  }
.Ltmp4:
0x146: {  	v3 =	vadd.s32 $0x200, v1;
	v9 =	vadd.s32 $0x280, v0;
	v7 =	vadd.s32 $0x300, v0;
	[tilespmem:s4+$0x100] =	vst v11;
	(pc) =	sbr.rel @!p1 .LBB2_7-.Ltmp4, $4  }
0x147: {  	v11 =	vadd.s32 $0x280, v1;
	[tilespmem:s7+$0x100] =	vst v12;
	v12 =	vadd.s32 $0x300, v1;
	v1 =	vadd.s32 $0x380, v1  }
0x148: {  	v5 =	vadd.s32 $0x200, v0;
	v8 =	vadd.s32 $0x380, v0;
	v0 =	vadd.s32 $0x380, v2;
	v18 =	vld.idx.msk [tilespmem:v13+s21+$0x0], $0xffff  }
0x149: {  	v4 =	vadd.s32 $0x200, v2;
	v6 =	vadd.s32 $0x180, v2;
	[tilespmem:s2+$0x100] =	vst v17;
	v16 =	vld.idx.msk [tilespmem:v15+s21+$0x0], $0xffff  }
0x14a: {  	p0 =	por $0x0, $0x0;
	s6 =	simm.s32 $0x40;
	s1 =	simm.s32 $0x200;
	v10 =	vadd.s32 $0x280, v2;
	[tilespmem:s10+$0x100] =	vst v21;
	v21 =	vadd.s32 $0x200, v14;
	v13 =	vadd.s32 $0x300, v2;
	v20 =	vld.idx.msk [tilespmem:v19+s21+$0x0], $0xffff  }
0x14b: {  	_ =	sdelay $0x1  }
0x14c: {  	s1 =	simm.s32 $0x40;
	s18 =	simm.s32 $0x200  }
0x14d: {  	[dreg:$0xb] =	wrdreg s3;
	s6 =	sand.u32 $0x40, s1;
	s1 =	sand.u32 $0xC00, s18  }
0x14e: {  	v6 =	vld.idx.msk [tilespmem:v6+s21+$0x0], $0xffff;
	s8 =	sadd.s32 s1, s20;
	s9 =	sor.u32 $0x30, s6;
	[tilespmem:s4+$0x180] =	vst v18  }
0x14f: {  	s11 =	sadd.s32 s9, s8;
	v15 =	vld.idx.msk [tilespmem:v21+s21+$0x0], $0xffff  }
0x150: {  	s12 =	sadd.s32 s6, s8;
	v2 =	vld [tilespmem:s11+$0x100]  }
0x151: {  	[tilespmem:s7+$0x180] =	vst v16;
	v21 =	vld [tilespmem:s12+$0x100]  }
0x152: {  	v17 =	vadd.s32 $0x280, v14;
	s26 =	sor.u32 $0x10, s6;
	[tilespmem:s2+$0x180] =	vst v20;
	v5 =	vld.idx.msk [tilespmem:v5+s21+$0x0], $0xffff  }
0x153: {  	s14 =	sor.u32 $0x20, s6;
	s13 =	sadd.s32 s26, s8;
	v3 =	vld.idx.msk [tilespmem:v3+s21+$0x0], $0xffff  }
0x154: {  	s8 =	sadd.s32 s14, s8;
	v22 =	vld [tilespmem:s13+$0x100]  }
0x155: {  	v23 =	vld [tilespmem:s8+$0x100];
	[tilespmem:s10+$0x180] =	vst v6  }
0x156: {  	v4 =	vld.idx.msk [tilespmem:v4+s21+$0x0], $0xffff;
	[tilespmem:s4+$0x200] =	vst v15  }
0x157: {  	v6 =	vld.idx.msk [tilespmem:v17+s21+$0x0], $0xffff;
	[tilespmem:s7+$0x200] =	vst v5  }
0x158: {  	[tilespmem:s2+$0x200] =	vst v3;
	v9 =	vld.idx.msk [tilespmem:v9+s21+$0x0], $0xffff  }
0x159: {  	v11 =	vld.idx.msk [tilespmem:v11+s21+$0x0], $0xffff  }
0x15a: {  	v17 =	vadd.s32 $0x300, v14;
	v15 =	vld.idx.msk [tilespmem:v2+s21+$0x0], $0xffff  }
0x15b: {  	v16 =	vld.idx.msk [tilespmem:v21+s21+$0x0], $0xffff  }
0x15c: {  	v19 =	vadd.s32 $0x80, v2;
	v18 =	vld.idx.msk [tilespmem:v22+s21+$0x0], $0xffff;
	[tilespmem:s10+$0x200] =	vst v4  }
0x15d: {  	s1 =	sadd.s32 s1, s19;
	v5 =	vadd.s32 $0x80, v21;
	v20 =	vld.idx.msk [tilespmem:v23+s21+$0x0], $0xffff;
	[tilespmem:s4+$0x280] =	vst v6  }
0x15e: {  	s31 =	sadd.s32 $0x2000, s1;
	v3 =	vadd.s32 $0x80, v22;
	v10 =	vld.idx.msk [tilespmem:v10+s21+$0x0], $0xffff;
	[tilespmem:s7+$0x280] =	vst v9  }
0x15f: {  	s1 =	sadd.s32 s9, s31;
	v4 =	vadd.s32 $0x80, v23;
	v6 =	vld.idx.msk [tilespmem:v17+s21+$0x0], $0xffff;
	[tilespmem:s2+$0x280] =	vst v11  }
0x160: {  	s9 =	sadd.s32 s6, s31;
	v7 =	vld.idx.msk [tilespmem:v7+s21+$0x0], $0xffff;
	[tilespmem:s1+$0x0] =	vst v15  }
0x161: {  	s6 =	sadd.s32 s26, s31;
	v14 =	vadd.s32 $0x380, v14;
	[tilespmem:s9+$0x0] =	vst v16;
	v15 =	vld.idx.msk [tilespmem:v19+s21+$0x0], $0xffff  }
0x162: {  	s8 =	sadd.s32 s14, s31;
	[tilespmem:s6+$0x0] =	vst v18;
	v16 =	vadd.s32 $0x100, v2;
	v5 =	vld.idx.msk [tilespmem:v5+s21+$0x0], $0xffff  }
0x163: {  	v17 =	vadd.s32 $0x100, v21;
	[tilespmem:s8+$0x0] =	vst v20;
	v3 =	vld.idx.msk [tilespmem:v3+s21+$0x0], $0xffff  }
0x164: {  	v9 =	vadd.s32 $0x100, v22;
	v4 =	vld.idx.msk [tilespmem:v4+s21+$0x0], $0xffff;
	[tilespmem:s10+$0x280] =	vst v10  }
0x165: {  	v11 =	vadd.s32 $0x100, v23;
	v19 =	vld.idx.msk [tilespmem:v12+s21+$0x0], $0xffff;
	[tilespmem:s4+$0x300] =	vst v6  }
0x166: {  	v14 =	vld.idx.msk [tilespmem:v14+s21+$0x0], $0xffff;
	[tilespmem:s1+$0x80] =	vst v15  }
0x167: {  	[tilespmem:s9+$0x80] =	vst v5;
	v16 =	vld.idx.msk [tilespmem:v16+s21+$0x0], $0xffff  }
0x168: {  	v24 =	vadd.s32 $0x180, v2;
	[tilespmem:s6+$0x80] =	vst v3;
	v18 =	vld.idx.msk [tilespmem:v17+s21+$0x0], $0xffff  }
0x169: {  	v25 =	vadd.s32 $0x180, v21;
	[tilespmem:s8+$0x80] =	vst v4;
	v20 =	vld.idx.msk [tilespmem:v9+s21+$0x0], $0xffff  }
0x16a: {  	p3 =	por $0x1, $0x1;
	v27 =	vadd.s32 $0x180, v22;
	[tilespmem:s7+$0x300] =	vst v7;
	v26 =	vld.idx.msk [tilespmem:v11+s21+$0x0], $0xffff  }
.Ltmp5:
0x16b: {  	v10 =	vadd.s32 $0x280, v23;
	v6 =	vadd.s32 $0x180, v23;
	v15 =	vld.idx.msk [tilespmem:v13+s21+$0x0], $0xffff;
	[tilespmem:s4+$0x380] =	vst v14;
	(pc) =	sbr.rel @!p3 .LBB2_9-.Ltmp5, $4  }
0x16c: {  	v12 =	vadd.s32 $0x300, v22;
	v7 =	vadd.s32 $0x300, v21;
	v5 =	vadd.s32 $0x200, v21;
	v17 =	vld.idx.msk [tilespmem:v8+s21+$0x0], $0xffff;
	[tilespmem:s1+$0x100] =	vst v16  }
0x16d: {  	v3 =	vadd.s32 $0x200, v22;
	v4 =	vadd.s32 $0x200, v23;
	v13 =	vadd.s32 $0x300, v23;
	[tilespmem:s9+$0x100] =	vst v18;
	v18 =	vld.idx.msk [tilespmem:v24+s21+$0x0], $0xffff  }
0x16e: {  	p2 =	por $0x1, $0x1;
	v9 =	vadd.s32 $0x280, v21;
	v11 =	vadd.s32 $0x280, v22;
	v8 =	vadd.s32 $0x380, v21;
	[tilespmem:s6+$0x100] =	vst v20;
	v16 =	vld.idx.msk [tilespmem:v25+s21+$0x0], $0xffff  }
0x16f: {  	s11 =	simm.s32 $0x400;
	s12 =	simm.s32 $0x80;
	v22 =	vadd.s32 $0x380, v22;
	v21 =	vadd.s32 $0x200, v2;
	s4 =	simm.s32 $0x4;
	v14 =	vadd.s32 $0x380, v23;
	[tilespmem:s8+$0x100] =	vst v26;
	v20 =	vld.idx.msk [tilespmem:v27+s21+$0x0], $0xffff  }
.LBB2_10:
0x170: {  	s13 =	sand.u32 $0x40, s12;
	s17 =	sand.u32 $0xC00, s11;
	v6 =	vld.idx.msk [tilespmem:v6+s21+$0x0], $0xffff;
	[tilespmem:s2+$0x300] =	vst v19  }
0x171: {  	s4 =	sadd.s32 $0x4, s4;
	s18 =	sadd.s32 s17, s20;
	s14 =	sor.u32 $0x30, s13;
	v19 =	vld.idx.msk [tilespmem:v1+s21+$0x0], $0xffff;
	[tilespmem:s10+$0x300] =	vst v15;
	v1 =	vmov v22  }
0x172: {  	s15 =	sor.u32 $0x10, s13;
	p3 =	slt.u32 s4, $0x1C;
	s31 =	sadd.s32 s14, s18;
	[tilespmem:s7+$0x380] =	vst v17;
	v15 =	vld.idx.msk [tilespmem:v0+s21+$0x0], $0xffff;
	v0 =	vmov v14  }
0x173: {  	s16 =	sor.u32 $0x20, s13;
	s3 =	sadd.s32 s13, s18;
	s26 =	sadd.s32 s15, s18;
	v17 =	vld [tilespmem:s31+$0x100];
	[tilespmem:s1+$0x180] =	vst v18  }
0x174: {  	s18 =	sadd.s32 s16, s18;
	s7 =	smov.u32 s9;
	[tilespmem:s9+$0x180] =	vst v16;
	v14 =	vld.idx.msk [tilespmem:v21+s21+$0x0], $0xffff  }
0x175: {  	v16 =	vld [tilespmem:s3+$0x100];
	[tilespmem:s6+$0x180] =	vst v20  }
0x176: {  	v18 =	vld [tilespmem:s26+$0x100];
	[tilespmem:s8+$0x180] =	vst v6;
	v6 =	vadd.s32 $0x280, v2  }
0x177: {  	v20 =	vld [tilespmem:s18+$0x100];
	[tilespmem:s2+$0x380] =	vst v19;
	s2 =	smov.u32 s6  }
0x178: {  	v19 =	vld.idx.msk [tilespmem:v5+s21+$0x0], $0xffff;
	[tilespmem:s10+$0x380] =	vst v15;
	s10 =	smov.u32 s8  }
0x179: {  	v15 =	vld.idx.msk [tilespmem:v3+s21+$0x0], $0xffff  }
0x17a: {  	v21 =	vadd.s32 $0x80, v16;
	v23 =	vadd.s32 $0x100, v16;
	v24 =	vadd.s32 $0x180, v16;
	v22 =	vld.idx.msk [tilespmem:v4+s21+$0x0], $0xffff;
	[tilespmem:s1+$0x200] =	vst v14  }
0x17b: {  	v25 =	vadd.s32 $0x80, v18;
	v26 =	vadd.s32 $0x100, v18;
	v27 =	vadd.s32 $0x180, v18;
	v28 =	vld.idx.msk [tilespmem:v6+s21+$0x0], $0xffff  }
0x17c: {  	v29 =	vadd.s32 $0x80, v20;
	v30 =	vadd.s32 $0x100, v20;
	v6 =	vadd.s32 $0x180, v20;
	v31 =	vld.idx.msk [tilespmem:v17+s21+$0x0], $0xffff  }
0x17d: {  	v33 =	vadd.s32 $0x300, v2;
	v5 =	vadd.s32 $0x200, v16;
	v3 =	vadd.s32 $0x200, v18;
	v32 =	vld.idx.msk [tilespmem:v16+s21+$0x0], $0xffff  }
0x17e: {  	v35 =	vadd.s32 $0x80, v17;
	v14 =	vadd.s32 $0x280, v16;
	v4 =	vadd.s32 $0x200, v20;
	v34 =	vld.idx.msk [tilespmem:v18+s21+$0x0], $0xffff;
	[tilespmem:s7+$0x200] =	vst v19  }
0x17f: {  	s3 =	sadd.s32 s17, s19;
	v36 =	vadd.s32 $0x280, v18;
	v38 =	vadd.s32 $0x280, v20;
	v19 =	vadd.s32 $0x300, v16;
	v37 =	vld.idx.msk [tilespmem:v20+s21+$0x0], $0xffff;
	[tilespmem:s2+$0x200] =	vst v15  }
0x180: {  	s3 =	sadd.s32 $0x2000, s3;
	v39 =	vadd.s32 $0x300, v20;
	v16 =	vadd.s32 $0x380, v16;
	v15 =	vadd.s32 $0x300, v18;
	v40 =	vld.idx.msk [tilespmem:v9+s21+$0x0], $0xffff;
	[tilespmem:s10+$0x200] =	vst v22;
	v9 =	vmovc v14  }
0x181: {  	s9 =	sadd.s32 s13, s3;
	s6 =	sadd.s32 s15, s3;
	s13 =	sadd.s32 s14, s3;
	v22 =	vadd.s32 $0x380, v18;
	v14 =	vadd.s32 $0x380, v20;
	v18 =	vld.idx.msk [tilespmem:v11+s21+$0x0], $0xffff;
	[tilespmem:s1+$0x280] =	vst v28;
	v11 =	vmov v36  }
0x182: {  	s8 =	sadd.s32 s16, s3;
	[tilespmem:s13+$0x0] =	vst v31;
	v20 =	vld.idx.msk [tilespmem:v33+s21+$0x0], $0xffff  }
0x183: {  	[tilespmem:s9+$0x0] =	vst v32;
	v28 =	vld.idx.msk [tilespmem:v35+s21+$0x0], $0xffff  }
0x184: {  	v31 =	vadd.s32 $0x380, v2;
	v2 =	vmov v17;
	v21 =	vld.idx.msk [tilespmem:v21+s21+$0x0], $0xffff;
	[tilespmem:s6+$0x0] =	vst v34  }
0x185: {  	v17 =	vld.idx.msk [tilespmem:v25+s21+$0x0], $0xffff;
	[tilespmem:s8+$0x0] =	vst v37;
	v25 =	vadd.s32 $0x100, v2  }
0x186: {  	v29 =	vld.idx.msk [tilespmem:v29+s21+$0x0], $0xffff;
	[tilespmem:s7+$0x280] =	vst v40  }
0x187: {  	[tilespmem:s2+$0x280] =	vst v18;
	v18 =	vld.idx.msk [tilespmem:v10+s21+$0x0], $0xffff;
	v10 =	vmov v38  }
0x188: {  	v32 =	vld.idx.msk [tilespmem:v7+s21+$0x0], $0xffff;
	[tilespmem:s1+$0x300] =	vst v20;
	v7 =	vmov v19  }
0x189: {  	[tilespmem:s13+$0x80] =	vst v28;
	v20 =	vld.idx.msk [tilespmem:v31+s21+$0x0], $0xffff  }
0x18a: {  	[tilespmem:s9+$0x80] =	vst v21;
	v21 =	vld.idx.msk [tilespmem:v25+s21+$0x0], $0xffff  }
0x18b: {  	v23 =	vld.idx.msk [tilespmem:v23+s21+$0x0], $0xffff;
	[tilespmem:s6+$0x80] =	vst v17  }
0x18c: {  	v25 =	vld.idx.msk [tilespmem:v26+s21+$0x0], $0xffff;
	[tilespmem:s8+$0x80] =	vst v29;
	v26 =	vadd.s32 $0x180, v2  }
0x18d: {  	v28 =	vld.idx.msk [tilespmem:v30+s21+$0x0], $0xffff;
	[tilespmem:s10+$0x280] =	vst v18  }
0x18e: {  	[tilespmem:s7+$0x300] =	vst v32;
	v19 =	vld.idx.msk [tilespmem:v12+s21+$0x0], $0xffff;
	v12 =	vmov v15  }
.Ltmp6:
0x18f: {  	v15 =	vld.idx.msk [tilespmem:v13+s21+$0x0], $0xffff;
	[tilespmem:s1+$0x380] =	vst v20;
	v13 =	vmov v39;
	s1 =	smov.u32 s13;
	(pc) =	sbr.rel @p3 .LBB2_10-.Ltmp6, $4  }
0x190: {  	[tilespmem:s1+$0x100] =	vst v21;
	v17 =	vld.idx.msk [tilespmem:v8+s21+$0x0], $0xffff;
	v8 =	vmov v16  }
0x191: {  	[tilespmem:s9+$0x100] =	vst v23;
	v18 =	vld.idx.msk [tilespmem:v26+s21+$0x0], $0xffff  }
0x192: {  	v16 =	vld.idx.msk [tilespmem:v24+s21+$0x0], $0xffff;
	[tilespmem:s6+$0x100] =	vst v25  }
0x193: {  	s11 =	sadd.s32 $0x200, s11;
	s12 =	sadd.s32 $0x40, s12;
	v21 =	vadd.s32 $0x200, v2;
	v20 =	vld.idx.msk [tilespmem:v27+s21+$0x0], $0xffff;
	[tilespmem:s8+$0x100] =	vst v28  }
0x194: {  	s11 =	smov.u32 s2  }
0x195: {  	s12 =	smov.u32 s10;
	s13 =	smov.u32 s7;
	s4 =	smov.u32 s1  }
0x196: {  	s7 =	smov.u32 s9;
	s2 =	smov.u32 s6;
	s10 =	smov.u32 s8  }
0x197: {  	v23 =	vmovc v1;
	v24 =	vmovc v0;
	v1 =	vmov v22;
	v0 =	vmov v14;
	v14 =	vmov v2;
	s3 =	rddreg [dreg:$0xb];
	s1 =	simm.s32 $0x200;
	s6 =	simm.s32 $0x40  }
.LBB2_12:
0x198: {  	_ =	sdelay $0x3  }
0x199: {  	v2 =	vld.idx.msk [tilespmem:v6+s21+$0x0], $0xffff;
	_ =	sdelay $0x1  }
0x19a: {  	[tilespmem:s4+$0x180] =	vst v18  }
0x19b: {  	[tilespmem:s7+$0x180] =	vst v16;
	v6 =	vld.idx.msk [tilespmem:v21+s21+$0x0], $0xffff  }
0x19c: {  	[tilespmem:s2+$0x180] =	vst v20;
	v16 =	vadd.s32 $0x280, v14;
	v5 =	vld.idx.msk [tilespmem:v5+s21+$0x0], $0xffff  }
0x19d: {  	[tilespmem:s10+$0x180] =	vst v2;
	v2 =	vld.idx.msk [tilespmem:v3+s21+$0x0], $0xffff  }
0x19e: {  	v3 =	vld.idx.msk [tilespmem:v4+s21+$0x0], $0xffff;
	_ =	sdelay $0x1  }
0x19f: {  	[tilespmem:s4+$0x200] =	vst v6  }
0x1a0: {  	[tilespmem:s7+$0x200] =	vst v5;
	v4 =	vld.idx.msk [tilespmem:v16+s21+$0x0], $0xffff  }
0x1a1: {  	v5 =	vadd.s32 $0x300, v14;
	[tilespmem:s2+$0x200] =	vst v2;
	v2 =	vld.idx.msk [tilespmem:v9+s21+$0x0], $0xffff  }
0x1a2: {  	[tilespmem:s10+$0x200] =	vst v3;
	v3 =	vld.idx.msk [tilespmem:v11+s21+$0x0], $0xffff  }
0x1a3: {  	v6 =	vld.idx.msk [tilespmem:v10+s21+$0x0], $0xffff  }
0x1a4: {  	[tilespmem:s11+$0x300] =	vst @p2 v19  }
0x1a5: {  	[tilespmem:s4+$0x280] =	vst v4  }
0x1a6: {  	v4 =	vld.idx.msk [tilespmem:v5+s21+$0x0], $0xffff;
	[tilespmem:s7+$0x280] =	vst v2  }
0x1a7: {  	v2 =	vadd.s32 $0x380, v14;
	[tilespmem:s2+$0x280] =	vst v3;
	v3 =	vld.idx.msk [tilespmem:v7+s21+$0x0], $0xffff  }
0x1a8: {  	[tilespmem:s10+$0x280] =	vst v6;
	v5 =	vld.idx.msk [tilespmem:v12+s21+$0x0], $0xffff  }
0x1a9: {  	[tilespmem:s12+$0x300] =	vst @p2 v15;
	v6 =	vld.idx.msk [tilespmem:v13+s21+$0x0], $0xffff  }
0x1aa: {  	[tilespmem:s13+$0x380] =	vst @p2 v17;
	v9 =	vld.idx.msk @p2 [tilespmem:v24+s21+$0x0], $0xffff  }
0x1ab: {  	v7 =	vld.idx.msk @p2 [tilespmem:v23+s21+$0x0], $0xffff;
	[tilespmem:s4+$0x300] =	vst v4  }
0x1ac: {  	v2 =	vld.idx.msk [tilespmem:v2+s21+$0x0], $0xffff;
	[tilespmem:s7+$0x300] =	vst v3  }
0x1ad: {  	v3 =	vld.idx.msk [tilespmem:v8+s21+$0x0], $0xffff;
	[tilespmem:s2+$0x300] =	vst v5  }
0x1ae: {  	v1 =	vld.idx.msk [tilespmem:v1+s21+$0x0], $0xffff;
	[tilespmem:s10+$0x300] =	vst v6  }
0x1af: {  	[tilespmem:s12+$0x380] =	vst @p2 v9;
	v0 =	vld.idx.msk [tilespmem:v0+s21+$0x0], $0xffff  }
0x1b0: {  	[tilespmem:s11+$0x380] =	vst @p2 v7  }
0x1b1: {  	[tilespmem:s4+$0x380] =	vst v2  }
0x1b2: {  	[tilespmem:s7+$0x380] =	vst v3  }
0x1b3: {  	[tilespmem:s2+$0x380] =	vst v1  }
0x1b4: {  	[tilespmem:s10+$0x380] =	vst v0  }
0x1b5: {  	v14 =	vld [tilespmem:s3+$0x180]  }
0x1b6: {  	v0 =	vld [tilespmem:s28+$0x180];
	_ =	sdelay $0x1  }
0x1b7: {  	v1 =	vld [tilespmem:s29+$0x180]  }
0x1b8: {  	v2 =	vld [tilespmem:s0+$0x180];
	_ =	sdelay $0x2  }
0x1b9: {  	s21 =	simm.s32 $0x0  }
0x1ba: {  	v3 =	vld.idx.msk [tilespmem:v14+s21+$0x0], $0xffff  }
0x1bb: {  	v5 =	vadd.s32 $0x80, v14;
	v4 =	vld.idx.msk [tilespmem:v0+s21+$0x0], $0xffff  }
0x1bc: {  	v6 =	vadd.s32 $0x80, v0  }
0x1bd: {  	s31 =	sadd.s32 $0x3000, s30;
	v7 =	vld.idx.msk [tilespmem:v1+s21+$0x0], $0xffff  }
0x1be: {  	s4 =	sadd.s32 s23, s31;
	v8 =	vadd.s32 $0x80, v1;
	v9 =	vld.idx.msk [tilespmem:v2+s21+$0x0], $0xffff  }
0x1bf: {  	s2 =	sadd.s32 s22, s31;
	v10 =	vadd.s32 $0x80, v2;
	[tilespmem:s4+$0x0] =	vst v3  }
0x1c0: {  	[tilespmem:s2+$0x0] =	vst v4;
	v3 =	vld.idx.msk [tilespmem:v5+s21+$0x0], $0xffff  }
0x1c1: {  	s22 =	sadd.s32 s24, s31;
	v4 =	vld.idx.msk [tilespmem:v6+s21+$0x0], $0xffff;
	v5 =	vadd.s32 $0x100, v14  }
0x1c2: {  	s0 =	sadd.s32 s25, s31;
	[tilespmem:s22+$0x0] =	vst v7;
	v6 =	vadd.s32 $0x100, v0  }
0x1c3: {  	[tilespmem:s0+$0x0] =	vst v9;
	v7 =	vld.idx.msk [tilespmem:v8+s21+$0x0], $0xffff  }
0x1c4: {  	v8 =	vadd.s32 $0x100, v1;
	v9 =	vld.idx.msk [tilespmem:v10+s21+$0x0], $0xffff  }
0x1c5: {  	v10 =	vadd.s32 $0x100, v2;
	[tilespmem:s4+$0x80] =	vst v3  }
0x1c6: {  	[tilespmem:s2+$0x80] =	vst v4;
	v11 =	vld.idx.msk [tilespmem:v5+s21+$0x0], $0xffff  }
0x1c7: {  	v12 =	vld.idx.msk [tilespmem:v6+s21+$0x0], $0xffff  }
0x1c8: {  	[tilespmem:s22+$0x80] =	vst v7;
	v7 =	vadd.s32 $0x180, v14  }
0x1c9: {  	v15 =	vadd.s32 $0x180, v0;
	[tilespmem:s0+$0x80] =	vst v9;
	v16 =	vld.idx.msk [tilespmem:v8+s21+$0x0], $0xffff  }
0x1ca: {  	v17 =	vadd.s32 $0x180, v1;
	v21 =	vld.idx.msk [tilespmem:v10+s21+$0x0], $0xffff  }
.Ltmp7:
0x1cb: {  	v3 =	vadd.s32 $0x200, v1;
	v9 =	vadd.s32 $0x280, v0;
	v5 =	vadd.s32 $0x200, v0;
	[tilespmem:s4+$0x100] =	vst v11;
	(pc) =	sbr.rel @!p1 .LBB2_13-.Ltmp7, $4  }
0x1cc: {  	v11 =	vadd.s32 $0x280, v1;
	[tilespmem:s2+$0x100] =	vst v12;
	v12 =	vadd.s32 $0x300, v1;
	v1 =	vadd.s32 $0x380, v1  }
0x1cd: {  	v6 =	vadd.s32 $0x300, v0;
	v19 =	vld.idx.msk [tilespmem:v7+s21+$0x0], $0xffff;
	v7 =	vadd.s32 $0x380, v0;
	v0 =	vadd.s32 $0x380, v2  }
0x1ce: {  	v13 =	vadd.s32 $0x300, v2;
	v22 =	vadd.s32 $0x200, v14;
	[tilespmem:s22+$0x100] =	vst v16;
	v18 =	vld.idx.msk [tilespmem:v15+s21+$0x0], $0xffff  }
0x1cf: {  	v4 =	vadd.s32 $0x200, v2;
	v8 =	vadd.s32 $0x180, v2;
	v10 =	vadd.s32 $0x280, v2;
	[tilespmem:s0+$0x100] =	vst v21;
	v20 =	vld.idx.msk [tilespmem:v17+s21+$0x0], $0xffff  }
0x1d0: {  	_ =	sdelay $0x1  }
0x1d1: {  	s3 =	sand.u32 $0x40, s6;
	s1 =	sand.u32 $0xC00, s1  }
0x1d2: {  	s29 =	sadd.s32 s1, s20;
	s7 =	sor.u32 $0x30, s3  }
0x1d3: {  	v8 =	vld.idx.msk [tilespmem:v8+s21+$0x0], $0xffff;
	s8 =	sadd.s32 s7, s29  }
0x1d4: {  	[tilespmem:s4+$0x180] =	vst v19;
	v2 =	vld [tilespmem:s8+$0x180]  }
0x1d5: {  	s30 =	sadd.s32 s3, s29;
	v15 =	vld.idx.msk [tilespmem:v22+s21+$0x0], $0xffff  }
0x1d6: {  	s9 =	sor.u32 $0x10, s3;
	v21 =	vld [tilespmem:s30+$0x180];
	[tilespmem:s2+$0x180] =	vst v18  }
0x1d7: {  	v16 =	vadd.s32 $0x280, v14;
	s11 =	sor.u32 $0x20, s3;
	s10 =	sadd.s32 s9, s29;
	v5 =	vld.idx.msk [tilespmem:v5+s21+$0x0], $0xffff  }
0x1d8: {  	s6 =	sadd.s32 s11, s29;
	v22 =	vld [tilespmem:s10+$0x180]  }
0x1d9: {  	v23 =	vld [tilespmem:s6+$0x180];
	[tilespmem:s22+$0x180] =	vst v20  }
0x1da: {  	[tilespmem:s0+$0x180] =	vst v8;
	v3 =	vld.idx.msk [tilespmem:v3+s21+$0x0], $0xffff  }
0x1db: {  	v4 =	vld.idx.msk [tilespmem:v4+s21+$0x0], $0xffff;
	[tilespmem:s4+$0x200] =	vst v15  }
0x1dc: {  	v8 =	vld.idx.msk [tilespmem:v16+s21+$0x0], $0xffff;
	[tilespmem:s2+$0x200] =	vst v5  }
0x1dd: {  	v9 =	vld.idx.msk [tilespmem:v9+s21+$0x0], $0xffff  }
0x1de: {  	v15 =	vld.idx.msk [tilespmem:v2+s21+$0x0], $0xffff  }
0x1df: {  	v17 =	vadd.s32 $0x300, v14;
	v16 =	vld.idx.msk [tilespmem:v21+s21+$0x0], $0xffff  }
0x1e0: {  	[tilespmem:s22+$0x200] =	vst v3;
	v18 =	vld.idx.msk [tilespmem:v22+s21+$0x0], $0xffff  }
0x1e1: {  	s1 =	sadd.s32 s1, s19;
	v19 =	vadd.s32 $0x80, v2;
	v20 =	vld.idx.msk [tilespmem:v23+s21+$0x0], $0xffff;
	[tilespmem:s0+$0x200] =	vst v4  }
0x1e2: {  	s31 =	sadd.s32 $0x3000, s1;
	v5 =	vadd.s32 $0x80, v21;
	v11 =	vld.idx.msk [tilespmem:v11+s21+$0x0], $0xffff;
	[tilespmem:s4+$0x280] =	vst v8  }
0x1e3: {  	s1 =	sadd.s32 s7, s31;
	v3 =	vadd.s32 $0x80, v22;
	v10 =	vld.idx.msk [tilespmem:v10+s21+$0x0], $0xffff;
	[tilespmem:s2+$0x280] =	vst v9  }
0x1e4: {  	s8 =	sadd.s32 s3, s31;
	v4 =	vadd.s32 $0x80, v23;
	v8 =	vld.idx.msk [tilespmem:v17+s21+$0x0], $0xffff;
	[tilespmem:s1+$0x0] =	vst v15  }
0x1e5: {  	v14 =	vadd.s32 $0x380, v14;
	s6 =	sadd.s32 s9, s31;
	[tilespmem:s8+$0x0] =	vst v16;
	v6 =	vld.idx.msk [tilespmem:v6+s21+$0x0], $0xffff  }
0x1e6: {  	s7 =	sadd.s32 s11, s31;
	[tilespmem:s6+$0x0] =	vst v18;
	v15 =	vld.idx.msk [tilespmem:v19+s21+$0x0], $0xffff  }
0x1e7: {  	[tilespmem:s7+$0x0] =	vst v20;
	v16 =	vadd.s32 $0x100, v2;
	v5 =	vld.idx.msk [tilespmem:v5+s21+$0x0], $0xffff  }
0x1e8: {  	v17 =	vadd.s32 $0x100, v21;
	[tilespmem:s22+$0x280] =	vst v11;
	v3 =	vld.idx.msk [tilespmem:v3+s21+$0x0], $0xffff  }
0x1e9: {  	v9 =	vadd.s32 $0x100, v22;
	v4 =	vld.idx.msk [tilespmem:v4+s21+$0x0], $0xffff;
	[tilespmem:s4+$0x300] =	vst v8  }
0x1ea: {  	v11 =	vadd.s32 $0x100, v23;
	[tilespmem:s0+$0x280] =	vst v10;
	v14 =	vld.idx.msk [tilespmem:v14+s21+$0x0], $0xffff  }
0x1eb: {  	[tilespmem:s1+$0x80] =	vst v15;
	v15 =	vld.idx.msk [tilespmem:v13+s21+$0x0], $0xffff  }
0x1ec: {  	[tilespmem:s8+$0x80] =	vst v5;
	v18 =	vld.idx.msk [tilespmem:v16+s21+$0x0], $0xffff  }
0x1ed: {  	v24 =	vadd.s32 $0x180, v2;
	[tilespmem:s6+$0x80] =	vst v3;
	v19 =	vld.idx.msk [tilespmem:v17+s21+$0x0], $0xffff  }
0x1ee: {  	v25 =	vadd.s32 $0x180, v21;
	[tilespmem:s7+$0x80] =	vst v4;
	v20 =	vld.idx.msk [tilespmem:v9+s21+$0x0], $0xffff  }
0x1ef: {  	p1 =	por $0x1, $0x1;
	v27 =	vadd.s32 $0x180, v22;
	[tilespmem:s2+$0x300] =	vst v6;
	v26 =	vld.idx.msk [tilespmem:v11+s21+$0x0], $0xffff  }
.Ltmp8:
0x1f0: {  	v10 =	vadd.s32 $0x280, v23;
	v8 =	vadd.s32 $0x180, v23;
	v16 =	vld.idx.msk [tilespmem:v12+s21+$0x0], $0xffff;
	[tilespmem:s4+$0x380] =	vst v14;
	(pc) =	sbr.rel @!p1 .LBB2_15-.Ltmp8, $4  }
0x1f1: {  	v6 =	vadd.s32 $0x300, v21;
	v5 =	vadd.s32 $0x200, v21;
	v3 =	vadd.s32 $0x200, v22;
	v17 =	vld.idx.msk [tilespmem:v7+s21+$0x0], $0xffff;
	[tilespmem:s1+$0x100] =	vst v18  }
0x1f2: {  	v4 =	vadd.s32 $0x200, v23;
	v13 =	vadd.s32 $0x300, v23;
	v9 =	vadd.s32 $0x280, v21;
	[tilespmem:s8+$0x100] =	vst v19;
	v19 =	vld.idx.msk [tilespmem:v24+s21+$0x0], $0xffff  }
0x1f3: {  	p0 =	por $0x1, $0x1;
	s9 =	simm.s32 $0x400;
	v11 =	vadd.s32 $0x280, v22;
	v7 =	vadd.s32 $0x380, v21;
	v12 =	vadd.s32 $0x300, v22;
	[tilespmem:s6+$0x100] =	vst v20;
	v18 =	vld.idx.msk [tilespmem:v25+s21+$0x0], $0xffff  }
0x1f4: {  	s10 =	simm.s32 $0x80;
	s3 =	simm.s32 $0x0;
	v21 =	vadd.s32 $0x380, v22;
	v22 =	vadd.s32 $0x200, v2;
	s4 =	simm.s32 $0x4;
	v14 =	vadd.s32 $0x380, v23;
	[tilespmem:s7+$0x100] =	vst v26;
	v20 =	vld.idx.msk [tilespmem:v27+s21+$0x0], $0xffff  }
.LBB2_16:
0x1f5: {  	s11 =	sand.u32 $0x40, s10;
	s15 =	sand.u32 $0xC00, s9;
	v8 =	vld.idx.msk [tilespmem:v8+s21+$0x0], $0xffff;
	[tilespmem:s22+$0x300] =	vst v16  }
0x1f6: {  	s4 =	sadd.s32 $0x4, s4;
	s16 =	sadd.s32 s15, s20;
	s12 =	sor.u32 $0x30, s11;
	v16 =	vld.idx.msk [tilespmem:v1+s3+$0x0], $0xffff;
	[tilespmem:s0+$0x300] =	vst v15;
	v1 =	vmov v21  }
0x1f7: {  	s13 =	sor.u32 $0x10, s11;
	p1 =	slt.u32 s4, $0x1C;
	s17 =	sadd.s32 s12, s16;
	[tilespmem:s2+$0x380] =	vst v17;
	v15 =	vld.idx.msk [tilespmem:v0+s3+$0x0], $0xffff;
	v0 =	vmov v14  }
0x1f8: {  	s14 =	sor.u32 $0x20, s11;
	s18 =	sadd.s32 s11, s16;
	s23 =	sadd.s32 s13, s16;
	v17 =	vld [tilespmem:s17+$0x180];
	[tilespmem:s1+$0x180] =	vst v19  }
0x1f9: {  	s16 =	sadd.s32 s14, s16;
	s3 =	smov.u32 s21;
	s2 =	smov.u32 s8;
	[tilespmem:s8+$0x180] =	vst v18;
	v14 =	vld.idx.msk [tilespmem:v22+s21+$0x0], $0xffff  }
0x1fa: {  	v18 =	vld [tilespmem:s18+$0x180];
	[tilespmem:s6+$0x180] =	vst v20  }
0x1fb: {  	v19 =	vld [tilespmem:s23+$0x180];
	[tilespmem:s7+$0x180] =	vst v8;
	v8 =	vadd.s32 $0x280, v2  }
0x1fc: {  	v20 =	vld [tilespmem:s16+$0x180];
	[tilespmem:s22+$0x380] =	vst v16;
	s22 =	smov.u32 s6  }
0x1fd: {  	v16 =	vld.idx.msk [tilespmem:v5+s3+$0x0], $0xffff;
	[tilespmem:s0+$0x380] =	vst v15;
	s0 =	smov.u32 s7  }
0x1fe: {  	v15 =	vld.idx.msk [tilespmem:v3+s3+$0x0], $0xffff  }
0x1ff: {  	v22 =	vadd.s32 $0x80, v18;
	v23 =	vadd.s32 $0x100, v18;
	v24 =	vadd.s32 $0x180, v18;
	v21 =	vld.idx.msk [tilespmem:v4+s3+$0x0], $0xffff;
	[tilespmem:s1+$0x200] =	vst v14  }
0x200: {  	s21 =	simm.s32 $0x0;
	v25 =	vadd.s32 $0x80, v19;
	v26 =	vadd.s32 $0x100, v19;
	v27 =	vadd.s32 $0x180, v19;
	v28 =	vld.idx.msk [tilespmem:v8+s3+$0x0], $0xffff  }
0x201: {  	v29 =	vadd.s32 $0x80, v20;
	v30 =	vadd.s32 $0x100, v20;
	v8 =	vadd.s32 $0x180, v20;
	v31 =	vld.idx.msk [tilespmem:v17+s21+$0x0], $0xffff  }
0x202: {  	v33 =	vadd.s32 $0x300, v2;
	v5 =	vadd.s32 $0x200, v18;
	v3 =	vadd.s32 $0x200, v19;
	v32 =	vld.idx.msk [tilespmem:v18+s21+$0x0], $0xffff  }
0x203: {  	v35 =	vadd.s32 $0x80, v17;
	v14 =	vadd.s32 $0x280, v18;
	v4 =	vadd.s32 $0x200, v20;
	v34 =	vld.idx.msk [tilespmem:v19+s21+$0x0], $0xffff;
	[tilespmem:s2+$0x200] =	vst v16  }
0x204: {  	s6 =	sadd.s32 s15, s19;
	v36 =	vadd.s32 $0x280, v19;
	v38 =	vadd.s32 $0x280, v20;
	v16 =	vadd.s32 $0x300, v18;
	v37 =	vld.idx.msk [tilespmem:v20+s21+$0x0], $0xffff;
	[tilespmem:s22+$0x200] =	vst v15  }
0x205: {  	s7 =	sadd.s32 $0x3000, s6;
	v39 =	vadd.s32 $0x300, v20;
	v18 =	vadd.s32 $0x380, v18;
	v15 =	vadd.s32 $0x300, v19;
	v40 =	vld.idx.msk [tilespmem:v9+s3+$0x0], $0xffff;
	[tilespmem:s0+$0x200] =	vst v21;
	v9 =	vmovc v14  }
0x206: {  	s8 =	sadd.s32 s11, s7;
	s6 =	sadd.s32 s13, s7;
	s11 =	sadd.s32 s12, s7;
	v21 =	vadd.s32 $0x380, v19;
	v14 =	vadd.s32 $0x380, v20;
	v19 =	vld.idx.msk [tilespmem:v11+s3+$0x0], $0xffff;
	[tilespmem:s1+$0x280] =	vst v28;
	v11 =	vmov v36  }
0x207: {  	s7 =	sadd.s32 s14, s7;
	[tilespmem:s11+$0x0] =	vst v31;
	v20 =	vld.idx.msk [tilespmem:v33+s3+$0x0], $0xffff  }
0x208: {  	[tilespmem:s8+$0x0] =	vst v32;
	v28 =	vld.idx.msk [tilespmem:v35+s21+$0x0], $0xffff  }
0x209: {  	v31 =	vadd.s32 $0x380, v2;
	v2 =	vmov v17;
	v22 =	vld.idx.msk [tilespmem:v22+s21+$0x0], $0xffff;
	[tilespmem:s6+$0x0] =	vst v34  }
0x20a: {  	v17 =	vld.idx.msk [tilespmem:v25+s21+$0x0], $0xffff;
	[tilespmem:s7+$0x0] =	vst v37;
	v25 =	vadd.s32 $0x100, v2  }
0x20b: {  	v29 =	vld.idx.msk [tilespmem:v29+s21+$0x0], $0xffff;
	[tilespmem:s2+$0x280] =	vst v40  }
0x20c: {  	[tilespmem:s22+$0x280] =	vst v19;
	v19 =	vld.idx.msk [tilespmem:v10+s3+$0x0], $0xffff;
	v10 =	vmov v38  }
0x20d: {  	v32 =	vld.idx.msk [tilespmem:v6+s3+$0x0], $0xffff;
	[tilespmem:s1+$0x300] =	vst v20;
	v6 =	vmov v16  }
0x20e: {  	[tilespmem:s11+$0x80] =	vst v28;
	v20 =	vld.idx.msk [tilespmem:v31+s3+$0x0], $0xffff  }
0x20f: {  	[tilespmem:s8+$0x80] =	vst v22;
	v22 =	vld.idx.msk [tilespmem:v25+s21+$0x0], $0xffff  }
0x210: {  	v23 =	vld.idx.msk [tilespmem:v23+s21+$0x0], $0xffff;
	[tilespmem:s6+$0x80] =	vst v17  }
0x211: {  	v25 =	vld.idx.msk [tilespmem:v26+s21+$0x0], $0xffff;
	[tilespmem:s7+$0x80] =	vst v29;
	v26 =	vadd.s32 $0x180, v2  }
0x212: {  	v28 =	vld.idx.msk [tilespmem:v30+s21+$0x0], $0xffff;
	[tilespmem:s0+$0x280] =	vst v19  }
0x213: {  	[tilespmem:s2+$0x300] =	vst v32;
	v16 =	vld.idx.msk [tilespmem:v12+s3+$0x0], $0xffff;
	v12 =	vmov v15  }
.Ltmp9:
0x214: {  	v15 =	vld.idx.msk [tilespmem:v13+s3+$0x0], $0xffff;
	[tilespmem:s1+$0x380] =	vst v20;
	v13 =	vmov v39;
	s1 =	smov.u32 s11;
	(pc) =	sbr.rel @p1 .LBB2_16-.Ltmp9, $4  }
0x215: {  	[tilespmem:s1+$0x100] =	vst v22;
	v17 =	vld.idx.msk [tilespmem:v7+s3+$0x0], $0xffff;
	v7 =	vmov v18  }
0x216: {  	[tilespmem:s8+$0x100] =	vst v23;
	v19 =	vld.idx.msk [tilespmem:v26+s21+$0x0], $0xffff  }
0x217: {  	v18 =	vld.idx.msk [tilespmem:v24+s21+$0x0], $0xffff;
	[tilespmem:s6+$0x100] =	vst v25  }
0x218: {  	s9 =	sadd.s32 $0x200, s9;
	s10 =	sadd.s32 $0x40, s10;
	v22 =	vadd.s32 $0x200, v2;
	v20 =	vld.idx.msk [tilespmem:v27+s21+$0x0], $0xffff;
	[tilespmem:s7+$0x100] =	vst v28  }
0x219: {  	s9 =	smov.u32 s22  }
0x21a: {  	s10 =	smov.u32 s0;
	s11 =	smov.u32 s2;
	s4 =	smov.u32 s1  }
0x21b: {  	v23 =	vmovc v1;
	v24 =	vmovc v0;
	v1 =	vmov v21;
	v0 =	vmov v14;
	s2 =	smov.u32 s8;
	s22 =	smov.u32 s6;
	s0 =	smov.u32 s7;
	v14 =	vmov v2  }
.LBB2_18:
0x21c: {  	_ =	sdelay $0x3  }
0x21d: {  	v2 =	vld.idx.msk [tilespmem:v8+s21+$0x0], $0xffff;
	_ =	sdelay $0x1  }
0x21e: {  	[tilespmem:s4+$0x180] =	vst v19  }
0x21f: {  	[tilespmem:s2+$0x180] =	vst v18;
	v8 =	vld.idx.msk [tilespmem:v22+s21+$0x0], $0xffff  }
0x220: {  	v18 =	vadd.s32 $0x280, v14;
	[tilespmem:s22+$0x180] =	vst v20;
	v5 =	vld.idx.msk [tilespmem:v5+s21+$0x0], $0xffff  }
0x221: {  	[tilespmem:s0+$0x180] =	vst v2;
	v2 =	vld.idx.msk [tilespmem:v3+s21+$0x0], $0xffff  }
0x222: {  	v3 =	vld.idx.msk [tilespmem:v4+s21+$0x0], $0xffff;
	_ =	sdelay $0x1  }
0x223: {  	[tilespmem:s4+$0x200] =	vst v8  }
0x224: {  	[tilespmem:s2+$0x200] =	vst v5;
	v4 =	vld.idx.msk [tilespmem:v18+s21+$0x0], $0xffff  }
0x225: {  	v5 =	vadd.s32 $0x300, v14;
	[tilespmem:s22+$0x200] =	vst v2;
	v2 =	vld.idx.msk [tilespmem:v9+s21+$0x0], $0xffff  }
0x226: {  	[tilespmem:s0+$0x200] =	vst v3;
	v3 =	vld.idx.msk [tilespmem:v11+s21+$0x0], $0xffff  }
0x227: {  	v8 =	vld.idx.msk [tilespmem:v10+s21+$0x0], $0xffff  }
0x228: {  	[tilespmem:s9+$0x300] =	vst @p0 v16  }
0x229: {  	[tilespmem:s4+$0x280] =	vst v4  }
0x22a: {  	v4 =	vld.idx.msk [tilespmem:v5+s21+$0x0], $0xffff;
	[tilespmem:s2+$0x280] =	vst v2  }
0x22b: {  	v2 =	vadd.s32 $0x380, v14;
	[tilespmem:s22+$0x280] =	vst v3;
	v3 =	vld.idx.msk [tilespmem:v6+s21+$0x0], $0xffff  }
0x22c: {  	[tilespmem:s0+$0x280] =	vst v8;
	v5 =	vld.idx.msk [tilespmem:v12+s21+$0x0], $0xffff  }
0x22d: {  	[tilespmem:s10+$0x300] =	vst @p0 v15;
	v6 =	vld.idx.msk [tilespmem:v13+s21+$0x0], $0xffff  }
0x22e: {  	[tilespmem:s11+$0x380] =	vst @p0 v17;
	v9 =	vld.idx.msk @p0 [tilespmem:v24+s3+$0x0], $0xffff  }
0x22f: {  	v8 =	vld.idx.msk @p0 [tilespmem:v23+s3+$0x0], $0xffff;
	[tilespmem:s4+$0x300] =	vst v4  }
0x230: {  	v2 =	vld.idx.msk [tilespmem:v2+s21+$0x0], $0xffff;
	[tilespmem:s2+$0x300] =	vst v3  }
0x231: {  	v3 =	vld.idx.msk [tilespmem:v7+s21+$0x0], $0xffff;
	[tilespmem:s22+$0x300] =	vst v5  }
0x232: {  	v1 =	vld.idx.msk [tilespmem:v1+s21+$0x0], $0xffff;
	[tilespmem:s0+$0x300] =	vst v6  }
0x233: {  	[tilespmem:s10+$0x380] =	vst @p0 v9;
	v0 =	vld.idx.msk [tilespmem:v0+s21+$0x0], $0xffff  }
0x234: {  	[tilespmem:s9+$0x380] =	vst @p0 v8  }
0x235: {  	[tilespmem:s4+$0x380] =	vst v2  }
0x236: {  	s24 =	sand.u32 $0x40, s21;
	s1 =	sand.u32 $0xC00, s21;
	[tilespmem:s2+$0x380] =	vst v3  }
0x237: {  	s31 =	sadd.s32 s1, s20;
	s25 =	sor.u32 $0x30, s24;
	[tilespmem:s22+$0x380] =	vst v1  }
0x238: {  	s6 =	sadd.s32 s25, s31;
	[tilespmem:s0+$0x380] =	vst v0  }
0x239: {  	s8 =	sadd.s32 s24, s31;
	v14 =	vld [tilespmem:s6+$0x200]  }
0x23a: {  	s26 =	sor.u32 $0x10, s24;
	v0 =	vld [tilespmem:s8+$0x200]  }
0x23b: {  	s28 =	sor.u32 $0x20, s24;
	s9 =	sadd.s32 s26, s31  }
0x23c: {  	s3 =	sadd.s32 s28, s31;
	v1 =	vld [tilespmem:s9+$0x200]  }
0x23d: {  	v2 =	vld [tilespmem:s3+$0x200];
	_ =	sdelay $0x3  }
0x23e: {  	v3 =	vld.idx.msk [tilespmem:v14+s21+$0x0], $0xffff  }
0x23f: {  	v5 =	vadd.s32 $0x80, v14;
	v4 =	vld.idx.msk [tilespmem:v0+s21+$0x0], $0xffff  }
0x240: {  	s0 =	sadd.s32 s1, s19;
	v6 =	vadd.s32 $0x80, v0  }
0x241: {  	s1 =	sadd.s32 $0x4000, s0;
	v7 =	vld.idx.msk [tilespmem:v1+s21+$0x0], $0xffff  }
0x242: {  	s4 =	sadd.s32 s25, s1;
	v8 =	vadd.s32 $0x80, v1;
	v9 =	vld.idx.msk [tilespmem:v2+s21+$0x0], $0xffff  }
0x243: {  	s7 =	sadd.s32 s24, s1;
	v10 =	vadd.s32 $0x80, v2;
	[tilespmem:s4+$0x0] =	vst v3  }
0x244: {  	[tilespmem:s7+$0x0] =	vst v4;
	v3 =	vld.idx.msk [tilespmem:v5+s21+$0x0], $0xffff  }
0x245: {  	s2 =	sadd.s32 s26, s1;
	v4 =	vld.idx.msk [tilespmem:v6+s21+$0x0], $0xffff;
	v5 =	vadd.s32 $0x100, v14  }
0x246: {  	s10 =	sadd.s32 s28, s1;
	[tilespmem:s2+$0x0] =	vst v7;
	v6 =	vadd.s32 $0x100, v0  }
0x247: {  	[tilespmem:s10+$0x0] =	vst v9;
	v7 =	vld.idx.msk [tilespmem:v8+s21+$0x0], $0xffff  }
0x248: {  	v8 =	vadd.s32 $0x100, v1;
	v9 =	vld.idx.msk [tilespmem:v10+s21+$0x0], $0xffff  }
0x249: {  	v10 =	vadd.s32 $0x100, v2;
	[tilespmem:s4+$0x80] =	vst v3  }
0x24a: {  	[tilespmem:s7+$0x80] =	vst v4;
	v11 =	vld.idx.msk [tilespmem:v5+s21+$0x0], $0xffff  }
0x24b: {  	v12 =	vld.idx.msk [tilespmem:v6+s21+$0x0], $0xffff  }
0x24c: {  	v13 =	vadd.s32 $0x180, v14;
	[tilespmem:s2+$0x80] =	vst v7  }
0x24d: {  	v15 =	vadd.s32 $0x180, v0;
	[tilespmem:s10+$0x80] =	vst v9;
	v17 =	vld.idx.msk [tilespmem:v8+s21+$0x0], $0xffff  }
0x24e: {  	p1 =	por $0x1, $0x1;
	v19 =	vadd.s32 $0x180, v1;
	v21 =	vld.idx.msk [tilespmem:v10+s21+$0x0], $0xffff  }
.Ltmp10:
0x24f: {  	v3 =	vadd.s32 $0x200, v1;
	v9 =	vadd.s32 $0x280, v0;
	v7 =	vadd.s32 $0x300, v0;
	[tilespmem:s4+$0x100] =	vst v11;
	(pc) =	sbr.rel @!p1 .LBB2_19-.Ltmp10, $4  }
0x250: {  	v11 =	vadd.s32 $0x280, v1;
	[tilespmem:s7+$0x100] =	vst v12;
	v12 =	vadd.s32 $0x300, v1;
	v1 =	vadd.s32 $0x380, v1  }
0x251: {  	v5 =	vadd.s32 $0x200, v0;
	v8 =	vadd.s32 $0x380, v0;
	v0 =	vadd.s32 $0x380, v2;
	v18 =	vld.idx.msk [tilespmem:v13+s21+$0x0], $0xffff  }
0x252: {  	v4 =	vadd.s32 $0x200, v2;
	v6 =	vadd.s32 $0x180, v2;
	[tilespmem:s2+$0x100] =	vst v17;
	v16 =	vld.idx.msk [tilespmem:v15+s21+$0x0], $0xffff  }
0x253: {  	s23 =	sadd.s32 $0x200, s21;
	p0 =	por $0x0, $0x0;
	s22 =	sadd.s32 $0x40, s21;
	v10 =	vadd.s32 $0x280, v2;
	[tilespmem:s10+$0x100] =	vst v21;
	v21 =	vadd.s32 $0x200, v14;
	v13 =	vadd.s32 $0x300, v2;
	v20 =	vld.idx.msk [tilespmem:v19+s21+$0x0], $0xffff  }
0x254: {  	_ = 	snop  }
0x255: {  	[dreg:$0x10] =	wrdreg s9  }
0x256: {  	[dreg:$0xe] =	wrdreg s8;
	s17 =	sand.u32 $0x40, s22;
	s1 =	sand.u32 $0xC00, s23  }
0x257: {  	[dreg:$0xc] =	wrdreg s6;
	s18 =	sadd.s32 s1, s20;
	s29 =	sor.u32 $0x30, s17  }
0x258: {  	v6 =	vld.idx.msk [tilespmem:v6+s21+$0x0], $0xffff;
	s11 =	sadd.s32 s29, s18  }
0x259: {  	[tilespmem:s4+$0x180] =	vst v18;
	v2 =	vld [tilespmem:s11+$0x200]  }
0x25a: {  	s12 =	sadd.s32 s17, s18;
	v15 =	vld.idx.msk [tilespmem:v21+s21+$0x0], $0xffff  }
0x25b: {  	s30 =	sor.u32 $0x10, s17;
	v21 =	vld [tilespmem:s12+$0x200];
	[tilespmem:s7+$0x180] =	vst v16  }
0x25c: {  	v17 =	vadd.s32 $0x280, v14;
	s14 =	sor.u32 $0x20, s17;
	s13 =	sadd.s32 s30, s18;
	v5 =	vld.idx.msk [tilespmem:v5+s21+$0x0], $0xffff  }
0x25d: {  	s8 =	sadd.s32 s14, s18;
	v22 =	vld [tilespmem:s13+$0x200]  }
0x25e: {  	v23 =	vld [tilespmem:s8+$0x200];
	[tilespmem:s2+$0x180] =	vst v20  }
0x25f: {  	v3 =	vld.idx.msk [tilespmem:v3+s21+$0x0], $0xffff;
	[tilespmem:s10+$0x180] =	vst v6  }
0x260: {  	v4 =	vld.idx.msk [tilespmem:v4+s21+$0x0], $0xffff;
	[tilespmem:s4+$0x200] =	vst v15  }
0x261: {  	v6 =	vld.idx.msk [tilespmem:v17+s21+$0x0], $0xffff;
	[tilespmem:s7+$0x200] =	vst v5  }
0x262: {  	v9 =	vld.idx.msk [tilespmem:v9+s21+$0x0], $0xffff  }
0x263: {  	v15 =	vld.idx.msk [tilespmem:v2+s21+$0x0], $0xffff  }
0x264: {  	v17 =	vadd.s32 $0x300, v14;
	v16 =	vld.idx.msk [tilespmem:v21+s21+$0x0], $0xffff  }
0x265: {  	[tilespmem:s2+$0x200] =	vst v3;
	v18 =	vld.idx.msk [tilespmem:v22+s21+$0x0], $0xffff  }
0x266: {  	s1 =	sadd.s32 s1, s19;
	v19 =	vadd.s32 $0x80, v2;
	v20 =	vld.idx.msk [tilespmem:v23+s21+$0x0], $0xffff;
	[tilespmem:s10+$0x200] =	vst v4  }
0x267: {  	s31 =	sadd.s32 $0x4000, s1;
	v5 =	vadd.s32 $0x80, v21;
	v11 =	vld.idx.msk [tilespmem:v11+s21+$0x0], $0xffff;
	[tilespmem:s4+$0x280] =	vst v6  }
0x268: {  	s1 =	sadd.s32 s29, s31;
	v3 =	vadd.s32 $0x80, v22;
	v10 =	vld.idx.msk [tilespmem:v10+s21+$0x0], $0xffff;
	[tilespmem:s7+$0x280] =	vst v9  }
0x269: {  	s9 =	sadd.s32 s17, s31;
	v4 =	vadd.s32 $0x80, v23;
	v6 =	vld.idx.msk [tilespmem:v17+s21+$0x0], $0xffff;
	[tilespmem:s1+$0x0] =	vst v15  }
0x26a: {  	s6 =	sadd.s32 s30, s31;
	[tilespmem:s9+$0x0] =	vst v16;
	v7 =	vld.idx.msk [tilespmem:v7+s21+$0x0], $0xffff  }
0x26b: {  	s8 =	sadd.s32 s14, s31;
	v14 =	vadd.s32 $0x380, v14;
	[tilespmem:s6+$0x0] =	vst v18;
	v15 =	vld.idx.msk [tilespmem:v19+s21+$0x0], $0xffff  }
0x26c: {  	[tilespmem:s8+$0x0] =	vst v20;
	v16 =	vadd.s32 $0x100, v2;
	v5 =	vld.idx.msk [tilespmem:v5+s21+$0x0], $0xffff  }
0x26d: {  	v17 =	vadd.s32 $0x100, v21;
	[tilespmem:s2+$0x280] =	vst v11;
	v3 =	vld.idx.msk [tilespmem:v3+s21+$0x0], $0xffff  }
0x26e: {  	v9 =	vadd.s32 $0x100, v22;
	v4 =	vld.idx.msk [tilespmem:v4+s21+$0x0], $0xffff;
	[tilespmem:s10+$0x280] =	vst v10  }
0x26f: {  	v11 =	vadd.s32 $0x100, v23;
	v19 =	vld.idx.msk [tilespmem:v12+s21+$0x0], $0xffff;
	[tilespmem:s4+$0x300] =	vst v6  }
0x270: {  	v14 =	vld.idx.msk [tilespmem:v14+s21+$0x0], $0xffff;
	[tilespmem:s1+$0x80] =	vst v15  }
0x271: {  	[tilespmem:s9+$0x80] =	vst v5;
	v16 =	vld.idx.msk [tilespmem:v16+s21+$0x0], $0xffff  }
0x272: {  	v24 =	vadd.s32 $0x180, v2;
	[tilespmem:s6+$0x80] =	vst v3;
	v18 =	vld.idx.msk [tilespmem:v17+s21+$0x0], $0xffff  }
0x273: {  	v25 =	vadd.s32 $0x180, v21;
	[tilespmem:s8+$0x80] =	vst v4;
	v20 =	vld.idx.msk [tilespmem:v9+s21+$0x0], $0xffff  }
0x274: {  	p3 =	por $0x1, $0x1;
	v27 =	vadd.s32 $0x180, v22;
	[tilespmem:s7+$0x300] =	vst v7;
	v26 =	vld.idx.msk [tilespmem:v11+s21+$0x0], $0xffff  }
.Ltmp11:
0x275: {  	v12 =	vadd.s32 $0x300, v22;
	v6 =	vadd.s32 $0x180, v23;
	v15 =	vld.idx.msk [tilespmem:v13+s21+$0x0], $0xffff;
	[tilespmem:s4+$0x380] =	vst v14;
	(pc) =	sbr.rel @!p3 .LBB2_21-.Ltmp11, $4  }
0x276: {  	v10 =	vadd.s32 $0x280, v23;
	v7 =	vadd.s32 $0x300, v21;
	v5 =	vadd.s32 $0x200, v21;
	v17 =	vld.idx.msk [tilespmem:v8+s21+$0x0], $0xffff;
	[tilespmem:s1+$0x100] =	vst v16  }
0x277: {  	v3 =	vadd.s32 $0x200, v22;
	v4 =	vadd.s32 $0x200, v23;
	v13 =	vadd.s32 $0x300, v23;
	[tilespmem:s9+$0x100] =	vst v18;
	v18 =	vld.idx.msk [tilespmem:v24+s21+$0x0], $0xffff  }
0x278: {  	p2 =	por $0x1, $0x1;
	v9 =	vadd.s32 $0x280, v21;
	v11 =	vadd.s32 $0x280, v22;
	v8 =	vadd.s32 $0x380, v21;
	[tilespmem:s6+$0x100] =	vst v20;
	v16 =	vld.idx.msk [tilespmem:v25+s21+$0x0], $0xffff  }
0x279: {  	s11 =	sadd.s32 $0x200, s23;
	s12 =	sadd.s32 $0x40, s22;
	v22 =	vadd.s32 $0x380, v22;
	v21 =	vadd.s32 $0x200, v2;
	s4 =	simm.s32 $0x4;
	v14 =	vadd.s32 $0x380, v23;
	[tilespmem:s8+$0x100] =	vst v26;
	v20 =	vld.idx.msk [tilespmem:v27+s21+$0x0], $0xffff  }
.LBB2_22:
0x27a: {  	s13 =	sand.u32 $0x40, s12;
	s17 =	sand.u32 $0xC00, s11;
	v6 =	vld.idx.msk [tilespmem:v6+s21+$0x0], $0xffff;
	[tilespmem:s2+$0x300] =	vst v19  }
0x27b: {  	s4 =	sadd.s32 $0x4, s4;
	s18 =	sadd.s32 s17, s20;
	s14 =	sor.u32 $0x30, s13;
	v19 =	vld.idx.msk [tilespmem:v1+s21+$0x0], $0xffff;
	[tilespmem:s10+$0x300] =	vst v15;
	v1 =	vmov v22  }
0x27c: {  	s15 =	sor.u32 $0x10, s13;
	p3 =	slt.u32 s4, $0x1C;
	s29 =	sadd.s32 s14, s18;
	[tilespmem:s7+$0x380] =	vst v17;
	v15 =	vld.idx.msk [tilespmem:v0+s21+$0x0], $0xffff;
	v0 =	vmov v14  }
0x27d: {  	s16 =	sor.u32 $0x20, s13;
	s30 =	sadd.s32 s13, s18;
	s31 =	sadd.s32 s15, s18;
	v17 =	vld [tilespmem:s29+$0x200];
	[tilespmem:s1+$0x180] =	vst v18  }
0x27e: {  	s18 =	sadd.s32 s16, s18;
	s7 =	smov.u32 s9;
	[tilespmem:s9+$0x180] =	vst v16;
	v14 =	vld.idx.msk [tilespmem:v21+s21+$0x0], $0xffff  }
0x27f: {  	v16 =	vld [tilespmem:s30+$0x200];
	[tilespmem:s6+$0x180] =	vst v20  }
0x280: {  	v18 =	vld [tilespmem:s31+$0x200];
	[tilespmem:s8+$0x180] =	vst v6;
	v6 =	vadd.s32 $0x280, v2  }
0x281: {  	v20 =	vld [tilespmem:s18+$0x200];
	[tilespmem:s2+$0x380] =	vst v19;
	s2 =	smov.u32 s6  }
0x282: {  	v19 =	vld.idx.msk [tilespmem:v5+s21+$0x0], $0xffff;
	[tilespmem:s10+$0x380] =	vst v15;
	s10 =	smov.u32 s8  }
0x283: {  	v15 =	vld.idx.msk [tilespmem:v3+s21+$0x0], $0xffff  }
0x284: {  	v21 =	vadd.s32 $0x80, v16;
	v23 =	vadd.s32 $0x100, v16;
	v24 =	vadd.s32 $0x180, v16;
	v22 =	vld.idx.msk [tilespmem:v4+s21+$0x0], $0xffff;
	[tilespmem:s1+$0x200] =	vst v14  }
0x285: {  	v25 =	vadd.s32 $0x80, v18;
	v26 =	vadd.s32 $0x100, v18;
	v27 =	vadd.s32 $0x180, v18;
	v28 =	vld.idx.msk [tilespmem:v6+s21+$0x0], $0xffff  }
0x286: {  	v29 =	vadd.s32 $0x80, v20;
	v30 =	vadd.s32 $0x100, v20;
	v6 =	vadd.s32 $0x180, v20;
	v31 =	vld.idx.msk [tilespmem:v17+s21+$0x0], $0xffff  }
0x287: {  	v33 =	vadd.s32 $0x300, v2;
	v5 =	vadd.s32 $0x200, v16;
	v3 =	vadd.s32 $0x200, v18;
	v32 =	vld.idx.msk [tilespmem:v16+s21+$0x0], $0xffff  }
0x288: {  	v35 =	vadd.s32 $0x80, v17;
	v14 =	vadd.s32 $0x280, v16;
	v4 =	vadd.s32 $0x200, v20;
	v34 =	vld.idx.msk [tilespmem:v18+s21+$0x0], $0xffff;
	[tilespmem:s7+$0x200] =	vst v19  }
0x289: {  	s6 =	sadd.s32 s17, s19;
	v36 =	vadd.s32 $0x280, v18;
	v38 =	vadd.s32 $0x280, v20;
	v19 =	vadd.s32 $0x300, v16;
	v37 =	vld.idx.msk [tilespmem:v20+s21+$0x0], $0xffff;
	[tilespmem:s2+$0x200] =	vst v15  }
0x28a: {  	s8 =	sadd.s32 $0x4000, s6;
	v39 =	vadd.s32 $0x300, v20;
	v16 =	vadd.s32 $0x380, v16;
	v15 =	vadd.s32 $0x300, v18;
	v40 =	vld.idx.msk [tilespmem:v9+s21+$0x0], $0xffff;
	[tilespmem:s10+$0x200] =	vst v22;
	v9 =	vmovc v14  }
0x28b: {  	s9 =	sadd.s32 s13, s8;
	s6 =	sadd.s32 s15, s8;
	s13 =	sadd.s32 s14, s8;
	v22 =	vadd.s32 $0x380, v18;
	v14 =	vadd.s32 $0x380, v20;
	v18 =	vld.idx.msk [tilespmem:v11+s21+$0x0], $0xffff;
	[tilespmem:s1+$0x280] =	vst v28;
	v11 =	vmov v36  }
0x28c: {  	s8 =	sadd.s32 s16, s8;
	[tilespmem:s13+$0x0] =	vst v31;
	v20 =	vld.idx.msk [tilespmem:v33+s21+$0x0], $0xffff  }
0x28d: {  	[tilespmem:s9+$0x0] =	vst v32;
	v28 =	vld.idx.msk [tilespmem:v35+s21+$0x0], $0xffff  }
0x28e: {  	v31 =	vadd.s32 $0x380, v2;
	v2 =	vmov v17;
	v21 =	vld.idx.msk [tilespmem:v21+s21+$0x0], $0xffff;
	[tilespmem:s6+$0x0] =	vst v34  }
0x28f: {  	v17 =	vld.idx.msk [tilespmem:v25+s21+$0x0], $0xffff;
	[tilespmem:s8+$0x0] =	vst v37;
	v25 =	vadd.s32 $0x100, v2  }
0x290: {  	v29 =	vld.idx.msk [tilespmem:v29+s21+$0x0], $0xffff;
	[tilespmem:s7+$0x280] =	vst v40  }
0x291: {  	[tilespmem:s2+$0x280] =	vst v18;
	v18 =	vld.idx.msk [tilespmem:v10+s21+$0x0], $0xffff;
	v10 =	vmov v38  }
0x292: {  	v32 =	vld.idx.msk [tilespmem:v7+s21+$0x0], $0xffff;
	[tilespmem:s1+$0x300] =	vst v20;
	v7 =	vmov v19  }
0x293: {  	[tilespmem:s13+$0x80] =	vst v28;
	v20 =	vld.idx.msk [tilespmem:v31+s21+$0x0], $0xffff  }
0x294: {  	[tilespmem:s9+$0x80] =	vst v21;
	v21 =	vld.idx.msk [tilespmem:v25+s21+$0x0], $0xffff  }
0x295: {  	v23 =	vld.idx.msk [tilespmem:v23+s21+$0x0], $0xffff;
	[tilespmem:s6+$0x80] =	vst v17  }
0x296: {  	v25 =	vld.idx.msk [tilespmem:v26+s21+$0x0], $0xffff;
	[tilespmem:s8+$0x80] =	vst v29;
	v26 =	vadd.s32 $0x180, v2  }
0x297: {  	v28 =	vld.idx.msk [tilespmem:v30+s21+$0x0], $0xffff;
	[tilespmem:s10+$0x280] =	vst v18  }
0x298: {  	[tilespmem:s7+$0x300] =	vst v32;
	v19 =	vld.idx.msk [tilespmem:v12+s21+$0x0], $0xffff;
	v12 =	vmov v15  }
.Ltmp12:
0x299: {  	v15 =	vld.idx.msk [tilespmem:v13+s21+$0x0], $0xffff;
	[tilespmem:s1+$0x380] =	vst v20;
	v13 =	vmov v39;
	s1 =	smov.u32 s13;
	(pc) =	sbr.rel @p3 .LBB2_22-.Ltmp12, $4  }
0x29a: {  	[tilespmem:s1+$0x100] =	vst v21;
	v17 =	vld.idx.msk [tilespmem:v8+s21+$0x0], $0xffff;
	v8 =	vmov v16  }
0x29b: {  	[tilespmem:s9+$0x100] =	vst v23;
	v18 =	vld.idx.msk [tilespmem:v26+s21+$0x0], $0xffff  }
0x29c: {  	v16 =	vld.idx.msk [tilespmem:v24+s21+$0x0], $0xffff;
	[tilespmem:s6+$0x100] =	vst v25  }
0x29d: {  	s11 =	sadd.s32 $0x200, s11;
	s12 =	sadd.s32 $0x40, s12;
	v21 =	vadd.s32 $0x200, v2;
	v20 =	vld.idx.msk [tilespmem:v27+s21+$0x0], $0xffff;
	[tilespmem:s8+$0x100] =	vst v28  }
0x29e: {  	s11 =	smov.u32 s2  }
0x29f: {  	s12 =	smov.u32 s10;
	s2 =	smov.u32 s6;
	s6 =	rddreg [dreg:$0xc]  }
0x2a0: {  	s13 =	smov.u32 s7;
	s10 =	smov.u32 s8;
	s8 =	rddreg [dreg:$0xe]  }
0x2a1: {  	v23 =	vmovc v1;
	v24 =	vmovc v0;
	v1 =	vmov v22;
	v0 =	vmov v14;
	s4 =	smov.u32 s1;
	s7 =	smov.u32 s9;
	v14 =	vmov v2;
	s9 =	rddreg [dreg:$0x10]  }
.LBB2_24:
0x2a2: {  	_ =	sdelay $0x3  }
0x2a3: {  	v2 =	vld.idx.msk [tilespmem:v6+s21+$0x0], $0xffff;
	_ =	sdelay $0x1  }
0x2a4: {  	[tilespmem:s4+$0x180] =	vst v18  }
0x2a5: {  	[tilespmem:s7+$0x180] =	vst v16;
	v6 =	vld.idx.msk [tilespmem:v21+s21+$0x0], $0xffff  }
0x2a6: {  	[tilespmem:s2+$0x180] =	vst v20;
	v16 =	vadd.s32 $0x280, v14;
	v5 =	vld.idx.msk [tilespmem:v5+s21+$0x0], $0xffff  }
0x2a7: {  	[tilespmem:s10+$0x180] =	vst v2;
	v2 =	vld.idx.msk [tilespmem:v3+s21+$0x0], $0xffff  }
0x2a8: {  	v3 =	vld.idx.msk [tilespmem:v4+s21+$0x0], $0xffff;
	_ =	sdelay $0x1  }
0x2a9: {  	[tilespmem:s4+$0x200] =	vst v6  }
0x2aa: {  	[tilespmem:s7+$0x200] =	vst v5;
	v4 =	vld.idx.msk [tilespmem:v16+s21+$0x0], $0xffff  }
0x2ab: {  	v5 =	vadd.s32 $0x300, v14;
	[tilespmem:s2+$0x200] =	vst v2;
	v2 =	vld.idx.msk [tilespmem:v9+s21+$0x0], $0xffff  }
0x2ac: {  	[tilespmem:s10+$0x200] =	vst v3;
	v3 =	vld.idx.msk [tilespmem:v11+s21+$0x0], $0xffff  }
0x2ad: {  	v6 =	vld.idx.msk [tilespmem:v10+s21+$0x0], $0xffff  }
0x2ae: {  	[tilespmem:s11+$0x300] =	vst @p2 v19  }
0x2af: {  	[tilespmem:s4+$0x280] =	vst v4  }
0x2b0: {  	v4 =	vld.idx.msk [tilespmem:v5+s21+$0x0], $0xffff;
	[tilespmem:s7+$0x280] =	vst v2  }
0x2b1: {  	v2 =	vadd.s32 $0x380, v14;
	[tilespmem:s2+$0x280] =	vst v3;
	v3 =	vld.idx.msk [tilespmem:v7+s21+$0x0], $0xffff  }
0x2b2: {  	[tilespmem:s10+$0x280] =	vst v6;
	v5 =	vld.idx.msk [tilespmem:v12+s21+$0x0], $0xffff  }
0x2b3: {  	[tilespmem:s12+$0x300] =	vst @p2 v15;
	v6 =	vld.idx.msk [tilespmem:v13+s21+$0x0], $0xffff  }
0x2b4: {  	[tilespmem:s13+$0x380] =	vst @p2 v17;
	v9 =	vld.idx.msk @p2 [tilespmem:v24+s21+$0x0], $0xffff  }
0x2b5: {  	v7 =	vld.idx.msk @p2 [tilespmem:v23+s21+$0x0], $0xffff;
	[tilespmem:s4+$0x300] =	vst v4  }
0x2b6: {  	v2 =	vld.idx.msk [tilespmem:v2+s21+$0x0], $0xffff;
	[tilespmem:s7+$0x300] =	vst v3  }
0x2b7: {  	v3 =	vld.idx.msk [tilespmem:v8+s21+$0x0], $0xffff;
	[tilespmem:s2+$0x300] =	vst v5  }
0x2b8: {  	v1 =	vld.idx.msk [tilespmem:v1+s21+$0x0], $0xffff;
	[tilespmem:s10+$0x300] =	vst v6  }
0x2b9: {  	[tilespmem:s12+$0x380] =	vst @p2 v9;
	v0 =	vld.idx.msk [tilespmem:v0+s21+$0x0], $0xffff  }
0x2ba: {  	[tilespmem:s11+$0x380] =	vst @p2 v7  }
0x2bb: {  	[tilespmem:s4+$0x380] =	vst v2  }
0x2bc: {  	[tilespmem:s7+$0x380] =	vst v3  }
0x2bd: {  	[tilespmem:s2+$0x380] =	vst v1  }
0x2be: {  	[tilespmem:s10+$0x380] =	vst v0  }
0x2bf: {  	v14 =	vld [tilespmem:s6+$0x280]  }
0x2c0: {  	v0 =	vld [tilespmem:s8+$0x280];
	_ =	sdelay $0x1  }
0x2c1: {  	v1 =	vld [tilespmem:s9+$0x280]  }
0x2c2: {  	v2 =	vld [tilespmem:s3+$0x280];
	_ =	sdelay $0x2  }
0x2c3: {  	s21 =	simm.s32 $0x0  }
0x2c4: {  	v3 =	vld.idx.msk [tilespmem:v14+s21+$0x0], $0xffff  }
0x2c5: {  	v5 =	vadd.s32 $0x80, v14;
	v4 =	vld.idx.msk [tilespmem:v0+s21+$0x0], $0xffff  }
0x2c6: {  	v6 =	vadd.s32 $0x80, v0  }
0x2c7: {  	s0 =	sadd.s32 $0x5000, s0;
	v7 =	vld.idx.msk [tilespmem:v1+s21+$0x0], $0xffff  }
0x2c8: {  	s6 =	sadd.s32 s25, s0;
	v8 =	vadd.s32 $0x80, v1;
	v9 =	vld.idx.msk [tilespmem:v2+s21+$0x0], $0xffff  }
0x2c9: {  	s2 =	sadd.s32 s24, s0;
	v10 =	vadd.s32 $0x80, v2;
	[tilespmem:s6+$0x0] =	vst v3  }
0x2ca: {  	[tilespmem:s2+$0x0] =	vst v4;
	v3 =	vld.idx.msk [tilespmem:v5+s21+$0x0], $0xffff  }
0x2cb: {  	s3 =	sadd.s32 s26, s0;
	v4 =	vld.idx.msk [tilespmem:v6+s21+$0x0], $0xffff;
	v5 =	vadd.s32 $0x100, v14  }
0x2cc: {  	s0 =	sadd.s32 s28, s0;
	[tilespmem:s3+$0x0] =	vst v7;
	v6 =	vadd.s32 $0x100, v0  }
0x2cd: {  	[tilespmem:s0+$0x0] =	vst v9;
	v7 =	vld.idx.msk [tilespmem:v8+s21+$0x0], $0xffff  }
0x2ce: {  	v8 =	vadd.s32 $0x100, v1;
	v9 =	vld.idx.msk [tilespmem:v10+s21+$0x0], $0xffff  }
0x2cf: {  	v10 =	vadd.s32 $0x100, v2;
	[tilespmem:s6+$0x80] =	vst v3  }
0x2d0: {  	[tilespmem:s2+$0x80] =	vst v4;
	v11 =	vld.idx.msk [tilespmem:v5+s21+$0x0], $0xffff  }
0x2d1: {  	v12 =	vld.idx.msk [tilespmem:v6+s21+$0x0], $0xffff  }
0x2d2: {  	[tilespmem:s3+$0x80] =	vst v7;
	v7 =	vadd.s32 $0x180, v14  }
0x2d3: {  	v15 =	vadd.s32 $0x180, v0;
	[tilespmem:s0+$0x80] =	vst v9;
	v16 =	vld.idx.msk [tilespmem:v8+s21+$0x0], $0xffff  }
0x2d4: {  	v17 =	vadd.s32 $0x180, v1;
	v21 =	vld.idx.msk [tilespmem:v10+s21+$0x0], $0xffff  }
.Ltmp13:
0x2d5: {  	v3 =	vadd.s32 $0x200, v1;
	v9 =	vadd.s32 $0x280, v0;
	v5 =	vadd.s32 $0x200, v0;
	[tilespmem:s6+$0x100] =	vst v11;
	(pc) =	sbr.rel @!p1 .LBB2_25-.Ltmp13, $4  }
0x2d6: {  	v11 =	vadd.s32 $0x280, v1;
	[tilespmem:s2+$0x100] =	vst v12;
	v12 =	vadd.s32 $0x300, v1;
	v1 =	vadd.s32 $0x380, v1  }
0x2d7: {  	v6 =	vadd.s32 $0x300, v0;
	v19 =	vld.idx.msk [tilespmem:v7+s21+$0x0], $0xffff;
	v7 =	vadd.s32 $0x380, v0;
	v0 =	vadd.s32 $0x380, v2  }
0x2d8: {  	v13 =	vadd.s32 $0x300, v2;
	v22 =	vadd.s32 $0x200, v14;
	[tilespmem:s3+$0x100] =	vst v16;
	v18 =	vld.idx.msk [tilespmem:v15+s21+$0x0], $0xffff  }
0x2d9: {  	v4 =	vadd.s32 $0x200, v2;
	v8 =	vadd.s32 $0x180, v2;
	v10 =	vadd.s32 $0x280, v2;
	[tilespmem:s0+$0x100] =	vst v21;
	v20 =	vld.idx.msk [tilespmem:v17+s21+$0x0], $0xffff  }
0x2da: {  	_ =	sdelay $0x1  }
0x2db: {  	s4 =	sand.u32 $0x40, s22;
	s1 =	sand.u32 $0xC00, s23  }
0x2dc: {  	s7 =	sadd.s32 s1, s20;
	s8 =	sor.u32 $0x30, s4  }
0x2dd: {  	v8 =	vld.idx.msk [tilespmem:v8+s21+$0x0], $0xffff;
	s9 =	sadd.s32 s8, s7  }
0x2de: {  	[tilespmem:s6+$0x180] =	vst v19;
	v2 =	vld [tilespmem:s9+$0x280]  }
0x2df: {  	s30 =	sadd.s32 s4, s7;
	v15 =	vld.idx.msk [tilespmem:v22+s21+$0x0], $0xffff  }
0x2e0: {  	s10 =	sor.u32 $0x10, s4;
	v21 =	vld [tilespmem:s30+$0x280];
	[tilespmem:s2+$0x180] =	vst v18  }
0x2e1: {  	v16 =	vadd.s32 $0x280, v14;
	s12 =	sor.u32 $0x20, s4;
	s11 =	sadd.s32 s10, s7;
	v5 =	vld.idx.msk [tilespmem:v5+s21+$0x0], $0xffff  }
0x2e2: {  	s7 =	sadd.s32 s12, s7;
	v22 =	vld [tilespmem:s11+$0x280]  }
0x2e3: {  	v23 =	vld [tilespmem:s7+$0x280];
	[tilespmem:s3+$0x180] =	vst v20  }
0x2e4: {  	[tilespmem:s0+$0x180] =	vst v8;
	v3 =	vld.idx.msk [tilespmem:v3+s21+$0x0], $0xffff  }
0x2e5: {  	v4 =	vld.idx.msk [tilespmem:v4+s21+$0x0], $0xffff;
	[tilespmem:s6+$0x200] =	vst v15  }
0x2e6: {  	v8 =	vld.idx.msk [tilespmem:v16+s21+$0x0], $0xffff;
	[tilespmem:s2+$0x200] =	vst v5  }
0x2e7: {  	v9 =	vld.idx.msk [tilespmem:v9+s21+$0x0], $0xffff  }
0x2e8: {  	v15 =	vld.idx.msk [tilespmem:v2+s21+$0x0], $0xffff  }
0x2e9: {  	v17 =	vadd.s32 $0x300, v14;
	v16 =	vld.idx.msk [tilespmem:v21+s21+$0x0], $0xffff  }
0x2ea: {  	[tilespmem:s3+$0x200] =	vst v3;
	v18 =	vld.idx.msk [tilespmem:v22+s21+$0x0], $0xffff  }
0x2eb: {  	s1 =	sadd.s32 s1, s19;
	v19 =	vadd.s32 $0x80, v2;
	v20 =	vld.idx.msk [tilespmem:v23+s21+$0x0], $0xffff;
	[tilespmem:s0+$0x200] =	vst v4  }
0x2ec: {  	s31 =	sadd.s32 $0x5000, s1;
	v5 =	vadd.s32 $0x80, v21;
	v11 =	vld.idx.msk [tilespmem:v11+s21+$0x0], $0xffff;
	[tilespmem:s6+$0x280] =	vst v8  }
0x2ed: {  	s1 =	sadd.s32 s8, s31;
	v3 =	vadd.s32 $0x80, v22;
	v10 =	vld.idx.msk [tilespmem:v10+s21+$0x0], $0xffff;
	[tilespmem:s2+$0x280] =	vst v9  }
0x2ee: {  	s9 =	sadd.s32 s4, s31;
	v4 =	vadd.s32 $0x80, v23;
	v8 =	vld.idx.msk [tilespmem:v17+s21+$0x0], $0xffff;
	[tilespmem:s1+$0x0] =	vst v15  }
0x2ef: {  	v14 =	vadd.s32 $0x380, v14;
	s7 =	sadd.s32 s10, s31;
	[tilespmem:s9+$0x0] =	vst v16;
	v6 =	vld.idx.msk [tilespmem:v6+s21+$0x0], $0xffff  }
0x2f0: {  	s8 =	sadd.s32 s12, s31;
	[tilespmem:s7+$0x0] =	vst v18;
	v15 =	vld.idx.msk [tilespmem:v19+s21+$0x0], $0xffff  }
0x2f1: {  	[tilespmem:s8+$0x0] =	vst v20;
	v16 =	vadd.s32 $0x100, v2;
	v5 =	vld.idx.msk [tilespmem:v5+s21+$0x0], $0xffff  }
0x2f2: {  	v17 =	vadd.s32 $0x100, v21;
	[tilespmem:s3+$0x280] =	vst v11;
	v3 =	vld.idx.msk [tilespmem:v3+s21+$0x0], $0xffff  }
0x2f3: {  	v9 =	vadd.s32 $0x100, v22;
	v4 =	vld.idx.msk [tilespmem:v4+s21+$0x0], $0xffff;
	[tilespmem:s6+$0x300] =	vst v8  }
0x2f4: {  	v11 =	vadd.s32 $0x100, v23;
	[tilespmem:s0+$0x280] =	vst v10;
	v14 =	vld.idx.msk [tilespmem:v14+s21+$0x0], $0xffff  }
0x2f5: {  	[tilespmem:s1+$0x80] =	vst v15;
	v15 =	vld.idx.msk [tilespmem:v13+s21+$0x0], $0xffff  }
0x2f6: {  	[tilespmem:s9+$0x80] =	vst v5;
	v18 =	vld.idx.msk [tilespmem:v16+s21+$0x0], $0xffff  }
0x2f7: {  	v24 =	vadd.s32 $0x180, v2;
	[tilespmem:s7+$0x80] =	vst v3;
	v19 =	vld.idx.msk [tilespmem:v17+s21+$0x0], $0xffff  }
0x2f8: {  	v25 =	vadd.s32 $0x180, v21;
	[tilespmem:s8+$0x80] =	vst v4;
	v20 =	vld.idx.msk [tilespmem:v9+s21+$0x0], $0xffff  }
0x2f9: {  	p1 =	por $0x1, $0x1;
	v27 =	vadd.s32 $0x180, v22;
	[tilespmem:s2+$0x300] =	vst v6;
	v26 =	vld.idx.msk [tilespmem:v11+s21+$0x0], $0xffff  }
.Ltmp14:
0x2fa: {  	v10 =	vadd.s32 $0x280, v23;
	v8 =	vadd.s32 $0x180, v23;
	v16 =	vld.idx.msk [tilespmem:v12+s21+$0x0], $0xffff;
	[tilespmem:s6+$0x380] =	vst v14;
	(pc) =	sbr.rel @!p1 .LBB2_27-.Ltmp14, $4  }
0x2fb: {  	v6 =	vadd.s32 $0x300, v21;
	v5 =	vadd.s32 $0x200, v21;
	v3 =	vadd.s32 $0x200, v22;
	v17 =	vld.idx.msk [tilespmem:v7+s21+$0x0], $0xffff;
	[tilespmem:s1+$0x100] =	vst v18  }
0x2fc: {  	v4 =	vadd.s32 $0x200, v23;
	v13 =	vadd.s32 $0x300, v23;
	v9 =	vadd.s32 $0x280, v21;
	[tilespmem:s9+$0x100] =	vst v19;
	v19 =	vld.idx.msk [tilespmem:v24+s21+$0x0], $0xffff  }
0x2fd: {  	p0 =	por $0x1, $0x1;
	s10 =	sadd.s32 $0x200, s23;
	v11 =	vadd.s32 $0x280, v22;
	v7 =	vadd.s32 $0x380, v21;
	v12 =	vadd.s32 $0x300, v22;
	[tilespmem:s7+$0x100] =	vst v20;
	v18 =	vld.idx.msk [tilespmem:v25+s21+$0x0], $0xffff  }
0x2fe: {  	s11 =	sadd.s32 $0x40, s22;
	s4 =	simm.s32 $0x0;
	v21 =	vadd.s32 $0x380, v22;
	v22 =	vadd.s32 $0x200, v2;
	s6 =	simm.s32 $0x4;
	v14 =	vadd.s32 $0x380, v23;
	[tilespmem:s8+$0x100] =	vst v26;
	v20 =	vld.idx.msk [tilespmem:v27+s21+$0x0], $0xffff  }
.LBB2_28:
0x2ff: {  	s12 =	sand.u32 $0x40, s11;
	s16 =	sand.u32 $0xC00, s10;
	v8 =	vld.idx.msk [tilespmem:v8+s21+$0x0], $0xffff;
	[tilespmem:s3+$0x300] =	vst v16  }
0x300: {  	s6 =	sadd.s32 $0x4, s6;
	s17 =	sadd.s32 s16, s20;
	s13 =	sor.u32 $0x30, s12;
	v16 =	vld.idx.msk [tilespmem:v1+s4+$0x0], $0xffff;
	[tilespmem:s0+$0x300] =	vst v15;
	v1 =	vmov v21  }
0x301: {  	s14 =	sor.u32 $0x10, s12;
	p1 =	slt.u32 s6, $0x1C;
	s18 =	sadd.s32 s13, s17;
	[tilespmem:s2+$0x380] =	vst v17;
	v15 =	vld.idx.msk [tilespmem:v0+s4+$0x0], $0xffff;
	v0 =	vmov v14  }
0x302: {  	s15 =	sor.u32 $0x20, s12;
	s22 =	sadd.s32 s12, s17;
	s23 =	sadd.s32 s14, s17;
	v17 =	vld [tilespmem:s18+$0x280];
	[tilespmem:s1+$0x180] =	vst v19  }
0x303: {  	s17 =	sadd.s32 s15, s17;
	s4 =	smov.u32 s21;
	s2 =	smov.u32 s9;
	[tilespmem:s9+$0x180] =	vst v18;
	v14 =	vld.idx.msk [tilespmem:v22+s21+$0x0], $0xffff  }
0x304: {  	v18 =	vld [tilespmem:s22+$0x280];
	[tilespmem:s7+$0x180] =	vst v20  }
0x305: {  	v19 =	vld [tilespmem:s23+$0x280];
	[tilespmem:s8+$0x180] =	vst v8;
	v8 =	vadd.s32 $0x280, v2  }
0x306: {  	v20 =	vld [tilespmem:s17+$0x280];
	[tilespmem:s3+$0x380] =	vst v16;
	s3 =	smov.u32 s7  }
0x307: {  	v16 =	vld.idx.msk [tilespmem:v5+s4+$0x0], $0xffff;
	[tilespmem:s0+$0x380] =	vst v15;
	s0 =	smov.u32 s8  }
0x308: {  	v15 =	vld.idx.msk [tilespmem:v3+s4+$0x0], $0xffff  }
0x309: {  	v22 =	vadd.s32 $0x80, v18;
	v23 =	vadd.s32 $0x100, v18;
	v24 =	vadd.s32 $0x180, v18;
	v21 =	vld.idx.msk [tilespmem:v4+s4+$0x0], $0xffff;
	[tilespmem:s1+$0x200] =	vst v14  }
0x30a: {  	s21 =	simm.s32 $0x0;
	v25 =	vadd.s32 $0x80, v19;
	v26 =	vadd.s32 $0x100, v19;
	v27 =	vadd.s32 $0x180, v19;
	v28 =	vld.idx.msk [tilespmem:v8+s4+$0x0], $0xffff  }
0x30b: {  	v29 =	vadd.s32 $0x80, v20;
	v30 =	vadd.s32 $0x100, v20;
	v8 =	vadd.s32 $0x180, v20;
	v31 =	vld.idx.msk [tilespmem:v17+s21+$0x0], $0xffff  }
0x30c: {  	v33 =	vadd.s32 $0x300, v2;
	v5 =	vadd.s32 $0x200, v18;
	v3 =	vadd.s32 $0x200, v19;
	v32 =	vld.idx.msk [tilespmem:v18+s21+$0x0], $0xffff  }
0x30d: {  	v35 =	vadd.s32 $0x80, v17;
	v14 =	vadd.s32 $0x280, v18;
	v4 =	vadd.s32 $0x200, v20;
	v34 =	vld.idx.msk [tilespmem:v19+s21+$0x0], $0xffff;
	[tilespmem:s2+$0x200] =	vst v16  }
0x30e: {  	s7 =	sadd.s32 s16, s19;
	v36 =	vadd.s32 $0x280, v19;
	v38 =	vadd.s32 $0x280, v20;
	v16 =	vadd.s32 $0x300, v18;
	v37 =	vld.idx.msk [tilespmem:v20+s21+$0x0], $0xffff;
	[tilespmem:s3+$0x200] =	vst v15  }
0x30f: {  	s8 =	sadd.s32 $0x5000, s7;
	v39 =	vadd.s32 $0x300, v20;
	v18 =	vadd.s32 $0x380, v18;
	v15 =	vadd.s32 $0x300, v19;
	v40 =	vld.idx.msk [tilespmem:v9+s4+$0x0], $0xffff;
	[tilespmem:s0+$0x200] =	vst v21;
	v9 =	vmovc v14  }
0x310: {  	s9 =	sadd.s32 s12, s8;
	s7 =	sadd.s32 s14, s8;
	s12 =	sadd.s32 s13, s8;
	v21 =	vadd.s32 $0x380, v19;
	v14 =	vadd.s32 $0x380, v20;
	v19 =	vld.idx.msk [tilespmem:v11+s4+$0x0], $0xffff;
	[tilespmem:s1+$0x280] =	vst v28;
	v11 =	vmov v36  }
0x311: {  	s8 =	sadd.s32 s15, s8;
	[tilespmem:s12+$0x0] =	vst v31;
	v20 =	vld.idx.msk [tilespmem:v33+s4+$0x0], $0xffff  }
0x312: {  	[tilespmem:s9+$0x0] =	vst v32;
	v28 =	vld.idx.msk [tilespmem:v35+s21+$0x0], $0xffff  }
0x313: {  	v31 =	vadd.s32 $0x380, v2;
	v2 =	vmov v17;
	v22 =	vld.idx.msk [tilespmem:v22+s21+$0x0], $0xffff;
	[tilespmem:s7+$0x0] =	vst v34  }
0x314: {  	v17 =	vld.idx.msk [tilespmem:v25+s21+$0x0], $0xffff;
	[tilespmem:s8+$0x0] =	vst v37;
	v25 =	vadd.s32 $0x100, v2  }
0x315: {  	v29 =	vld.idx.msk [tilespmem:v29+s21+$0x0], $0xffff;
	[tilespmem:s2+$0x280] =	vst v40  }
0x316: {  	[tilespmem:s3+$0x280] =	vst v19;
	v19 =	vld.idx.msk [tilespmem:v10+s4+$0x0], $0xffff;
	v10 =	vmov v38  }
0x317: {  	v32 =	vld.idx.msk [tilespmem:v6+s4+$0x0], $0xffff;
	[tilespmem:s1+$0x300] =	vst v20;
	v6 =	vmov v16  }
0x318: {  	[tilespmem:s12+$0x80] =	vst v28;
	v20 =	vld.idx.msk [tilespmem:v31+s4+$0x0], $0xffff  }
0x319: {  	[tilespmem:s9+$0x80] =	vst v22;
	v22 =	vld.idx.msk [tilespmem:v25+s21+$0x0], $0xffff  }
0x31a: {  	v23 =	vld.idx.msk [tilespmem:v23+s21+$0x0], $0xffff;
	[tilespmem:s7+$0x80] =	vst v17  }
0x31b: {  	v25 =	vld.idx.msk [tilespmem:v26+s21+$0x0], $0xffff;
	[tilespmem:s8+$0x80] =	vst v29;
	v26 =	vadd.s32 $0x180, v2  }
0x31c: {  	v28 =	vld.idx.msk [tilespmem:v30+s21+$0x0], $0xffff;
	[tilespmem:s0+$0x280] =	vst v19  }
0x31d: {  	[tilespmem:s2+$0x300] =	vst v32;
	v16 =	vld.idx.msk [tilespmem:v12+s4+$0x0], $0xffff;
	v12 =	vmov v15  }
.Ltmp15:
0x31e: {  	v15 =	vld.idx.msk [tilespmem:v13+s4+$0x0], $0xffff;
	[tilespmem:s1+$0x380] =	vst v20;
	v13 =	vmov v39;
	s1 =	smov.u32 s12;
	(pc) =	sbr.rel @p1 .LBB2_28-.Ltmp15, $4  }
0x31f: {  	[tilespmem:s1+$0x100] =	vst v22;
	v17 =	vld.idx.msk [tilespmem:v7+s4+$0x0], $0xffff;
	v7 =	vmov v18  }
0x320: {  	[tilespmem:s9+$0x100] =	vst v23;
	v19 =	vld.idx.msk [tilespmem:v26+s21+$0x0], $0xffff  }
0x321: {  	v18 =	vld.idx.msk [tilespmem:v24+s21+$0x0], $0xffff;
	[tilespmem:s7+$0x100] =	vst v25  }
0x322: {  	s10 =	sadd.s32 $0x200, s10;
	s11 =	sadd.s32 $0x40, s11;
	v22 =	vadd.s32 $0x200, v2;
	v20 =	vld.idx.msk [tilespmem:v27+s21+$0x0], $0xffff;
	[tilespmem:s8+$0x100] =	vst v28  }
0x323: {  	s10 =	smov.u32 s3  }
0x324: {  	s11 =	smov.u32 s0;
	s12 =	smov.u32 s2;
	s6 =	smov.u32 s1  }
0x325: {  	v23 =	vmovc v1;
	v24 =	vmovc v0;
	v1 =	vmov v21;
	v0 =	vmov v14;
	s2 =	smov.u32 s9;
	s3 =	smov.u32 s7;
	s0 =	smov.u32 s8;
	v14 =	vmov v2  }
.LBB2_30:
0x326: {  	_ =	sdelay $0x3  }
0x327: {  	v2 =	vld.idx.msk [tilespmem:v8+s21+$0x0], $0xffff;
	_ =	sdelay $0x1  }
0x328: {  	[tilespmem:s6+$0x180] =	vst v19  }
0x329: {  	[tilespmem:s2+$0x180] =	vst v18;
	v8 =	vld.idx.msk [tilespmem:v22+s21+$0x0], $0xffff  }
0x32a: {  	v18 =	vadd.s32 $0x280, v14;
	[tilespmem:s3+$0x180] =	vst v20;
	v5 =	vld.idx.msk [tilespmem:v5+s21+$0x0], $0xffff  }
0x32b: {  	[tilespmem:s0+$0x180] =	vst v2;
	v2 =	vld.idx.msk [tilespmem:v3+s21+$0x0], $0xffff  }
0x32c: {  	v3 =	vld.idx.msk [tilespmem:v4+s21+$0x0], $0xffff;
	_ =	sdelay $0x1  }
0x32d: {  	[tilespmem:s6+$0x200] =	vst v8  }
0x32e: {  	[tilespmem:s2+$0x200] =	vst v5;
	v4 =	vld.idx.msk [tilespmem:v18+s21+$0x0], $0xffff  }
0x32f: {  	v5 =	vadd.s32 $0x300, v14;
	[tilespmem:s3+$0x200] =	vst v2;
	v2 =	vld.idx.msk [tilespmem:v9+s21+$0x0], $0xffff  }
0x330: {  	[tilespmem:s0+$0x200] =	vst v3;
	v3 =	vld.idx.msk [tilespmem:v11+s21+$0x0], $0xffff  }
0x331: {  	v8 =	vld.idx.msk [tilespmem:v10+s21+$0x0], $0xffff  }
0x332: {  	[tilespmem:s10+$0x300] =	vst @p0 v16  }
0x333: {  	[tilespmem:s6+$0x280] =	vst v4  }
0x334: {  	v4 =	vld.idx.msk [tilespmem:v5+s21+$0x0], $0xffff;
	[tilespmem:s2+$0x280] =	vst v2  }
0x335: {  	v2 =	vadd.s32 $0x380, v14;
	[tilespmem:s3+$0x280] =	vst v3;
	v3 =	vld.idx.msk [tilespmem:v6+s21+$0x0], $0xffff  }
0x336: {  	[tilespmem:s0+$0x280] =	vst v8;
	v5 =	vld.idx.msk [tilespmem:v12+s21+$0x0], $0xffff  }
0x337: {  	[tilespmem:s11+$0x300] =	vst @p0 v15;
	v6 =	vld.idx.msk [tilespmem:v13+s21+$0x0], $0xffff  }
0x338: {  	[tilespmem:s12+$0x380] =	vst @p0 v17;
	v9 =	vld.idx.msk @p0 [tilespmem:v24+s4+$0x0], $0xffff  }
0x339: {  	v8 =	vld.idx.msk @p0 [tilespmem:v23+s4+$0x0], $0xffff;
	[tilespmem:s6+$0x300] =	vst v4  }
0x33a: {  	v2 =	vld.idx.msk [tilespmem:v2+s21+$0x0], $0xffff;
	[tilespmem:s2+$0x300] =	vst v3  }
0x33b: {  	v3 =	vld.idx.msk [tilespmem:v7+s21+$0x0], $0xffff;
	[tilespmem:s3+$0x300] =	vst v5  }
0x33c: {  	v1 =	vld.idx.msk [tilespmem:v1+s21+$0x0], $0xffff;
	[tilespmem:s0+$0x300] =	vst v6  }
0x33d: {  	[tilespmem:s11+$0x380] =	vst @p0 v9;
	v0 =	vld.idx.msk [tilespmem:v0+s21+$0x0], $0xffff  }
0x33e: {  	[tilespmem:s10+$0x380] =	vst @p0 v8  }
0x33f: {  	[tilespmem:s6+$0x380] =	vst v2  }
0x340: {  	s24 =	sand.u32 $0x40, s21;
	s1 =	sand.u32 $0xC00, s21;
	[tilespmem:s2+$0x380] =	vst v3  }
0x341: {  	s31 =	sadd.s32 s1, s20;
	s25 =	sor.u32 $0x30, s24;
	[tilespmem:s3+$0x380] =	vst v1  }
0x342: {  	s6 =	sadd.s32 s25, s31;
	[tilespmem:s0+$0x380] =	vst v0  }
0x343: {  	s8 =	sadd.s32 s24, s31;
	v14 =	vld [tilespmem:s6+$0x300]  }
0x344: {  	s26 =	sor.u32 $0x10, s24;
	v0 =	vld [tilespmem:s8+$0x300]  }
0x345: {  	s28 =	sor.u32 $0x20, s24;
	s9 =	sadd.s32 s26, s31  }
0x346: {  	s0 =	sadd.s32 s28, s31;
	v1 =	vld [tilespmem:s9+$0x300]  }
0x347: {  	v2 =	vld [tilespmem:s0+$0x300];
	_ =	sdelay $0x3  }
0x348: {  	v3 =	vld.idx.msk [tilespmem:v14+s21+$0x0], $0xffff  }
0x349: {  	v5 =	vadd.s32 $0x80, v14;
	v4 =	vld.idx.msk [tilespmem:v0+s21+$0x0], $0xffff  }
0x34a: {  	s3 =	sadd.s32 s1, s19;
	v6 =	vadd.s32 $0x80, v0  }
0x34b: {  	s1 =	sadd.s32 $0x6000, s3;
	v7 =	vld.idx.msk [tilespmem:v1+s21+$0x0], $0xffff  }
0x34c: {  	s4 =	sadd.s32 s25, s1;
	v8 =	vadd.s32 $0x80, v1;
	v9 =	vld.idx.msk [tilespmem:v2+s21+$0x0], $0xffff  }
0x34d: {  	s7 =	sadd.s32 s24, s1;
	v10 =	vadd.s32 $0x80, v2;
	[tilespmem:s4+$0x0] =	vst v3  }
0x34e: {  	[tilespmem:s7+$0x0] =	vst v4;
	v3 =	vld.idx.msk [tilespmem:v5+s21+$0x0], $0xffff  }
0x34f: {  	s2 =	sadd.s32 s26, s1;
	v4 =	vld.idx.msk [tilespmem:v6+s21+$0x0], $0xffff;
	v5 =	vadd.s32 $0x100, v14  }
0x350: {  	s10 =	sadd.s32 s28, s1;
	[tilespmem:s2+$0x0] =	vst v7;
	v6 =	vadd.s32 $0x100, v0  }
0x351: {  	[tilespmem:s10+$0x0] =	vst v9;
	v7 =	vld.idx.msk [tilespmem:v8+s21+$0x0], $0xffff  }
0x352: {  	v8 =	vadd.s32 $0x100, v1;
	v9 =	vld.idx.msk [tilespmem:v10+s21+$0x0], $0xffff  }
0x353: {  	v10 =	vadd.s32 $0x100, v2;
	[tilespmem:s4+$0x80] =	vst v3  }
0x354: {  	[tilespmem:s7+$0x80] =	vst v4;
	v11 =	vld.idx.msk [tilespmem:v5+s21+$0x0], $0xffff  }
0x355: {  	v12 =	vld.idx.msk [tilespmem:v6+s21+$0x0], $0xffff  }
0x356: {  	v13 =	vadd.s32 $0x180, v14;
	[tilespmem:s2+$0x80] =	vst v7  }
0x357: {  	v15 =	vadd.s32 $0x180, v0;
	[tilespmem:s10+$0x80] =	vst v9;
	v17 =	vld.idx.msk [tilespmem:v8+s21+$0x0], $0xffff  }
0x358: {  	p1 =	por $0x1, $0x1;
	v19 =	vadd.s32 $0x180, v1;
	v21 =	vld.idx.msk [tilespmem:v10+s21+$0x0], $0xffff  }
.Ltmp16:
0x359: {  	v3 =	vadd.s32 $0x200, v1;
	v9 =	vadd.s32 $0x280, v0;
	v7 =	vadd.s32 $0x300, v0;
	[tilespmem:s4+$0x100] =	vst v11;
	(pc) =	sbr.rel @!p1 .LBB2_31-.Ltmp16, $4  }
0x35a: {  	v11 =	vadd.s32 $0x280, v1;
	[tilespmem:s7+$0x100] =	vst v12;
	v12 =	vadd.s32 $0x300, v1;
	v1 =	vadd.s32 $0x380, v1  }
0x35b: {  	v5 =	vadd.s32 $0x200, v0;
	v8 =	vadd.s32 $0x380, v0;
	v0 =	vadd.s32 $0x380, v2;
	v18 =	vld.idx.msk [tilespmem:v13+s21+$0x0], $0xffff  }
0x35c: {  	v4 =	vadd.s32 $0x200, v2;
	v6 =	vadd.s32 $0x180, v2;
	[tilespmem:s2+$0x100] =	vst v17;
	v16 =	vld.idx.msk [tilespmem:v15+s21+$0x0], $0xffff  }
0x35d: {  	s22 =	sadd.s32 $0x200, s21;
	s23 =	sadd.s32 $0x40, s21;
	p0 =	por $0x0, $0x0;
	v10 =	vadd.s32 $0x280, v2;
	[tilespmem:s10+$0x100] =	vst v21;
	v21 =	vadd.s32 $0x200, v14;
	v13 =	vadd.s32 $0x300, v2;
	v20 =	vld.idx.msk [tilespmem:v19+s21+$0x0], $0xffff  }
0x35e: {  	_ = 	snop  }
0x35f: {  	[dreg:$0x11] =	wrdreg s9  }
0x360: {  	[dreg:$0xf] =	wrdreg s8;
	s17 =	sand.u32 $0x40, s23;
	s1 =	sand.u32 $0xC00, s22  }
0x361: {  	[dreg:$0xd] =	wrdreg s6;
	s18 =	sadd.s32 s1, s20;
	s29 =	sor.u32 $0x30, s17  }
0x362: {  	v6 =	vld.idx.msk [tilespmem:v6+s21+$0x0], $0xffff;
	s11 =	sadd.s32 s29, s18  }
0x363: {  	[tilespmem:s4+$0x180] =	vst v18;
	v2 =	vld [tilespmem:s11+$0x300]  }
0x364: {  	s12 =	sadd.s32 s17, s18;
	v15 =	vld.idx.msk [tilespmem:v21+s21+$0x0], $0xffff  }
0x365: {  	s30 =	sor.u32 $0x10, s17;
	v21 =	vld [tilespmem:s12+$0x300];
	[tilespmem:s7+$0x180] =	vst v16  }
0x366: {  	v17 =	vadd.s32 $0x280, v14;
	s14 =	sor.u32 $0x20, s17;
	s13 =	sadd.s32 s30, s18;
	v5 =	vld.idx.msk [tilespmem:v5+s21+$0x0], $0xffff  }
0x367: {  	s8 =	sadd.s32 s14, s18;
	v22 =	vld [tilespmem:s13+$0x300]  }
0x368: {  	v23 =	vld [tilespmem:s8+$0x300];
	[tilespmem:s2+$0x180] =	vst v20  }
0x369: {  	v3 =	vld.idx.msk [tilespmem:v3+s21+$0x0], $0xffff;
	[tilespmem:s10+$0x180] =	vst v6  }
0x36a: {  	v4 =	vld.idx.msk [tilespmem:v4+s21+$0x0], $0xffff;
	[tilespmem:s4+$0x200] =	vst v15  }
0x36b: {  	v6 =	vld.idx.msk [tilespmem:v17+s21+$0x0], $0xffff;
	[tilespmem:s7+$0x200] =	vst v5  }
0x36c: {  	v9 =	vld.idx.msk [tilespmem:v9+s21+$0x0], $0xffff  }
0x36d: {  	v15 =	vld.idx.msk [tilespmem:v2+s21+$0x0], $0xffff  }
0x36e: {  	v17 =	vadd.s32 $0x300, v14;
	v16 =	vld.idx.msk [tilespmem:v21+s21+$0x0], $0xffff  }
0x36f: {  	[tilespmem:s2+$0x200] =	vst v3;
	v18 =	vld.idx.msk [tilespmem:v22+s21+$0x0], $0xffff  }
0x370: {  	s1 =	sadd.s32 s1, s19;
	v19 =	vadd.s32 $0x80, v2;
	v20 =	vld.idx.msk [tilespmem:v23+s21+$0x0], $0xffff;
	[tilespmem:s10+$0x200] =	vst v4  }
0x371: {  	s31 =	sadd.s32 $0x6000, s1;
	v5 =	vadd.s32 $0x80, v21;
	v11 =	vld.idx.msk [tilespmem:v11+s21+$0x0], $0xffff;
	[tilespmem:s4+$0x280] =	vst v6  }
0x372: {  	s1 =	sadd.s32 s29, s31;
	v3 =	vadd.s32 $0x80, v22;
	v10 =	vld.idx.msk [tilespmem:v10+s21+$0x0], $0xffff;
	[tilespmem:s7+$0x280] =	vst v9  }
0x373: {  	s9 =	sadd.s32 s17, s31;
	v4 =	vadd.s32 $0x80, v23;
	v6 =	vld.idx.msk [tilespmem:v17+s21+$0x0], $0xffff;
	[tilespmem:s1+$0x0] =	vst v15  }
0x374: {  	s6 =	sadd.s32 s30, s31;
	[tilespmem:s9+$0x0] =	vst v16;
	v7 =	vld.idx.msk [tilespmem:v7+s21+$0x0], $0xffff  }
0x375: {  	s8 =	sadd.s32 s14, s31;
	v14 =	vadd.s32 $0x380, v14;
	[tilespmem:s6+$0x0] =	vst v18;
	v15 =	vld.idx.msk [tilespmem:v19+s21+$0x0], $0xffff  }
0x376: {  	[tilespmem:s8+$0x0] =	vst v20;
	v16 =	vadd.s32 $0x100, v2;
	v5 =	vld.idx.msk [tilespmem:v5+s21+$0x0], $0xffff  }
0x377: {  	v17 =	vadd.s32 $0x100, v21;
	[tilespmem:s2+$0x280] =	vst v11;
	v3 =	vld.idx.msk [tilespmem:v3+s21+$0x0], $0xffff  }
0x378: {  	v9 =	vadd.s32 $0x100, v22;
	v4 =	vld.idx.msk [tilespmem:v4+s21+$0x0], $0xffff;
	[tilespmem:s10+$0x280] =	vst v10  }
0x379: {  	v11 =	vadd.s32 $0x100, v23;
	v19 =	vld.idx.msk [tilespmem:v12+s21+$0x0], $0xffff;
	[tilespmem:s4+$0x300] =	vst v6  }
0x37a: {  	v14 =	vld.idx.msk [tilespmem:v14+s21+$0x0], $0xffff;
	[tilespmem:s1+$0x80] =	vst v15  }
0x37b: {  	[tilespmem:s9+$0x80] =	vst v5;
	v16 =	vld.idx.msk [tilespmem:v16+s21+$0x0], $0xffff  }
0x37c: {  	v24 =	vadd.s32 $0x180, v2;
	[tilespmem:s6+$0x80] =	vst v3;
	v18 =	vld.idx.msk [tilespmem:v17+s21+$0x0], $0xffff  }
0x37d: {  	v25 =	vadd.s32 $0x180, v21;
	[tilespmem:s8+$0x80] =	vst v4;
	v20 =	vld.idx.msk [tilespmem:v9+s21+$0x0], $0xffff  }
0x37e: {  	p3 =	por $0x1, $0x1;
	v27 =	vadd.s32 $0x180, v22;
	[tilespmem:s7+$0x300] =	vst v7;
	v26 =	vld.idx.msk [tilespmem:v11+s21+$0x0], $0xffff  }
.Ltmp17:
0x37f: {  	v12 =	vadd.s32 $0x300, v22;
	v6 =	vadd.s32 $0x180, v23;
	v15 =	vld.idx.msk [tilespmem:v13+s21+$0x0], $0xffff;
	[tilespmem:s4+$0x380] =	vst v14;
	(pc) =	sbr.rel @!p3 .LBB2_33-.Ltmp17, $4  }
0x380: {  	v10 =	vadd.s32 $0x280, v23;
	v7 =	vadd.s32 $0x300, v21;
	v5 =	vadd.s32 $0x200, v21;
	v17 =	vld.idx.msk [tilespmem:v8+s21+$0x0], $0xffff;
	[tilespmem:s1+$0x100] =	vst v16  }
0x381: {  	v3 =	vadd.s32 $0x200, v22;
	v4 =	vadd.s32 $0x200, v23;
	v13 =	vadd.s32 $0x300, v23;
	[tilespmem:s9+$0x100] =	vst v18;
	v18 =	vld.idx.msk [tilespmem:v24+s21+$0x0], $0xffff  }
0x382: {  	p2 =	por $0x1, $0x1;
	v9 =	vadd.s32 $0x280, v21;
	v11 =	vadd.s32 $0x280, v22;
	v8 =	vadd.s32 $0x380, v21;
	[tilespmem:s6+$0x100] =	vst v20;
	v16 =	vld.idx.msk [tilespmem:v25+s21+$0x0], $0xffff  }
0x383: {  	s11 =	sadd.s32 $0x200, s22;
	s12 =	sadd.s32 $0x40, s23;
	v22 =	vadd.s32 $0x380, v22;
	v21 =	vadd.s32 $0x200, v2;
	s4 =	simm.s32 $0x4;
	v14 =	vadd.s32 $0x380, v23;
	[tilespmem:s8+$0x100] =	vst v26;
	v20 =	vld.idx.msk [tilespmem:v27+s21+$0x0], $0xffff  }
.LBB2_34:
0x384: {  	s13 =	sand.u32 $0x40, s12;
	s17 =	sand.u32 $0xC00, s11;
	v6 =	vld.idx.msk [tilespmem:v6+s21+$0x0], $0xffff;
	[tilespmem:s2+$0x300] =	vst v19  }
0x385: {  	s4 =	sadd.s32 $0x4, s4;
	s18 =	sadd.s32 s17, s20;
	s14 =	sor.u32 $0x30, s13;
	v19 =	vld.idx.msk [tilespmem:v1+s21+$0x0], $0xffff;
	[tilespmem:s10+$0x300] =	vst v15;
	v1 =	vmov v22  }
0x386: {  	s15 =	sor.u32 $0x10, s13;
	p3 =	slt.u32 s4, $0x1C;
	s29 =	sadd.s32 s14, s18;
	[tilespmem:s7+$0x380] =	vst v17;
	v15 =	vld.idx.msk [tilespmem:v0+s21+$0x0], $0xffff;
	v0 =	vmov v14  }
0x387: {  	s16 =	sor.u32 $0x20, s13;
	s30 =	sadd.s32 s13, s18;
	s31 =	sadd.s32 s15, s18;
	v17 =	vld [tilespmem:s29+$0x300];
	[tilespmem:s1+$0x180] =	vst v18  }
0x388: {  	s18 =	sadd.s32 s16, s18;
	s7 =	smov.u32 s9;
	[tilespmem:s9+$0x180] =	vst v16;
	v14 =	vld.idx.msk [tilespmem:v21+s21+$0x0], $0xffff  }
0x389: {  	v16 =	vld [tilespmem:s30+$0x300];
	[tilespmem:s6+$0x180] =	vst v20  }
0x38a: {  	v18 =	vld [tilespmem:s31+$0x300];
	[tilespmem:s8+$0x180] =	vst v6;
	v6 =	vadd.s32 $0x280, v2  }
0x38b: {  	v20 =	vld [tilespmem:s18+$0x300];
	[tilespmem:s2+$0x380] =	vst v19;
	s2 =	smov.u32 s6  }
0x38c: {  	v19 =	vld.idx.msk [tilespmem:v5+s21+$0x0], $0xffff;
	[tilespmem:s10+$0x380] =	vst v15;
	s10 =	smov.u32 s8  }
0x38d: {  	v15 =	vld.idx.msk [tilespmem:v3+s21+$0x0], $0xffff  }
0x38e: {  	v21 =	vadd.s32 $0x80, v16;
	v23 =	vadd.s32 $0x100, v16;
	v24 =	vadd.s32 $0x180, v16;
	v22 =	vld.idx.msk [tilespmem:v4+s21+$0x0], $0xffff;
	[tilespmem:s1+$0x200] =	vst v14  }
0x38f: {  	v25 =	vadd.s32 $0x80, v18;
	v26 =	vadd.s32 $0x100, v18;
	v27 =	vadd.s32 $0x180, v18;
	v28 =	vld.idx.msk [tilespmem:v6+s21+$0x0], $0xffff  }
0x390: {  	v29 =	vadd.s32 $0x80, v20;
	v30 =	vadd.s32 $0x100, v20;
	v6 =	vadd.s32 $0x180, v20;
	v31 =	vld.idx.msk [tilespmem:v17+s21+$0x0], $0xffff  }
0x391: {  	v33 =	vadd.s32 $0x300, v2;
	v5 =	vadd.s32 $0x200, v16;
	v3 =	vadd.s32 $0x200, v18;
	v32 =	vld.idx.msk [tilespmem:v16+s21+$0x0], $0xffff  }
0x392: {  	v35 =	vadd.s32 $0x80, v17;
	v14 =	vadd.s32 $0x280, v16;
	v4 =	vadd.s32 $0x200, v20;
	v34 =	vld.idx.msk [tilespmem:v18+s21+$0x0], $0xffff;
	[tilespmem:s7+$0x200] =	vst v19  }
0x393: {  	s6 =	sadd.s32 s17, s19;
	v36 =	vadd.s32 $0x280, v18;
	v38 =	vadd.s32 $0x280, v20;
	v19 =	vadd.s32 $0x300, v16;
	v37 =	vld.idx.msk [tilespmem:v20+s21+$0x0], $0xffff;
	[tilespmem:s2+$0x200] =	vst v15  }
0x394: {  	s8 =	sadd.s32 $0x6000, s6;
	v39 =	vadd.s32 $0x300, v20;
	v16 =	vadd.s32 $0x380, v16;
	v15 =	vadd.s32 $0x300, v18;
	v40 =	vld.idx.msk [tilespmem:v9+s21+$0x0], $0xffff;
	[tilespmem:s10+$0x200] =	vst v22;
	v9 =	vmovc v14  }
0x395: {  	s9 =	sadd.s32 s13, s8;
	s6 =	sadd.s32 s15, s8;
	s13 =	sadd.s32 s14, s8;
	v22 =	vadd.s32 $0x380, v18;
	v14 =	vadd.s32 $0x380, v20;
	v18 =	vld.idx.msk [tilespmem:v11+s21+$0x0], $0xffff;
	[tilespmem:s1+$0x280] =	vst v28;
	v11 =	vmov v36  }
0x396: {  	s8 =	sadd.s32 s16, s8;
	[tilespmem:s13+$0x0] =	vst v31;
	v20 =	vld.idx.msk [tilespmem:v33+s21+$0x0], $0xffff  }
0x397: {  	[tilespmem:s9+$0x0] =	vst v32;
	v28 =	vld.idx.msk [tilespmem:v35+s21+$0x0], $0xffff  }
0x398: {  	v31 =	vadd.s32 $0x380, v2;
	v2 =	vmov v17;
	v21 =	vld.idx.msk [tilespmem:v21+s21+$0x0], $0xffff;
	[tilespmem:s6+$0x0] =	vst v34  }
0x399: {  	v17 =	vld.idx.msk [tilespmem:v25+s21+$0x0], $0xffff;
	[tilespmem:s8+$0x0] =	vst v37;
	v25 =	vadd.s32 $0x100, v2  }
0x39a: {  	v29 =	vld.idx.msk [tilespmem:v29+s21+$0x0], $0xffff;
	[tilespmem:s7+$0x280] =	vst v40  }
0x39b: {  	[tilespmem:s2+$0x280] =	vst v18;
	v18 =	vld.idx.msk [tilespmem:v10+s21+$0x0], $0xffff;
	v10 =	vmov v38  }
0x39c: {  	v32 =	vld.idx.msk [tilespmem:v7+s21+$0x0], $0xffff;
	[tilespmem:s1+$0x300] =	vst v20;
	v7 =	vmov v19  }
0x39d: {  	[tilespmem:s13+$0x80] =	vst v28;
	v20 =	vld.idx.msk [tilespmem:v31+s21+$0x0], $0xffff  }
0x39e: {  	[tilespmem:s9+$0x80] =	vst v21;
	v21 =	vld.idx.msk [tilespmem:v25+s21+$0x0], $0xffff  }
0x39f: {  	v23 =	vld.idx.msk [tilespmem:v23+s21+$0x0], $0xffff;
	[tilespmem:s6+$0x80] =	vst v17  }
0x3a0: {  	v25 =	vld.idx.msk [tilespmem:v26+s21+$0x0], $0xffff;
	[tilespmem:s8+$0x80] =	vst v29;
	v26 =	vadd.s32 $0x180, v2  }
0x3a1: {  	v28 =	vld.idx.msk [tilespmem:v30+s21+$0x0], $0xffff;
	[tilespmem:s10+$0x280] =	vst v18  }
0x3a2: {  	[tilespmem:s7+$0x300] =	vst v32;
	v19 =	vld.idx.msk [tilespmem:v12+s21+$0x0], $0xffff;
	v12 =	vmov v15  }
.Ltmp18:
0x3a3: {  	v15 =	vld.idx.msk [tilespmem:v13+s21+$0x0], $0xffff;
	[tilespmem:s1+$0x380] =	vst v20;
	v13 =	vmov v39;
	s1 =	smov.u32 s13;
	(pc) =	sbr.rel @p3 .LBB2_34-.Ltmp18, $4  }
0x3a4: {  	[tilespmem:s1+$0x100] =	vst v21;
	v17 =	vld.idx.msk [tilespmem:v8+s21+$0x0], $0xffff;
	v8 =	vmov v16  }
0x3a5: {  	[tilespmem:s9+$0x100] =	vst v23;
	v18 =	vld.idx.msk [tilespmem:v26+s21+$0x0], $0xffff  }
0x3a6: {  	v16 =	vld.idx.msk [tilespmem:v24+s21+$0x0], $0xffff;
	[tilespmem:s6+$0x100] =	vst v25  }
0x3a7: {  	s11 =	sadd.s32 $0x200, s11;
	s12 =	sadd.s32 $0x40, s12;
	v21 =	vadd.s32 $0x200, v2;
	v20 =	vld.idx.msk [tilespmem:v27+s21+$0x0], $0xffff;
	[tilespmem:s8+$0x100] =	vst v28  }
0x3a8: {  	s11 =	smov.u32 s2  }
0x3a9: {  	s12 =	smov.u32 s10;
	s2 =	smov.u32 s6;
	s6 =	rddreg [dreg:$0xd]  }
0x3aa: {  	s13 =	smov.u32 s7;
	s10 =	smov.u32 s8;
	s8 =	rddreg [dreg:$0xf]  }
0x3ab: {  	v23 =	vmovc v1;
	v24 =	vmovc v0;
	v1 =	vmov v22;
	v0 =	vmov v14;
	s4 =	smov.u32 s1;
	s7 =	smov.u32 s9;
	v14 =	vmov v2;
	s9 =	rddreg [dreg:$0x11]  }
.LBB2_36:
0x3ac: {  	_ =	sdelay $0x3  }
0x3ad: {  	v2 =	vld.idx.msk [tilespmem:v6+s21+$0x0], $0xffff;
	_ =	sdelay $0x1  }
0x3ae: {  	[tilespmem:s4+$0x180] =	vst v18  }
0x3af: {  	[tilespmem:s7+$0x180] =	vst v16;
	v6 =	vld.idx.msk [tilespmem:v21+s21+$0x0], $0xffff  }
0x3b0: {  	[tilespmem:s2+$0x180] =	vst v20;
	v16 =	vadd.s32 $0x280, v14;
	v5 =	vld.idx.msk [tilespmem:v5+s21+$0x0], $0xffff  }
0x3b1: {  	[tilespmem:s10+$0x180] =	vst v2;
	v2 =	vld.idx.msk [tilespmem:v3+s21+$0x0], $0xffff  }
0x3b2: {  	v3 =	vld.idx.msk [tilespmem:v4+s21+$0x0], $0xffff;
	_ =	sdelay $0x1  }
0x3b3: {  	[tilespmem:s4+$0x200] =	vst v6  }
0x3b4: {  	[tilespmem:s7+$0x200] =	vst v5;
	v4 =	vld.idx.msk [tilespmem:v16+s21+$0x0], $0xffff  }
0x3b5: {  	v5 =	vadd.s32 $0x300, v14;
	[tilespmem:s2+$0x200] =	vst v2;
	v2 =	vld.idx.msk [tilespmem:v9+s21+$0x0], $0xffff  }
0x3b6: {  	[tilespmem:s10+$0x200] =	vst v3;
	v3 =	vld.idx.msk [tilespmem:v11+s21+$0x0], $0xffff  }
0x3b7: {  	v6 =	vld.idx.msk [tilespmem:v10+s21+$0x0], $0xffff  }
0x3b8: {  	[tilespmem:s11+$0x300] =	vst @p2 v19  }
0x3b9: {  	[tilespmem:s4+$0x280] =	vst v4  }
0x3ba: {  	v4 =	vld.idx.msk [tilespmem:v5+s21+$0x0], $0xffff;
	[tilespmem:s7+$0x280] =	vst v2  }
0x3bb: {  	v2 =	vadd.s32 $0x380, v14;
	[tilespmem:s2+$0x280] =	vst v3;
	v3 =	vld.idx.msk [tilespmem:v7+s21+$0x0], $0xffff  }
0x3bc: {  	[tilespmem:s10+$0x280] =	vst v6;
	v5 =	vld.idx.msk [tilespmem:v12+s21+$0x0], $0xffff  }
0x3bd: {  	[tilespmem:s12+$0x300] =	vst @p2 v15;
	v6 =	vld.idx.msk [tilespmem:v13+s21+$0x0], $0xffff  }
0x3be: {  	[tilespmem:s13+$0x380] =	vst @p2 v17;
	v9 =	vld.idx.msk @p2 [tilespmem:v24+s21+$0x0], $0xffff  }
0x3bf: {  	v7 =	vld.idx.msk @p2 [tilespmem:v23+s21+$0x0], $0xffff;
	[tilespmem:s4+$0x300] =	vst v4  }
0x3c0: {  	v2 =	vld.idx.msk [tilespmem:v2+s21+$0x0], $0xffff;
	[tilespmem:s7+$0x300] =	vst v3  }
0x3c1: {  	v3 =	vld.idx.msk [tilespmem:v8+s21+$0x0], $0xffff;
	[tilespmem:s2+$0x300] =	vst v5  }
0x3c2: {  	v1 =	vld.idx.msk [tilespmem:v1+s21+$0x0], $0xffff;
	[tilespmem:s10+$0x300] =	vst v6  }
0x3c3: {  	[tilespmem:s12+$0x380] =	vst @p2 v9;
	v0 =	vld.idx.msk [tilespmem:v0+s21+$0x0], $0xffff  }
0x3c4: {  	[tilespmem:s11+$0x380] =	vst @p2 v7  }
0x3c5: {  	[tilespmem:s4+$0x380] =	vst v2  }
0x3c6: {  	[tilespmem:s7+$0x380] =	vst v3  }
0x3c7: {  	[tilespmem:s2+$0x380] =	vst v1  }
0x3c8: {  	[tilespmem:s10+$0x380] =	vst v0  }
0x3c9: {  	v14 =	vld [tilespmem:s6+$0x380]  }
0x3ca: {  	v0 =	vld [tilespmem:s8+$0x380];
	_ =	sdelay $0x1  }
0x3cb: {  	v1 =	vld [tilespmem:s9+$0x380]  }
0x3cc: {  	v2 =	vld [tilespmem:s0+$0x380];
	_ =	sdelay $0x3  }
0x3cd: {  	v3 =	vld.idx.msk [tilespmem:v14+s5+$0x0], $0xffff  }
0x3ce: {  	v5 =	vadd.s32 $0x80, v14;
	v4 =	vld.idx.msk [tilespmem:v0+s5+$0x0], $0xffff  }
0x3cf: {  	v6 =	vadd.s32 $0x80, v0  }
0x3d0: {  	s31 =	sadd.s32 $0x7000, s3;
	v7 =	vld.idx.msk [tilespmem:v1+s5+$0x0], $0xffff  }
0x3d1: {  	s4 =	sadd.s32 s25, s31;
	v8 =	vadd.s32 $0x80, v1;
	v9 =	vld.idx.msk [tilespmem:v2+s5+$0x0], $0xffff  }
0x3d2: {  	s3 =	sadd.s32 s24, s31;
	v10 =	vadd.s32 $0x80, v2;
	[tilespmem:s4+$0x0] =	vst v3  }
0x3d3: {  	[tilespmem:s3+$0x0] =	vst v4;
	v3 =	vld.idx.msk [tilespmem:v5+s5+$0x0], $0xffff  }
0x3d4: {  	s2 =	sadd.s32 s26, s31;
	v4 =	vld.idx.msk [tilespmem:v6+s5+$0x0], $0xffff;
	v5 =	vadd.s32 $0x100, v14  }
0x3d5: {  	s0 =	sadd.s32 s28, s31;
	[tilespmem:s2+$0x0] =	vst v7;
	v6 =	vadd.s32 $0x100, v0  }
0x3d6: {  	[tilespmem:s0+$0x0] =	vst v9;
	v7 =	vld.idx.msk [tilespmem:v8+s5+$0x0], $0xffff  }
0x3d7: {  	v8 =	vadd.s32 $0x100, v1;
	v9 =	vld.idx.msk [tilespmem:v10+s5+$0x0], $0xffff  }
0x3d8: {  	v10 =	vadd.s32 $0x100, v2;
	[tilespmem:s4+$0x80] =	vst v3  }
0x3d9: {  	[tilespmem:s3+$0x80] =	vst v4;
	v11 =	vld.idx.msk [tilespmem:v5+s5+$0x0], $0xffff  }
0x3da: {  	v12 =	vld.idx.msk [tilespmem:v6+s5+$0x0], $0xffff  }
0x3db: {  	[tilespmem:s2+$0x80] =	vst v7;
	v7 =	vadd.s32 $0x180, v14  }
0x3dc: {  	v15 =	vadd.s32 $0x180, v0;
	[tilespmem:s0+$0x80] =	vst v9;
	v16 =	vld.idx.msk [tilespmem:v8+s5+$0x0], $0xffff  }
0x3dd: {  	v17 =	vadd.s32 $0x180, v1;
	v21 =	vld.idx.msk [tilespmem:v10+s5+$0x0], $0xffff  }
.Ltmp19:
0x3de: {  	v3 =	vadd.s32 $0x200, v1;
	v9 =	vadd.s32 $0x280, v0;
	v5 =	vadd.s32 $0x200, v0;
	[tilespmem:s4+$0x100] =	vst v11;
	(pc) =	sbr.rel @!p1 .LBB2_37-.Ltmp19, $4  }
0x3df: {  	v11 =	vadd.s32 $0x280, v1;
	[tilespmem:s3+$0x100] =	vst v12;
	v12 =	vadd.s32 $0x300, v1;
	v1 =	vadd.s32 $0x380, v1  }
0x3e0: {  	v6 =	vadd.s32 $0x300, v0;
	v19 =	vld.idx.msk [tilespmem:v7+s5+$0x0], $0xffff;
	v7 =	vadd.s32 $0x380, v0;
	v0 =	vadd.s32 $0x380, v2  }
0x3e1: {  	v13 =	vadd.s32 $0x300, v2;
	v22 =	vadd.s32 $0x200, v14;
	[tilespmem:s2+$0x100] =	vst v16;
	v18 =	vld.idx.msk [tilespmem:v15+s5+$0x0], $0xffff  }
0x3e2: {  	v4 =	vadd.s32 $0x200, v2;
	v8 =	vadd.s32 $0x180, v2;
	v10 =	vadd.s32 $0x280, v2;
	[tilespmem:s0+$0x100] =	vst v21;
	v20 =	vld.idx.msk [tilespmem:v17+s5+$0x0], $0xffff  }
0x3e3: {  	_ =	sdelay $0x1  }
0x3e4: {  	s6 =	sand.u32 $0x40, s23;
	s1 =	sand.u32 $0xC00, s22  }
0x3e5: {  	s7 =	sadd.s32 s1, s20;
	s8 =	sor.u32 $0x30, s6  }
0x3e6: {  	v8 =	vld.idx.msk [tilespmem:v8+s5+$0x0], $0xffff;
	s9 =	sadd.s32 s8, s7  }
0x3e7: {  	[tilespmem:s4+$0x180] =	vst v19;
	v2 =	vld [tilespmem:s9+$0x380]  }
0x3e8: {  	s10 =	sadd.s32 s6, s7;
	v15 =	vld.idx.msk [tilespmem:v22+s5+$0x0], $0xffff  }
0x3e9: {  	s30 =	sor.u32 $0x10, s6;
	v21 =	vld [tilespmem:s10+$0x380];
	[tilespmem:s3+$0x180] =	vst v18  }
0x3ea: {  	v16 =	vadd.s32 $0x280, v14;
	s12 =	sor.u32 $0x20, s6;
	s11 =	sadd.s32 s30, s7;
	v5 =	vld.idx.msk [tilespmem:v5+s5+$0x0], $0xffff  }
0x3eb: {  	s7 =	sadd.s32 s12, s7;
	v22 =	vld [tilespmem:s11+$0x380]  }
0x3ec: {  	v23 =	vld [tilespmem:s7+$0x380];
	[tilespmem:s2+$0x180] =	vst v20  }
0x3ed: {  	[tilespmem:s0+$0x180] =	vst v8;
	v3 =	vld.idx.msk [tilespmem:v3+s5+$0x0], $0xffff  }
0x3ee: {  	v4 =	vld.idx.msk [tilespmem:v4+s5+$0x0], $0xffff;
	[tilespmem:s4+$0x200] =	vst v15  }
0x3ef: {  	v8 =	vld.idx.msk [tilespmem:v16+s5+$0x0], $0xffff;
	[tilespmem:s3+$0x200] =	vst v5  }
0x3f0: {  	v9 =	vld.idx.msk [tilespmem:v9+s5+$0x0], $0xffff  }
0x3f1: {  	v15 =	vld.idx.msk [tilespmem:v2+s5+$0x0], $0xffff  }
0x3f2: {  	v17 =	vadd.s32 $0x300, v14;
	v16 =	vld.idx.msk [tilespmem:v21+s5+$0x0], $0xffff  }
0x3f3: {  	[tilespmem:s2+$0x200] =	vst v3;
	v18 =	vld.idx.msk [tilespmem:v22+s5+$0x0], $0xffff  }
0x3f4: {  	s1 =	sadd.s32 s1, s19;
	v19 =	vadd.s32 $0x80, v2;
	v20 =	vld.idx.msk [tilespmem:v23+s5+$0x0], $0xffff;
	[tilespmem:s0+$0x200] =	vst v4  }
0x3f5: {  	s31 =	sadd.s32 $0x7000, s1;
	v5 =	vadd.s32 $0x80, v21;
	v11 =	vld.idx.msk [tilespmem:v11+s5+$0x0], $0xffff;
	[tilespmem:s4+$0x280] =	vst v8  }
0x3f6: {  	s1 =	sadd.s32 s8, s31;
	v3 =	vadd.s32 $0x80, v22;
	v10 =	vld.idx.msk [tilespmem:v10+s5+$0x0], $0xffff;
	[tilespmem:s3+$0x280] =	vst v9  }
0x3f7: {  	s8 =	sadd.s32 s6, s31;
	v4 =	vadd.s32 $0x80, v23;
	v8 =	vld.idx.msk [tilespmem:v17+s5+$0x0], $0xffff;
	[tilespmem:s1+$0x0] =	vst v15  }
0x3f8: {  	v14 =	vadd.s32 $0x380, v14;
	s6 =	sadd.s32 s30, s31;
	[tilespmem:s8+$0x0] =	vst v16;
	v6 =	vld.idx.msk [tilespmem:v6+s5+$0x0], $0xffff  }
0x3f9: {  	s7 =	sadd.s32 s12, s31;
	[tilespmem:s6+$0x0] =	vst v18;
	v15 =	vld.idx.msk [tilespmem:v19+s5+$0x0], $0xffff  }
0x3fa: {  	[tilespmem:s7+$0x0] =	vst v20;
	v16 =	vadd.s32 $0x100, v2;
	v5 =	vld.idx.msk [tilespmem:v5+s5+$0x0], $0xffff  }
0x3fb: {  	v17 =	vadd.s32 $0x100, v21;
	[tilespmem:s2+$0x280] =	vst v11;
	v3 =	vld.idx.msk [tilespmem:v3+s5+$0x0], $0xffff  }
0x3fc: {  	v9 =	vadd.s32 $0x100, v22;
	v4 =	vld.idx.msk [tilespmem:v4+s5+$0x0], $0xffff;
	[tilespmem:s4+$0x300] =	vst v8  }
0x3fd: {  	v11 =	vadd.s32 $0x100, v23;
	[tilespmem:s0+$0x280] =	vst v10;
	v14 =	vld.idx.msk [tilespmem:v14+s5+$0x0], $0xffff  }
0x3fe: {  	[tilespmem:s1+$0x80] =	vst v15;
	v15 =	vld.idx.msk [tilespmem:v13+s5+$0x0], $0xffff  }
0x3ff: {  	[tilespmem:s8+$0x80] =	vst v5;
	v16 =	vld.idx.msk [tilespmem:v16+s5+$0x0], $0xffff  }
0x400: {  	v19 =	vadd.s32 $0x180, v2;
	[tilespmem:s6+$0x80] =	vst v3;
	v18 =	vld.idx.msk [tilespmem:v17+s5+$0x0], $0xffff  }
0x401: {  	v24 =	vadd.s32 $0x180, v21;
	[tilespmem:s7+$0x80] =	vst v4;
	v20 =	vld.idx.msk [tilespmem:v9+s5+$0x0], $0xffff  }
0x402: {  	p1 =	por $0x1, $0x1;
	v26 =	vadd.s32 $0x180, v22;
	[tilespmem:s3+$0x300] =	vst v6;
	v25 =	vld.idx.msk [tilespmem:v11+s5+$0x0], $0xffff  }
.Ltmp20:
0x403: {  	v10 =	vadd.s32 $0x280, v23;
	v8 =	vadd.s32 $0x180, v23;
	v17 =	vld.idx.msk [tilespmem:v12+s5+$0x0], $0xffff;
	[tilespmem:s4+$0x380] =	vst v14;
	(pc) =	sbr.rel @!p1 .LBB2_39-.Ltmp20, $4  }
0x404: {  	v6 =	vadd.s32 $0x300, v21;
	v5 =	vadd.s32 $0x200, v21;
	v3 =	vadd.s32 $0x200, v22;
	[tilespmem:s1+$0x100] =	vst v16;
	v16 =	vld.idx.msk [tilespmem:v7+s5+$0x0], $0xffff  }
0x405: {  	v4 =	vadd.s32 $0x200, v23;
	v13 =	vadd.s32 $0x300, v23;
	v9 =	vadd.s32 $0x280, v21;
	[tilespmem:s8+$0x100] =	vst v18;
	v19 =	vld.idx.msk [tilespmem:v19+s5+$0x0], $0xffff  }
0x406: {  	p0 =	por $0x1, $0x1;
	v11 =	vadd.s32 $0x280, v22;
	v12 =	vadd.s32 $0x300, v22;
	v14 =	vadd.s32 $0x380, v23;
	[tilespmem:s6+$0x100] =	vst v20;
	v18 =	vld.idx.msk [tilespmem:v24+s5+$0x0], $0xffff  }
0x407: {  	s9 =	sadd.s32 $0x200, s22;
	s10 =	sadd.s32 $0x40, s23;
	s4 =	simm.s32 $0x4;
	v7 =	vadd.s32 $0x380, v21;
	v21 =	vadd.s32 $0x380, v22;
	[tilespmem:s7+$0x100] =	vst v25;
	v22 =	vadd.s32 $0x200, v2;
	v20 =	vld.idx.msk [tilespmem:v26+s5+$0x0], $0xffff  }
.LBB2_40:
0x408: {  	s11 =	sand.u32 $0x40, s10;
	s15 =	sand.u32 $0xC00, s9;
	v8 =	vld.idx.msk [tilespmem:v8+s5+$0x0], $0xffff;
	[tilespmem:s2+$0x300] =	vst v17  }
0x409: {  	s4 =	sadd.s32 $0x4, s4;
	s16 =	sadd.s32 s15, s20;
	s12 =	sor.u32 $0x30, s11;
	v17 =	vld.idx.msk [tilespmem:v1+s5+$0x0], $0xffff;
	[tilespmem:s0+$0x300] =	vst v15;
	v1 =	vmov v21  }
0x40a: {  	s13 =	sor.u32 $0x10, s11;
	p1 =	slt.u32 s4, $0x1C;
	s17 =	sadd.s32 s12, s16;
	[tilespmem:s3+$0x380] =	vst v16;
	v15 =	vld.idx.msk [tilespmem:v0+s5+$0x0], $0xffff;
	v0 =	vmov v14  }
0x40b: {  	s14 =	sor.u32 $0x20, s11;
	s18 =	sadd.s32 s11, s16;
	s21 =	sadd.s32 s13, s16;
	v16 =	vld [tilespmem:s17+$0x380];
	[tilespmem:s1+$0x180] =	vst v19  }
0x40c: {  	s16 =	sadd.s32 s14, s16;
	s3 =	smov.u32 s8;
	[tilespmem:s8+$0x180] =	vst v18;
	v14 =	vld.idx.msk [tilespmem:v22+s5+$0x0], $0xffff  }
0x40d: {  	v18 =	vld [tilespmem:s18+$0x380];
	[tilespmem:s6+$0x180] =	vst v20  }
0x40e: {  	v19 =	vld [tilespmem:s21+$0x380];
	[tilespmem:s7+$0x180] =	vst v8;
	v8 =	vadd.s32 $0x280, v2  }
0x40f: {  	v20 =	vld [tilespmem:s16+$0x380];
	[tilespmem:s2+$0x380] =	vst v17;
	s2 =	smov.u32 s6  }
0x410: {  	v17 =	vld.idx.msk [tilespmem:v5+s5+$0x0], $0xffff;
	[tilespmem:s0+$0x380] =	vst v15;
	s0 =	smov.u32 s7  }
0x411: {  	v15 =	vld.idx.msk [tilespmem:v3+s5+$0x0], $0xffff  }
0x412: {  	v22 =	vadd.s32 $0x80, v18;
	v23 =	vadd.s32 $0x100, v18;
	v24 =	vadd.s32 $0x180, v18;
	v21 =	vld.idx.msk [tilespmem:v4+s5+$0x0], $0xffff;
	[tilespmem:s1+$0x200] =	vst v14  }
0x413: {  	v25 =	vadd.s32 $0x80, v19;
	v26 =	vadd.s32 $0x100, v19;
	v27 =	vadd.s32 $0x180, v19;
	v28 =	vld.idx.msk [tilespmem:v8+s5+$0x0], $0xffff  }
0x414: {  	v29 =	vadd.s32 $0x80, v20;
	v30 =	vadd.s32 $0x100, v20;
	v8 =	vadd.s32 $0x180, v20;
	v31 =	vld.idx.msk [tilespmem:v16+s5+$0x0], $0xffff  }
0x415: {  	v33 =	vadd.s32 $0x300, v2;
	v5 =	vadd.s32 $0x200, v18;
	v3 =	vadd.s32 $0x200, v19;
	v32 =	vld.idx.msk [tilespmem:v18+s5+$0x0], $0xffff  }
0x416: {  	v35 =	vadd.s32 $0x80, v16;
	v14 =	vadd.s32 $0x280, v18;
	v4 =	vadd.s32 $0x200, v20;
	v34 =	vld.idx.msk [tilespmem:v19+s5+$0x0], $0xffff;
	[tilespmem:s3+$0x200] =	vst v17  }
0x417: {  	s6 =	sadd.s32 s15, s19;
	v36 =	vadd.s32 $0x280, v19;
	v38 =	vadd.s32 $0x280, v20;
	v17 =	vadd.s32 $0x300, v18;
	v37 =	vld.idx.msk [tilespmem:v20+s5+$0x0], $0xffff;
	[tilespmem:s2+$0x200] =	vst v15  }
0x418: {  	s7 =	sadd.s32 $0x7000, s6;
	v39 =	vadd.s32 $0x300, v20;
	v18 =	vadd.s32 $0x380, v18;
	v15 =	vadd.s32 $0x300, v19;
	v40 =	vld.idx.msk [tilespmem:v9+s5+$0x0], $0xffff;
	[tilespmem:s0+$0x200] =	vst v21;
	v9 =	vmovc v14  }
0x419: {  	s8 =	sadd.s32 s11, s7;
	s6 =	sadd.s32 s13, s7;
	s11 =	sadd.s32 s12, s7;
	v21 =	vadd.s32 $0x380, v19;
	v14 =	vadd.s32 $0x380, v20;
	v19 =	vld.idx.msk [tilespmem:v11+s5+$0x0], $0xffff;
	[tilespmem:s1+$0x280] =	vst v28;
	v11 =	vmov v36  }
0x41a: {  	s7 =	sadd.s32 s14, s7;
	[tilespmem:s11+$0x0] =	vst v31;
	v20 =	vld.idx.msk [tilespmem:v33+s5+$0x0], $0xffff  }
0x41b: {  	[tilespmem:s8+$0x0] =	vst v32;
	v28 =	vld.idx.msk [tilespmem:v35+s5+$0x0], $0xffff  }
0x41c: {  	v31 =	vadd.s32 $0x380, v2;
	v2 =	vmov v16;
	v22 =	vld.idx.msk [tilespmem:v22+s5+$0x0], $0xffff;
	[tilespmem:s6+$0x0] =	vst v34  }
0x41d: {  	v16 =	vld.idx.msk [tilespmem:v25+s5+$0x0], $0xffff;
	[tilespmem:s7+$0x0] =	vst v37;
	v25 =	vadd.s32 $0x100, v2  }
0x41e: {  	v29 =	vld.idx.msk [tilespmem:v29+s5+$0x0], $0xffff;
	[tilespmem:s3+$0x280] =	vst v40  }
0x41f: {  	[tilespmem:s2+$0x280] =	vst v19;
	v19 =	vld.idx.msk [tilespmem:v10+s5+$0x0], $0xffff;
	v10 =	vmov v38  }
0x420: {  	v32 =	vld.idx.msk [tilespmem:v6+s5+$0x0], $0xffff;
	[tilespmem:s1+$0x300] =	vst v20;
	v6 =	vmov v17  }
0x421: {  	[tilespmem:s11+$0x80] =	vst v28;
	v20 =	vld.idx.msk [tilespmem:v31+s5+$0x0], $0xffff  }
0x422: {  	[tilespmem:s8+$0x80] =	vst v22;
	v22 =	vld.idx.msk [tilespmem:v25+s5+$0x0], $0xffff  }
0x423: {  	v23 =	vld.idx.msk [tilespmem:v23+s5+$0x0], $0xffff;
	[tilespmem:s6+$0x80] =	vst v16  }
0x424: {  	v25 =	vld.idx.msk [tilespmem:v26+s5+$0x0], $0xffff;
	[tilespmem:s7+$0x80] =	vst v29;
	v26 =	vadd.s32 $0x180, v2  }
0x425: {  	v28 =	vld.idx.msk [tilespmem:v30+s5+$0x0], $0xffff;
	[tilespmem:s0+$0x280] =	vst v19  }
0x426: {  	[tilespmem:s3+$0x300] =	vst v32;
	v17 =	vld.idx.msk [tilespmem:v12+s5+$0x0], $0xffff;
	v12 =	vmov v15  }
.Ltmp21:
0x427: {  	v15 =	vld.idx.msk [tilespmem:v13+s5+$0x0], $0xffff;
	[tilespmem:s1+$0x380] =	vst v20;
	v13 =	vmov v39;
	s1 =	smov.u32 s11;
	(pc) =	sbr.rel @p1 .LBB2_40-.Ltmp21, $4  }
0x428: {  	[tilespmem:s1+$0x100] =	vst v22;
	v16 =	vld.idx.msk [tilespmem:v7+s5+$0x0], $0xffff;
	v7 =	vmov v18  }
0x429: {  	[tilespmem:s8+$0x100] =	vst v23;
	v19 =	vld.idx.msk [tilespmem:v26+s5+$0x0], $0xffff  }
0x42a: {  	v18 =	vld.idx.msk [tilespmem:v24+s5+$0x0], $0xffff;
	[tilespmem:s6+$0x100] =	vst v25  }
0x42b: {  	s9 =	sadd.s32 $0x200, s9;
	s10 =	sadd.s32 $0x40, s10;
	v22 =	vadd.s32 $0x200, v2;
	v20 =	vld.idx.msk [tilespmem:v27+s5+$0x0], $0xffff;
	[tilespmem:s7+$0x100] =	vst v28  }
0x42c: {  	s9 =	smov.u32 s2;
	s2 =	smov.u32 s6;
	s6 =	rddreg [dreg:$0x4]  }
0x42d: {  	s10 =	smov.u32 s0;
	s0 =	smov.u32 s7;
	s7 =	rddreg [dreg:$0x8]  }
0x42e: {  	s11 =	smov.u32 s3;
	s3 =	smov.u32 s8;
	s8 =	rddreg [dreg:$0x9]  }
0x42f: {  	v23 =	vmovc v1;
	v24 =	vmovc v0;
	v1 =	vmov v21;
	v0 =	vmov v14;
	s4 =	smov.u32 s1;
	v14 =	vmov v2;
	s1 =	rddreg [dreg:$0xa]  }
.LBB2_42:
0x430: {  	_ =	sdelay $0x3  }
0x431: {  	v2 =	vld.idx.msk [tilespmem:v8+s5+$0x0], $0xffff;
	_ =	sdelay $0x1  }
0x432: {  	[tilespmem:s4+$0x180] =	vst v19  }
0x433: {  	[tilespmem:s3+$0x180] =	vst v18;
	v51 =	vld.idx.msk [tilespmem:v22+s5+$0x0], $0xffff  }
0x434: {  	[tilespmem:s2+$0x180] =	vst v20;
	v52 =	vadd.s32 $0x280, v14;
	v5 =	vld.idx.msk [tilespmem:v5+s5+$0x0], $0xffff  }
0x435: {  	v53 =	vld.idx.msk [tilespmem:v3+s5+$0x0], $0xffff;
	[tilespmem:s0+$0x180] =	vst v2  }
0x436: {  	v54 =	vld.idx.msk [tilespmem:v4+s5+$0x0], $0xffff;
	_ =	sdelay $0x1  }
0x437: {  	[tilespmem:s4+$0x200] =	vst v51  }
0x438: {  	[tilespmem:s3+$0x200] =	vst v5;
	v55 =	vld.idx.msk [tilespmem:v52+s5+$0x0], $0xffff  }
0x439: {  	v56 =	vadd.s32 $0x300, v14;
	[tilespmem:s2+$0x200] =	vst v53;
	v57 =	vld.idx.msk [tilespmem:v9+s5+$0x0], $0xffff  }
0x43a: {  	v58 =	vld.idx.msk [tilespmem:v11+s5+$0x0], $0xffff;
	[tilespmem:s0+$0x200] =	vst v54  }
0x43b: {  	v59 =	vld.idx.msk [tilespmem:v10+s5+$0x0], $0xffff  }
0x43c: {  	[tilespmem:s9+$0x300] =	vst @p0 v17  }
0x43d: {  	[tilespmem:s4+$0x280] =	vst v55  }
0x43e: {  	[tilespmem:s3+$0x280] =	vst v57;
	v4 =	vld.idx.msk [tilespmem:v56+s5+$0x0], $0xffff  }
0x43f: {  	v60 =	vadd.s32 $0x380, v14;
	[tilespmem:s2+$0x280] =	vst v58;
	v61 =	vld.idx.msk [tilespmem:v6+s5+$0x0], $0xffff  }
0x440: {  	v62 =	vld.idx.msk [tilespmem:v12+s5+$0x0], $0xffff;
	[tilespmem:s0+$0x280] =	vst v59  }
0x441: {  	[tilespmem:s10+$0x300] =	vst @p0 v15;
	v63 =	vld.idx.msk [tilespmem:v13+s5+$0x0], $0xffff  }
0x442: {  	[tilespmem:s11+$0x380] =	vst @p0 v16;
	v8 =	vld.idx.msk @p0 [tilespmem:v23+s5+$0x0], $0xffff  }
0x443: {  	v9 =	vld.idx.msk @p0 [tilespmem:v24+s5+$0x0], $0xffff;
	[tilespmem:s4+$0x300] =	vst v4  }
0x444: {  	[tilespmem:s3+$0x300] =	vst v61;
	v2 =	vld.idx.msk [tilespmem:v60+s5+$0x0], $0xffff  }
0x445: {  	[tilespmem:s2+$0x300] =	vst v62;
	v3 =	vld.idx.msk [tilespmem:v7+s5+$0x0], $0xffff  }
0x446: {  	v1 =	vld.idx.msk [tilespmem:v1+s5+$0x0], $0xffff;
	[tilespmem:s0+$0x300] =	vst v63  }
0x447: {  	[tilespmem:s9+$0x380] =	vst @p0 v8;
	v0 =	vld.idx.msk [tilespmem:v0+s5+$0x0], $0xffff  }
0x448: {  	[tilespmem:s10+$0x380] =	vst @p0 v9;
	p0 =	sne.s32 s7, $0x19  }
.Ltmp22:
0x449: {  	s1 =	sshll.u32 s1, $0x14;
	[tilespmem:s4+$0x380] =	vst v2;
	(pc) =	sbr.rel @p0 .LBB2_2-.Ltmp22, $4  }
.Ltmp23:
0x44a: {  	s1 =	sor.u32 s6, s1;
	[tilespmem:s3+$0x380] =	vst v3;
	(pc) =	sbr.rel @!p0 .LBB2_43-.Ltmp23, $4  }
0x44b: {  	s28 =	sadd.s32 $0x3, s8;
	s29 =	rddreg [dreg:$0x2];
	s1 =	sshrl.u32 s1, $0x3;
	[tilespmem:s2+$0x380] =	vst v1  }
0x44c: {  	s30 =	simm.s32 $0x1000;
	s31 =	simm.s32 $0x20000;
	s1 =	sadd.s32 s29, s1;
	[tilespmem:s0+$0x380] =	vst v0  }
0x44d: {  	[hbm4b:s1+s30] =	stream.strided.scatter [tilespmem:s19], [sflag:s28], $0x8000, s31, s30, $0x38;
	[tilespmem:$0x12400] =	vst v63  }
0x44e: {  	_ = 	snop  }
.LBB2_7:
.Ltmp24:
0x44f: {  	(pc) =	sbr.rel .LBB2_12-.Ltmp24, $2  }
0x450: {  	_ =	sdelay $0x2  }
0x451: {  	p2 =	por $0x0, $0x0  }
.LBB2_13:
.Ltmp25:
0x452: {  	(pc) =	sbr.rel .LBB2_18-.Ltmp25, $2  }
0x453: {  	_ =	sdelay $0x2  }
0x454: {  	_ = 	snop  }
.LBB2_19:
.Ltmp26:
0x455: {  	(pc) =	sbr.rel .LBB2_24-.Ltmp26, $2  }
0x456: {  	_ =	sdelay $0x2  }
0x457: {  	p2 =	por $0x0, $0x0  }
.LBB2_25:
.Ltmp27:
0x458: {  	(pc) =	sbr.rel .LBB2_30-.Ltmp27, $2  }
0x459: {  	_ =	sdelay $0x2  }
0x45a: {  	_ = 	snop  }
.LBB2_31:
.Ltmp28:
0x45b: {  	(pc) =	sbr.rel .LBB2_36-.Ltmp28, $2  }
0x45c: {  	_ =	sdelay $0x2  }
0x45d: {  	p2 =	por $0x0, $0x0  }
.LBB2_37:
.Ltmp29:
0x45e: {  	(pc) =	sbr.rel .LBB2_42-.Ltmp29, $4  }
0x45f: {  	s6 =	rddreg [dreg:$0x4]  }
0x460: {  	s7 =	rddreg [dreg:$0x8]  }
0x461: {  	s8 =	rddreg [dreg:$0x9]  }
0x462: {  	s1 =	rddreg [dreg:$0xa]  }
.LBB2_9:
.Ltmp30:
0x463: {  	(pc) =	sbr.rel .LBB2_12-.Ltmp30, $4  }
0x464: {  	s11 =	smov.u32 s2  }
0x465: {  	s12 =	smov.u32 s10;
	s13 =	smov.u32 s7;
	s4 =	smov.u32 s1  }
0x466: {  	s7 =	smov.u32 s9;
	s2 =	smov.u32 s6;
	s10 =	smov.u32 s8  }
0x467: {  	v23 =	vmovc v1;
	v24 =	vmovc v0;
	v1 =	vmov v22;
	v0 =	vmov v14;
	v14 =	vmov v2;
	s3 =	rddreg [dreg:$0xb];
	s1 =	simm.s32 $0x200;
	s6 =	simm.s32 $0x40  }
.LBB2_15:
.Ltmp31:
0x468: {  	(pc) =	sbr.rel .LBB2_18-.Ltmp31, $4  }
0x469: {  	_ = 	snop  }
0x46a: {  	s9 =	smov.u32 s22;
	s10 =	smov.u32 s0  }
0x46b: {  	s11 =	smov.u32 s2;
	s3 =	simm.s32 $0x0;
	s4 =	smov.u32 s1  }
0x46c: {  	v23 =	vmovc v1;
	v24 =	vmovc v0;
	v1 =	vmov v21;
	v0 =	vmov v14;
	s2 =	smov.u32 s8;
	s22 =	smov.u32 s6;
	s0 =	smov.u32 s7;
	v14 =	vmov v2  }
.LBB2_21:
.Ltmp32:
0x46d: {  	(pc) =	sbr.rel .LBB2_24-.Ltmp32, $4  }
0x46e: {  	s11 =	smov.u32 s2  }
0x46f: {  	s12 =	smov.u32 s10;
	s2 =	smov.u32 s6;
	s6 =	rddreg [dreg:$0xc]  }
0x470: {  	s13 =	smov.u32 s7;
	s10 =	smov.u32 s8;
	s8 =	rddreg [dreg:$0xe]  }
0x471: {  	v23 =	vmovc v1;
	v24 =	vmovc v0;
	v1 =	vmov v22;
	v0 =	vmov v14;
	s4 =	smov.u32 s1;
	s7 =	smov.u32 s9;
	v14 =	vmov v2;
	s9 =	rddreg [dreg:$0x10]  }
.LBB2_27:
.Ltmp33:
0x472: {  	(pc) =	sbr.rel .LBB2_30-.Ltmp33, $4  }
0x473: {  	_ = 	snop  }
0x474: {  	s10 =	smov.u32 s3;
	s11 =	smov.u32 s0  }
0x475: {  	s12 =	smov.u32 s2;
	s4 =	simm.s32 $0x0;
	s6 =	smov.u32 s1  }
0x476: {  	v23 =	vmovc v1;
	v24 =	vmovc v0;
	v1 =	vmov v21;
	v0 =	vmov v14;
	s2 =	smov.u32 s9;
	s3 =	smov.u32 s7;
	s0 =	smov.u32 s8;
	v14 =	vmov v2  }
.LBB2_33:
.Ltmp34:
0x477: {  	(pc) =	sbr.rel .LBB2_36-.Ltmp34, $4  }
0x478: {  	s11 =	smov.u32 s2  }
0x479: {  	s12 =	smov.u32 s10;
	s2 =	smov.u32 s6;
	s6 =	rddreg [dreg:$0xd]  }
0x47a: {  	s13 =	smov.u32 s7;
	s10 =	smov.u32 s8;
	s8 =	rddreg [dreg:$0xf]  }
0x47b: {  	v23 =	vmovc v1;
	v24 =	vmovc v0;
	v1 =	vmov v22;
	v0 =	vmov v14;
	s4 =	smov.u32 s1;
	s7 =	smov.u32 s9;
	v14 =	vmov v2;
	s9 =	rddreg [dreg:$0x11]  }
.LBB2_39:
.Ltmp35:
0x47c: {  	(pc) =	sbr.rel .LBB2_42-.Ltmp35, $4  }
0x47d: {  	s9 =	smov.u32 s2;
	s2 =	smov.u32 s6;
	s6 =	rddreg [dreg:$0x4]  }
0x47e: {  	s10 =	smov.u32 s0;
	s0 =	smov.u32 s7;
	s7 =	rddreg [dreg:$0x8]  }
0x47f: {  	s11 =	smov.u32 s3;
	s3 =	smov.u32 s8;
	s8 =	rddreg [dreg:$0x9]  }
0x480: {  	v23 =	vmovc v1;
	v24 =	vmovc v0;
	v1 =	vmov v21;
	v0 =	vmov v14;
	s4 =	smov.u32 s1;
	v14 =	vmov v2;
	s1 =	rddreg [dreg:$0xa]  }
.LBB2_44:
0x481: {  	_ =	sfence.sel $0x180000  }
0x482: {  	[bflag:$0x0] =	sbarrier.arrive $0xFFFF  }
0x483: {  	_ =	strace $0x90000047  }
0x484: {  	s0 =	stileid.u32;
	[bflag:$0x2] =	sbarrier.arrive $0xFFFF  }
0x485: {  	p0 =	sne.s32 s0, $0x0;
	s0 =	rddreg [dreg:$0x3]  }
0x486: {  	s0 =	sadd.s32 @!p0 $0x100000, s0  }
0x487: {  	[sflag:s0] =	ssyncadd.tile.s32 @!p0 $0x1;
	_ =	shalt  }
.Lfunc_end2:
_tile_overlayer_lowered:
.L_overlay_start_2:
0x488: {  	(tag) =	ssettag $0x2  }
0x489: {  	s0 =	rddreg [dreg:$0x0];
	s2 =	stileid.u32  }
0x48a: {  	s1 =	rddreg [dreg:$0x1];
	p0 =	sne.s32 s2, $0x0  }
0x48b: {  	s3 =	rddreg [dreg:$0x2];
	[bflag:$0x3] =	sbarrier.arrive $0xFFFF;
	s2 =	simm.s32 @!p0 $0x1C05  }
0x48c: {  	[timem:s3], [sflag:s2] =	dma.local @!p0 [hbm:s0], s1  }
0x48d: {  	s0 =	simm.s32 @!p0 $0x5  }
0x48e: {  	_ =	swait.ge @!p0 [sflag:s0], s1  }
0x48f: {  	s1 =	ssub.s32 @!p0 $0x0, s1;
	[sflag:s0] =	ssyncset.done @!p0 $0x0  }
0x490: {  	[sflag:s0] =	ssyncadd.s32 @!p0 s1  }
0x491: {  	[bflag:$0x3] =	sbarrier.arrive $0xFFFF  }
0x492: {  	_ =	shalt  }

</sc_bundles>
